<compile_context>
chip_gen: v7x
topology: tpu7x:2x2x1
jax: 0.10.2.dev20260603
libtpu: 0.0.44.dev20260713+nightly
codegen_flags: <defaults>
</compile_context>

<pallas_src>
import functools
import math

import jax
import jax.numpy as jnp
import numpy as np
from jax import lax
from jax.experimental import pallas as pl
from jax.experimental.pallas import tpu as pltpu
from jax.experimental.pallas import tpu_sc as plsc

_SAMPLE_RATIO = 0.25
_K = 32


def _q_kernel(coords_ref, feats_ref, w1c_ref, w1f_ref, b1_ref, q_ref):
    c = coords_ref[...]
    f = feats_ref[...]
    q = lax.dot(f, w1f_ref[...], precision=jax.lax.Precision.DEFAULT)
    q += lax.dot(c, w1c_ref[...], precision=jax.lax.Precision.DEFAULT)
    q_ref[...] = q + b1_ref[...]


def _compute_q(coords2d, feats2d, W1c, W1f, b1, blk=2048):
    BN = coords2d.shape[0]
    C_out = W1f.shape[1]
    return pl.pallas_call(
        _q_kernel,
        grid=(BN // blk,),
        in_specs=[
            pl.BlockSpec((blk, 8), lambda i: (i, 0)),
            pl.BlockSpec((blk, feats2d.shape[1]), lambda i: (i, 0)),
            pl.BlockSpec((8, C_out), lambda i: (0, 0)),
            pl.BlockSpec((feats2d.shape[1], C_out), lambda i: (0, 0)),
            pl.BlockSpec((1, C_out), lambda i: (0, 0)),
        ],
        out_specs=pl.BlockSpec((blk, C_out), lambda i: (i, 0)),
        out_shape=jax.ShapeDtypeStruct((BN, C_out), jnp.float32),
    )(coords2d, feats2d, W1c, W1f, b1)


def _topk_kernel(samp_ref, coords_ref, knn_ref, *, n, k, s_blk):
    b = pl.program_id(0)
    s = samp_ref[...]
    ct = coords_ref[0]

    cross = None
    for d in range(3):
        sh = s[:, d:d + 1].astype(jnp.bfloat16).astype(jnp.float32)
        xh = ct[d:d + 1, :].astype(jnp.bfloat16).astype(jnp.float32)
        t = sh * xh
        cross = t if cross is None else cross + t
    sn = jnp.sum(s * s, axis=1, keepdims=True)
    cn = jnp.sum(ct * ct, axis=0)[None, :]
    d2 = sn + (cn - 2.0 * cross)
    d2 = jnp.maximum(d2, 0.0)
    iota = lax.broadcasted_iota(jnp.int32, (s_blk, n), 1)
    key = (d2.view(jnp.int32) & jnp.int32(~4095)) | iota
    base = b * n
    big = jnp.int32(2**31 - 1)

    R = 6
    nch = n // 128
    chunks = [key[:, c * 128:(c + 1) * 128] for c in range(nch)]
    cand = []
    for r in range(R):
        f = chunks[0]
        for c in range(1, nch):
            f = jnp.minimum(f, chunks[c])
        cand.append(f)
        if r < R - 1:
            chunks = [jnp.where(ch == f, big, ch) for ch in chunks]

    for j in range(k):
        m = cand[0]
        for r in range(1, R):
            m = jnp.minimum(m, cand[r])
        mrow = jnp.min(m, axis=1, keepdims=True)
        knn_ref[0, j, :] = (mrow[:, 0] & 4095) + base
        cand = [jnp.where(cr == mrow, big, cr) for cr in cand]


def _compute_knn(sampled2d, coords_t, B, S, N, s_blk=256):
    kern = functools.partial(_topk_kernel, n=N, k=_K, s_blk=s_blk)
    return pl.pallas_call(
        kern,
        grid=(B, S // s_blk),
        in_specs=[
            pl.BlockSpec((s_blk, 8), lambda b, i: (b * (S // s_blk) + i, 0)),
            pl.BlockSpec((1, 8, N), lambda b, i: (b, 0, 0)),
        ],
        out_specs=pl.BlockSpec((1, _K, s_blk), lambda b, i: (b, 0, i)),
        out_shape=jax.ShapeDtypeStruct((B, _K, S), jnp.int32),
    )(sampled2d, coords_t)


def _make_sc_gather(n_rows_out, D, chunk=128):
    info = plsc.get_sparse_core_info()
    num_cores = info.num_cores
    nw = num_cores * info.num_subcores
    per_w = n_rows_out // nw
    nchunk = per_w // chunk
    mesh = plsc.VectorSubcoreMesh(core_axis_name="c", subcore_axis_name="s")

    @functools.partial(
        pl.kernel,
        mesh=mesh,
        out_type=jax.ShapeDtypeStruct((n_rows_out, D), jnp.float32),
        scratch_types=[
            pltpu.VMEM((per_w,), jnp.int32),
            pltpu.VMEM((chunk, D), jnp.float32),
            pltpu.VMEM((chunk, D), jnp.float32),
            pltpu.SemaphoreType.DMA,
            pltpu.SemaphoreType.DMA,
        ],
    )
    def gather(idx_hbm, table_hbm, out_hbm, idx_v, buf0, buf1, sem0, sem1):
        wid = lax.axis_index("s") * num_cores + lax.axis_index("c")
        base = wid * per_w
        pltpu.sync_copy(idx_hbm.at[pl.ds(base, per_w)], idx_v)

        def body(i, _):
            c0 = i * 2 * chunk
            cp0 = pltpu.async_copy(
                table_hbm.at[idx_v.at[pl.ds(c0, chunk)]], buf0, sem0)
            cp1 = pltpu.async_copy(
                table_hbm.at[idx_v.at[pl.ds(c0 + chunk, chunk)]], buf1, sem1)
            cp0.wait()
            pltpu.sync_copy(buf0, out_hbm.at[pl.ds(base + c0, chunk)])
            cp1.wait()
            pltpu.sync_copy(buf1, out_hbm.at[pl.ds(base + c0 + chunk, chunk)])
            return ()

        lax.fori_loop(0, nchunk // 2, body, (), unroll=False)

    return gather


def _gelu_exact(x):
    return 0.5 * x * (1.0 + lax.erf(x * np.float32(1.0 / np.sqrt(2.0))))


def _mlp_kernel(g_ref, samp_ref, w1c_ref, w2_ref, b2_ref, out_ref, *, k, s_blk, c_out):
    p = lax.dot(samp_ref[...], w1c_ref[...],
                precision=jax.lax.Precision.DEFAULT)
    h1 = _gelu_exact(g_ref[...].astype(jnp.float32)
                     - p[None, :, :]).reshape(k * s_blk, c_out)
    h2 = _gelu_exact(
        lax.dot(h1, w2_ref[...], precision=jax.lax.Precision.DEFAULT)
        + b2_ref[...])
    acc = h2[0:s_blk]
    for j in range(1, k):
        acc = jnp.maximum(acc, h2[j * s_blk:(j + 1) * s_blk])
    out_ref[...] = acc


def _compute_mlp(G, sampled2d, W1c, W2, b2, BS, C_out, s_blk=128):
    kern = functools.partial(_mlp_kernel, k=_K, s_blk=s_blk, c_out=C_out)
    return pl.pallas_call(
        kern,
        grid=(BS // s_blk,),
        in_specs=[
            pl.BlockSpec((_K, s_blk, C_out), lambda i: (0, i, 0)),
            pl.BlockSpec((s_blk, 8), lambda i: (i, 0)),
            pl.BlockSpec((8, C_out), lambda i: (0, 0)),
            pl.BlockSpec((C_out, C_out), lambda i: (0, 0)),
            pl.BlockSpec((1, C_out), lambda i: (0, 0)),
        ],
        out_specs=pl.BlockSpec((s_blk, C_out), lambda i: (i, 0)),
        out_shape=jax.ShapeDtypeStruct((BS, C_out), jnp.float32),
    )(G, sampled2d, W1c, W2, b2)


def kernel(coords, features, W1, b1, W2, b2):
    B, N, _ = coords.shape
    C_in = features.shape[-1]
    C_out = W2.shape[-1]
    S = max(1, int(math.ceil(N * _SAMPLE_RATIO)))
    if S == N:
        idx = jnp.arange(N, dtype=jnp.int32)
    else:
        idx = jnp.round(jnp.linspace(0.0, N - 1, S)).astype(jnp.int32)

    sampled = coords[:, idx, :]

    pad = jnp.zeros((B, N, 5), jnp.float32)
    coords_p = jnp.concatenate([coords, pad], axis=-1)
    sampled_p = coords_p[:, idx, :]
    W1c = jnp.concatenate([W1[:3], jnp.zeros((5, C_out), jnp.float32)], axis=0)
    W1f = W1[3:]

    Q = _compute_q(coords_p.reshape(B * N, 8),
                   features.reshape(B * N, C_in), W1c, W1f,
                   b1.reshape(1, C_out))

    knn = _compute_knn(sampled_p.reshape(B * S, 8),
                       jnp.transpose(coords_p, (0, 2, 1)), B, S, N)
    gidx = jnp.transpose(knn, (1, 0, 2)).reshape(_K * B * S)

    G = _make_sc_gather(_K * B * S, C_out)(gidx, Q)
    G = G.reshape(_K, B * S, C_out)

    pooled = _compute_mlp(G, sampled_p.reshape(B * S, 8), W1c, W2,
                          b2.reshape(1, C_out), B * S, C_out)
    return sampled, pooled.reshape(B, S, C_out)

# --- scband reference (transcript-rebuilt; emitter-appended) ---
"""Pipeline reference for scband-set-abstraction-layer-34892314313401 (READ-ONLY COPY).

The authoritative reference and input builder live on the scoring server;
editing this copy changes nothing except your own understanding.
"""

import jax, jax.numpy as jnp
import numpy as np
import math

SAMPLE_RATIO = 0.25
K = 32


def setup_inputs(seed: int = 0) -> dict:
    key = jax.random.key(seed)
    k1, k2, k3, k4 = jax.random.split(key, 4)
    B, N, C_in, C_out = 4, 4096, 128, 256
    coords = jax.random.normal(k1, (B, N, 3), dtype=jnp.float32)
    features = jax.random.normal(k2, (B, N, C_in), dtype=jnp.float32)
    # mlp params: Linear(C_in+3 -> C_out), GELU, Linear(C_out -> C_out), GELU
    W1 = jax.random.normal(k3, (C_in + 3, C_out), dtype=jnp.float32) * 0.05
    b1 = jnp.zeros((C_out,), dtype=jnp.float32)
    W2 = jax.random.normal(k4, (C_out, C_out), dtype=jnp.float32) * 0.05
    b2 = jnp.zeros((C_out,), dtype=jnp.float32)
    return {"coords": coords, "features": features, "W1": W1, "b1": b1, "W2": W2, "b2": b2}


def reference(coords, features, W1, b1, W2, b2):
    B, N, _ = coords.shape
    sample_count = max(1, int(math.ceil(N * SAMPLE_RATIO)))
    # _sample_centroids: evenly spaced indices (linspace + round)
    if sample_count == N:
        idx = jnp.arange(N, dtype=jnp.int32)
    else:
        idx = jnp.round(jnp.linspace(0.0, N - 1, sample_count)).astype(jnp.int32)
    sampled = coords[:, idx, :]  # (B, S, 3)
    # squared euclidean distance (same ranking as torch.cdist p=2)
    d2 = (jnp.sum(sampled ** 2, axis=-1)[:, :, None]
          + jnp.sum(coords ** 2, axis=-1)[:, None, :]
          - 2.0 * jnp.einsum('bsd,bnd->bsn', sampled, coords))
    kk = min(K, N)
    _, knn_idx = jax.lax.top_k(-d2, kk)  # smallest distances -> (B, S, kk)
    b_idx = jnp.arange(B)[:, None, None]
    grouped_coords = coords[b_idx, knn_idx]          # (B, S, kk, 3)
    rel = grouped_coords - sampled[:, :, None, :]
    grouped_feats = features[b_idx, knn_idx]         # (B, S, kk, C_in)
    gf = jnp.concatenate([rel, grouped_feats], axis=-1)
    h = jax.nn.gelu(gf @ W1 + b1, approximate=False)
    h = jax.nn.gelu(h @ W2 + b2, approximate=False)
    pooled = jnp.max(h, axis=2)                      # (B, S, C_out)
    return sampled, pooled

if __name__ == "__main__":
    import jax
    _d = setup_inputs()
    print(jax.jit(kernel)(*tuple(_d.values())))

</pallas_src>

<mosaic_0001>
#map = affine_map<(d0, d1) -> (0)>
#map1 = affine_map<(d0, d1) -> (0, 0)>
module attributes {stable_mosaic.version = 14 : i64} {
  func.func @gather(%arg0: i32, %arg1: i32, %arg2: memref<131072xi32, #tpu.memory_space<hbm>>, %arg3: memref<16384x256xf32, #tpu.memory_space<hbm>>, %arg4: memref<131072x256xf32, #tpu.memory_space<hbm>>, %arg5: memref<4096xi32, #tpu.memory_space<vmem>>, %arg6: memref<128x256xf32, #tpu.memory_space<vmem>>, %arg7: memref<128x256xf32, #tpu.memory_space<vmem>>, %arg8: memref<!tpu.dma_semaphore, #tpu.memory_space<semaphore_mem>>, %arg9: memref<!tpu.dma_semaphore, #tpu.memory_space<semaphore_mem>>) attributes {dimension_semantics = [#tpu.dimension_semantics<core_parallel>, #tpu.dimension_semantics<subcore_parallel>], iteration_bounds = array<i64: 2, 16>, scalar_prefetch = 0 : i64, scratch_operands = 5 : i64, tpu.core_type = #tpu.core_type<sc_vector_subcore>, window_params = [{transform_indices = #map}, {transform_indices = #map1}, {transform_indices = #map1}]} {
    %mul3A = arith.constant 2 : i32
    %mul3A_0 = arith.muli %arg1, %mul3A : i32
    %add3A = arith.addi %mul3A_0, %arg0 : i32
    %mul3A_1 = arith.constant 4096 : i32
    %mul3A_2 = arith.muli %add3A, %mul3A_1 : i32
    "tpu.region"() ({
      %run_scoped3A = tpu.sem_alloc : memref<!tpu.dma_semaphore, #tpu.memory_space<semaphore_mem>>
      %dma_start3A = tpu.memref_slice %arg2[%mul3A_2] : memref<131072xi32, #tpu.memory_space<hbm>> -> memref<4096xi32, #tpu.memory_space<hbm>>
      %dma_start3A_7 = tpu.memref_slice %arg2[%mul3A_2] : memref<131072xi32, #tpu.memory_space<hbm>> -> memref<4096xi32, #tpu.memory_space<hbm>>
      tpu.enqueue_dma source(%dma_start3A_7 : memref<4096xi32, #tpu.memory_space<hbm>>) target(%arg5 : memref<4096xi32, #tpu.memory_space<vmem>>) target_semaphore(%run_scoped3A : memref<!tpu.dma_semaphore, #tpu.memory_space<semaphore_mem>>)
      %dma_wait3A = tpu.memref_slice %arg2[%mul3A_2] : memref<131072xi32, #tpu.memory_space<hbm>> -> memref<4096xi32, #tpu.memory_space<hbm>>
      %dma_wait3A_8 = tpu.memref_slice %arg2[%mul3A_2] : memref<131072xi32, #tpu.memory_space<hbm>> -> memref<4096xi32, #tpu.memory_space<hbm>>
      tpu.wait_dma2 semaphore(%run_scoped3A : memref<!tpu.dma_semaphore, #tpu.memory_space<semaphore_mem>>) src(%dma_wait3A_8 : memref<4096xi32, #tpu.memory_space<hbm>>) dst(%arg5 : memref<4096xi32, #tpu.memory_space<vmem>>)
      tpu.yield
    }) : () -> ()
    %scan3A = arith.constant 0 : i32
    %scan3A_3 = arith.constant 16 : i32
    %scan3A_4 = arith.addi %scan3A, %scan3A_3 : i32
    %scan3A_5 = arith.constant 1 : i32
    scf.for %scan3A_7 = %scan3A to %scan3A_4 step %scan3A_5  : i32 {
      %mul3A_8 = arith.constant 2 : i32
      %mul3A_9 = arith.muli %scan3A_7, %mul3A_8 : i32
      %mul3A_10 = arith.constant 128 : i32
      %mul3A_11 = arith.muli %mul3A_9, %mul3A_10 : i32
      %dma_start3A = tpu.memref_slice %arg5[%mul3A_11] : memref<4096xi32, #tpu.memory_space<vmem>> -> memref<128xi32, #tpu.memory_space<vmem>>
      %dma_start3A_12 = arith.constant 0 : i32
      %dma_start3A_13 = arith.constant 0 : i32
      %dma_start3A_14 = tpu.memref_slice %arg3[%dma_start3A_12, %dma_start3A_13] : memref<16384x256xf32, #tpu.memory_space<hbm>> -> memref<16384x256xf32, #tpu.memory_space<hbm>>
      tpu.enqueue_indirect_dma source(%dma_start3A_14 : memref<16384x256xf32, #tpu.memory_space<hbm>>) target(%arg6 : memref<128x256xf32, #tpu.memory_space<vmem>>) offsets(%dma_start3A : memref<128xi32, #tpu.memory_space<vmem>>) semaphore(%arg8 : memref<!tpu.dma_semaphore, #tpu.memory_space<semaphore_mem>>)
      %add3A_15 = arith.constant 128 : i32
      %add3A_16 = arith.addi %mul3A_11, %add3A_15 : i32
      %dma_start3A_17 = tpu.memref_slice %arg5[%add3A_16] : memref<4096xi32, #tpu.memory_space<vmem>> -> memref<128xi32, #tpu.memory_space<vmem>>
      %dma_start3A_18 = arith.constant 0 : i32
      %dma_start3A_19 = arith.constant 0 : i32
      %dma_start3A_20 = tpu.memref_slice %arg3[%dma_start3A_18, %dma_start3A_19] : memref<16384x256xf32, #tpu.memory_space<hbm>> -> memref<16384x256xf32, #tpu.memory_space<hbm>>
      tpu.enqueue_indirect_dma source(%dma_start3A_20 : memref<16384x256xf32, #tpu.memory_space<hbm>>) target(%arg7 : memref<128x256xf32, #tpu.memory_space<vmem>>) offsets(%dma_start3A_17 : memref<128xi32, #tpu.memory_space<vmem>>) semaphore(%arg9 : memref<!tpu.dma_semaphore, #tpu.memory_space<semaphore_mem>>)
      %dma_wait3A = tpu.memref_slice %arg5[%mul3A_11] : memref<4096xi32, #tpu.memory_space<vmem>> -> memref<128xi32, #tpu.memory_space<vmem>>
      %dma_wait3A_21 = arith.constant 0 : i32
      %dma_wait3A_22 = arith.constant 0 : i32
      %dma_wait3A_23 = tpu.memref_slice %arg3[%dma_wait3A_21, %dma_wait3A_22] : memref<16384x256xf32, #tpu.memory_space<hbm>> -> memref<16384x256xf32, #tpu.memory_space<hbm>>
      tpu.wait_indirect_dma semaphore(%arg8 : memref<!tpu.dma_semaphore, #tpu.memory_space<semaphore_mem>>) src(%dma_wait3A_23 : memref<16384x256xf32, #tpu.memory_space<hbm>>) dst(%arg6 : memref<128x256xf32, #tpu.memory_space<vmem>>)
      %add3A_24 = arith.addi %mul3A_2, %mul3A_11 : i32
      "tpu.region"() ({
        %run_scoped3A = tpu.sem_alloc : memref<!tpu.dma_semaphore, #tpu.memory_space<semaphore_mem>>
        %dma_start3A_32 = arith.constant 0 : i32
        %dma_start3A_33 = tpu.memref_slice %arg4[%add3A_24, %dma_start3A_32] : memref<131072x256xf32, #tpu.memory_space<hbm>> -> memref<128x256xf32, #tpu.memory_space<hbm>>
        %dma_start3A_34 = arith.constant 0 : i32
        %dma_start3A_35 = tpu.memref_slice %arg4[%add3A_24, %dma_start3A_34] : memref<131072x256xf32, #tpu.memory_space<hbm>> -> memref<128x256xf32, #tpu.memory_space<hbm>>
        tpu.enqueue_dma source(%arg6 : memref<128x256xf32, #tpu.memory_space<vmem>>) target(%dma_start3A_35 : memref<128x256xf32, #tpu.memory_space<hbm>>) target_semaphore(%run_scoped3A : memref<!tpu.dma_semaphore, #tpu.memory_space<semaphore_mem>>)
        %dma_wait3A_36 = arith.constant 0 : i32
        %dma_wait3A_37 = tpu.memref_slice %arg4[%add3A_24, %dma_wait3A_36] : memref<131072x256xf32, #tpu.memory_space<hbm>> -> memref<128x256xf32, #tpu.memory_space<hbm>>
        %dma_wait3A_38 = arith.constant 0 : i32
        %dma_wait3A_39 = tpu.memref_slice %arg4[%add3A_24, %dma_wait3A_38] : memref<131072x256xf32, #tpu.memory_space<hbm>> -> memref<128x256xf32, #tpu.memory_space<hbm>>
        tpu.wait_dma2 semaphore(%run_scoped3A : memref<!tpu.dma_semaphore, #tpu.memory_space<semaphore_mem>>) src(%arg6 : memref<128x256xf32, #tpu.memory_space<vmem>>) dst(%dma_wait3A_39 : memref<128x256xf32, #tpu.memory_space<hbm>>)
        tpu.yield
      }) : () -> ()
      %dma_wait3A_25 = tpu.memref_slice %arg5[%add3A_16] : memref<4096xi32, #tpu.memory_space<vmem>> -> memref<128xi32, #tpu.memory_space<vmem>>
      %dma_wait3A_26 = arith.constant 0 : i32
      %dma_wait3A_27 = arith.constant 0 : i32
      %dma_wait3A_28 = tpu.memref_slice %arg3[%dma_wait3A_26, %dma_wait3A_27] : memref<16384x256xf32, #tpu.memory_space<hbm>> -> memref<16384x256xf32, #tpu.memory_space<hbm>>
      tpu.wait_indirect_dma semaphore(%arg9 : memref<!tpu.dma_semaphore, #tpu.memory_space<semaphore_mem>>) src(%dma_wait3A_28 : memref<16384x256xf32, #tpu.memory_space<hbm>>) dst(%arg7 : memref<128x256xf32, #tpu.memory_space<vmem>>)
      %add3A_29 = arith.addi %mul3A_2, %mul3A_11 : i32
      %add3A_30 = arith.constant 128 : i32
      %add3A_31 = arith.addi %add3A_29, %add3A_30 : i32
      "tpu.region"() ({
        %run_scoped3A = tpu.sem_alloc : memref<!tpu.dma_semaphore, #tpu.memory_space<semaphore_mem>>
        %dma_start3A_32 = arith.constant 0 : i32
        %dma_start3A_33 = tpu.memref_slice %arg4[%add3A_31, %dma_start3A_32] : memref<131072x256xf32, #tpu.memory_space<hbm>> -> memref<128x256xf32, #tpu.memory_space<hbm>>
        %dma_start3A_34 = arith.constant 0 : i32
        %dma_start3A_35 = tpu.memref_slice %arg4[%add3A_31, %dma_start3A_34] : memref<131072x256xf32, #tpu.memory_space<hbm>> -> memref<128x256xf32, #tpu.memory_space<hbm>>
        tpu.enqueue_dma source(%arg7 : memref<128x256xf32, #tpu.memory_space<vmem>>) target(%dma_start3A_35 : memref<128x256xf32, #tpu.memory_space<hbm>>) target_semaphore(%run_scoped3A : memref<!tpu.dma_semaphore, #tpu.memory_space<semaphore_mem>>)
        %dma_wait3A_36 = arith.constant 0 : i32
        %dma_wait3A_37 = tpu.memref_slice %arg4[%add3A_31, %dma_wait3A_36] : memref<131072x256xf32, #tpu.memory_space<hbm>> -> memref<128x256xf32, #tpu.memory_space<hbm>>
        %dma_wait3A_38 = arith.constant 0 : i32
        %dma_wait3A_39 = tpu.memref_slice %arg4[%add3A_31, %dma_wait3A_38] : memref<131072x256xf32, #tpu.memory_space<hbm>> -> memref<128x256xf32, #tpu.memory_space<hbm>>
        tpu.wait_dma2 semaphore(%run_scoped3A : memref<!tpu.dma_semaphore, #tpu.memory_space<semaphore_mem>>) src(%arg7 : memref<128x256xf32, #tpu.memory_space<vmem>>) dst(%dma_wait3A_39 : memref<128x256xf32, #tpu.memory_space<hbm>>)
        tpu.yield
      }) : () -> ()
    }
    %scan3A_6 = arith.constant 16 : i32
    return
  }
}

module attributes {stable_mosaic.version = 14 : i64} {
  func.func @_topk_kernel(%arg0: i32, %arg1: i32, %arg2: memref<256x8xf32, #tpu.memory_space<vmem>>, %arg3: memref<1x8x4096xf32, #tpu.memory_space<vmem>>, %arg4: memref<1x32x256xi32, #tpu.memory_space<vmem>>) attributes {dimension_semantics = [#tpu.dimension_semantics<arbitrary>, #tpu.dimension_semantics<arbitrary>], iteration_bounds = array<i64: 4, 4>, scalar_prefetch = 0 : i64, scratch_operands = 0 : i64, tpu.core_type = #tpu.core_type<tc>, window_params = [{transform_indices = @transform_0, window_bounds = array<i64: 256, 8>}, {transform_indices = @transform_1, window_bounds = array<i64: 1, 8, 4096>}, {transform_indices = @transform_2, window_bounds = array<i64: 1, 32, 256>}]} {
    %get3A = arith.constant 0 : index
    %get3A_0 = arith.constant 0 : index
    %get3A_1 = vector.load %arg2[%get3A, %get3A_0] : memref<256x8xf32, #tpu.memory_space<vmem>>, vector<256x8xf32>
    %get3A_2 = arith.constant 0 : index
    %get3A_3 = arith.constant 0 : index
    %get3A_4 = arith.constant 0 : index
    %get3A_5 = vector.load %arg3[%get3A_2, %get3A_3, %get3A_4] : memref<1x8x4096xf32, #tpu.memory_space<vmem>>, vector<1x8x4096xf32>
    %get3A_6 = vector.shape_cast %get3A_5 : vector<1x8x4096xf32> to vector<8x4096xf32>
    %slice3A = vector.extract_strided_slice %get3A_1 {offsets = [0, 0], sizes = [256, 1], strides = [1, 1]} : vector<256x8xf32> to vector<256x1xf32>
    %convert_element_type3A = arith.truncf %slice3A : vector<256x1xf32> to vector<256x1xbf16>
    %convert_element_type3A_7 = arith.extf %convert_element_type3A : vector<256x1xbf16> to vector<256x1xf32>
    %slice3A_8 = vector.extract_strided_slice %get3A_6 {offsets = [0, 0], sizes = [1, 4096], strides = [1, 1]} : vector<8x4096xf32> to vector<1x4096xf32>
    %convert_element_type3A_9 = arith.truncf %slice3A_8 : vector<1x4096xf32> to vector<1x4096xbf16>
    %convert_element_type3A_10 = arith.extf %convert_element_type3A_9 : vector<1x4096xbf16> to vector<1x4096xf32>
    %mul3A = vector.broadcast %convert_element_type3A_7 : vector<256x1xf32> to vector<256x4096xf32>
    %mul3A_11 = vector.broadcast %convert_element_type3A_10 : vector<1x4096xf32> to vector<256x4096xf32>
    %mul3A_12 = arith.mulf %mul3A, %mul3A_11 : vector<256x4096xf32>
    %slice3A_13 = vector.extract_strided_slice %get3A_1 {offsets = [0, 1], sizes = [256, 1], strides = [1, 1]} : vector<256x8xf32> to vector<256x1xf32>
    %convert_element_type3A_14 = arith.truncf %slice3A_13 : vector<256x1xf32> to vector<256x1xbf16>
    %convert_element_type3A_15 = arith.extf %convert_element_type3A_14 : vector<256x1xbf16> to vector<256x1xf32>
    %slice3A_16 = vector.extract_strided_slice %get3A_6 {offsets = [1, 0], sizes = [1, 4096], strides = [1, 1]} : vector<8x4096xf32> to vector<1x4096xf32>
    %convert_element_type3A_17 = arith.truncf %slice3A_16 : vector<1x4096xf32> to vector<1x4096xbf16>
    %convert_element_type3A_18 = arith.extf %convert_element_type3A_17 : vector<1x4096xbf16> to vector<1x4096xf32>
    %mul3A_19 = vector.broadcast %convert_element_type3A_15 : vector<256x1xf32> to vector<256x4096xf32>
    %mul3A_20 = vector.broadcast %convert_element_type3A_18 : vector<1x4096xf32> to vector<256x4096xf32>
    %mul3A_21 = arith.mulf %mul3A_19, %mul3A_20 : vector<256x4096xf32>
    %add3A = arith.addf %mul3A_12, %mul3A_21 : vector<256x4096xf32>
    %slice3A_22 = vector.extract_strided_slice %get3A_1 {offsets = [0, 2], sizes = [256, 1], strides = [1, 1]} : vector<256x8xf32> to vector<256x1xf32>
    %convert_element_type3A_23 = arith.truncf %slice3A_22 : vector<256x1xf32> to vector<256x1xbf16>
    %convert_element_type3A_24 = arith.extf %convert_element_type3A_23 : vector<256x1xbf16> to vector<256x1xf32>
    %slice3A_25 = vector.extract_strided_slice %get3A_6 {offsets = [2, 0], sizes = [1, 4096], strides = [1, 1]} : vector<8x4096xf32> to vector<1x4096xf32>
    %convert_element_type3A_26 = arith.truncf %slice3A_25 : vector<1x4096xf32> to vector<1x4096xbf16>
    %convert_element_type3A_27 = arith.extf %convert_element_type3A_26 : vector<1x4096xbf16> to vector<1x4096xf32>
    %mul3A_28 = vector.broadcast %convert_element_type3A_24 : vector<256x1xf32> to vector<256x4096xf32>
    %mul3A_29 = vector.broadcast %convert_element_type3A_27 : vector<1x4096xf32> to vector<256x4096xf32>
    %mul3A_30 = arith.mulf %mul3A_28, %mul3A_29 : vector<256x4096xf32>
    %add3A_31 = arith.addf %add3A, %mul3A_30 : vector<256x4096xf32>
    %mul3A_32 = arith.mulf %get3A_1, %get3A_1 : vector<256x8xf32>
    %reduce_sum3A = arith.constant dense<0.000000e+00> : vector<256xf32>
    %reduce_sum3A_33 = vector.multi_reduction <add>, %mul3A_32, %reduce_sum3A [1] : vector<256x8xf32> to vector<256xf32>
    %broadcast_in_dim3A = vector.shape_cast %reduce_sum3A_33 : vector<256xf32> to vector<256x1xf32>
    %mul3A_34 = arith.mulf %get3A_6, %get3A_6 : vector<8x4096xf32>
    %reduce_sum3A_35 = arith.constant dense<0.000000e+00> : vector<4096xf32>
    %reduce_sum3A_36 = vector.multi_reduction <add>, %mul3A_34, %reduce_sum3A_35 [0] : vector<8x4096xf32> to vector<4096xf32>
    %broadcast_in_dim3A_37 = vector.shape_cast %reduce_sum3A_36 : vector<4096xf32> to vector<1x4096xf32>
    %mul3A_38 = arith.constant 2.000000e+00 : f32
    %mul3A_39 = vector.broadcast %mul3A_38 : f32 to vector<256x4096xf32>
    %mul3A_40 = arith.mulf %mul3A_39, %add3A_31 : vector<256x4096xf32>
    %sub3A = vector.broadcast %broadcast_in_dim3A_37 : vector<1x4096xf32> to vector<256x4096xf32>
    %sub3A_41 = arith.subf %sub3A, %mul3A_40 : vector<256x4096xf32>
    %add3A_42 = vector.broadcast %broadcast_in_dim3A : vector<256x1xf32> to vector<256x4096xf32>
    %add3A_43 = arith.addf %add3A_42, %sub3A_41 : vector<256x4096xf32>
    %max3A = arith.constant 0.000000e+00 : f32
    %max3A_44 = vector.broadcast %max3A : f32 to vector<256x4096xf32>
    %max3A_45 = arith.maximumf %add3A_43, %max3A_44 : vector<256x4096xf32>
    %iota3A = tpu.iota {dimensions = array<i32: 1>} : vector<256x4096xi32>
    %bitcast_convert_type3A = tpu.bitcast %max3A_45 : vector<256x4096xf32> -> vector<256x4096xi32>
    %and3A = arith.constant -4096 : i32
    %and3A_46 = vector.broadcast %and3A : i32 to vector<256x4096xi32>
    %and3A_47 = arith.andi %bitcast_convert_type3A, %and3A_46 : vector<256x4096xi32>
    %or3A = arith.ori %and3A_47, %iota3A : vector<256x4096xi32>
    %mul3A_48 = arith.constant 4096 : i32
    %mul3A_49 = arith.muli %arg0, %mul3A_48 : i32
    %slice3A_50 = vector.extract_strided_slice %or3A {offsets = [0, 0], sizes = [256, 128], strides = [1, 1]} : vector<256x4096xi32> to vector<256x128xi32>
    %slice3A_51 = vector.extract_strided_slice %or3A {offsets = [0, 128], sizes = [256, 128], strides = [1, 1]} : vector<256x4096xi32> to vector<256x128xi32>
    %slice3A_52 = vector.extract_strided_slice %or3A {offsets = [0, 256], sizes = [256, 128], strides = [1, 1]} : vector<256x4096xi32> to vector<256x128xi32>
    %slice3A_53 = vector.extract_strided_slice %or3A {offsets = [0, 384], sizes = [256, 128], strides = [1, 1]} : vector<256x4096xi32> to vector<256x128xi32>
    %slice3A_54 = vector.extract_strided_slice %or3A {offsets = [0, 512], sizes = [256, 128], strides = [1, 1]} : vector<256x4096xi32> to vector<256x128xi32>
    %slice3A_55 = vector.extract_strided_slice %or3A {offsets = [0, 640], sizes = [256, 128], strides = [1, 1]} : vector<256x4096xi32> to vector<256x128xi32>
    %slice3A_56 = vector.extract_strided_slice %or3A {offsets = [0, 768], sizes = [256, 128], strides = [1, 1]} : vector<256x4096xi32> to vector<256x128xi32>
    %slice3A_57 = vector.extract_strided_slice %or3A {offsets = [0, 896], sizes = [256, 128], strides = [1, 1]} : vector<256x4096xi32> to vector<256x128xi32>
    %slice3A_58 = vector.extract_strided_slice %or3A {offsets = [0, 1024], sizes = [256, 128], strides = [1, 1]} : vector<256x4096xi32> to vector<256x128xi32>
    %slice3A_59 = vector.extract_strided_slice %or3A {offsets = [0, 1152], sizes = [256, 128], strides = [1, 1]} : vector<256x4096xi32> to vector<256x128xi32>
    %slice3A_60 = vector.extract_strided_slice %or3A {offsets = [0, 1280], sizes = [256, 128], strides = [1, 1]} : vector<256x4096xi32> to vector<256x128xi32>
    %slice3A_61 = vector.extract_strided_slice %or3A {offsets = [0, 1408], sizes = [256, 128], strides = [1, 1]} : vector<256x4096xi32> to vector<256x128xi32>
    %slice3A_62 = vector.extract_strided_slice %or3A {offsets = [0, 1536], sizes = [256, 128], strides = [1, 1]} : vector<256x4096xi32> to vector<256x128xi32>
    %slice3A_63 = vector.extract_strided_slice %or3A {offsets = [0, 1664], sizes = [256, 128], strides = [1, 1]} : vector<256x4096xi32> to vector<256x128xi32>
    %slice3A_64 = vector.extract_strided_slice %or3A {offsets = [0, 1792], sizes = [256, 128], strides = [1, 1]} : vector<256x4096xi32> to vector<256x128xi32>
    %slice3A_65 = vector.extract_strided_slice %or3A {offsets = [0, 1920], sizes = [256, 128], strides = [1, 1]} : vector<256x4096xi32> to vector<256x128xi32>
    %slice3A_66 = vector.extract_strided_slice %or3A {offsets = [0, 2048], sizes = [256, 128], strides = [1, 1]} : vector<256x4096xi32> to vector<256x128xi32>
    %slice3A_67 = vector.extract_strided_slice %or3A {offsets = [0, 2176], sizes = [256, 128], strides = [1, 1]} : vector<256x4096xi32> to vector<256x128xi32>
    %slice3A_68 = vector.extract_strided_slice %or3A {offsets = [0, 2304], sizes = [256, 128], strides = [1, 1]} : vector<256x4096xi32> to vector<256x128xi32>
    %slice3A_69 = vector.extract_strided_slice %or3A {offsets = [0, 2432], sizes = [256, 128], strides = [1, 1]} : vector<256x4096xi32> to vector<256x128xi32>
    %slice3A_70 = vector.extract_strided_slice %or3A {offsets = [0, 2560], sizes = [256, 128], strides = [1, 1]} : vector<256x4096xi32> to vector<256x128xi32>
    %slice3A_71 = vector.extract_strided_slice %or3A {offsets = [0, 2688], sizes = [256, 128], strides = [1, 1]} : vector<256x4096xi32> to vector<256x128xi32>
    %slice3A_72 = vector.extract_strided_slice %or3A {offsets = [0, 2816], sizes = [256, 128], strides = [1, 1]} : vector<256x4096xi32> to vector<256x128xi32>
    %slice3A_73 = vector.extract_strided_slice %or3A {offsets = [0, 2944], sizes = [256, 128], strides = [1, 1]} : vector<256x4096xi32> to vector<256x128xi32>
    %slice3A_74 = vector.extract_strided_slice %or3A {offsets = [0, 3072], sizes = [256, 128], strides = [1, 1]} : vector<256x4096xi32> to vector<256x128xi32>
    %slice3A_75 = vector.extract_strided_slice %or3A {offsets = [0, 3200], sizes = [256, 128], strides = [1, 1]} : vector<256x4096xi32> to vector<256x128xi32>
    %slice3A_76 = vector.extract_strided_slice %or3A {offsets = [0, 3328], sizes = [256, 128], strides = [1, 1]} : vector<256x4096xi32> to vector<256x128xi32>
    %slice3A_77 = vector.extract_strided_slice %or3A {offsets = [0, 3456], sizes = [256, 128], strides = [1, 1]} : vector<256x4096xi32> to vector<256x128xi32>
    %slice3A_78 = vector.extract_strided_slice %or3A {offsets = [0, 3584], sizes = [256, 128], strides = [1, 1]} : vector<256x4096xi32> to vector<256x128xi32>
    %slice3A_79 = vector.extract_strided_slice %or3A {offsets = [0, 3712], sizes = [256, 128], strides = [1, 1]} : vector<256x4096xi32> to vector<256x128xi32>
    %slice3A_80 = vector.extract_strided_slice %or3A {offsets = [0, 3840], sizes = [256, 128], strides = [1, 1]} : vector<256x4096xi32> to vector<256x128xi32>
    %slice3A_81 = vector.extract_strided_slice %or3A {offsets = [0, 3968], sizes = [256, 128], strides = [1, 1]} : vector<256x4096xi32> to vector<256x128xi32>
    %min3A = arith.minsi %slice3A_50, %slice3A_51 : vector<256x128xi32>
    %min3A_82 = arith.minsi %min3A, %slice3A_52 : vector<256x128xi32>
    %min3A_83 = arith.minsi %min3A_82, %slice3A_53 : vector<256x128xi32>
    %min3A_84 = arith.minsi %min3A_83, %slice3A_54 : vector<256x128xi32>
    %min3A_85 = arith.minsi %min3A_84, %slice3A_55 : vector<256x128xi32>
    %min3A_86 = arith.minsi %min3A_85, %slice3A_56 : vector<256x128xi32>
    %min3A_87 = arith.minsi %min3A_86, %slice3A_57 : vector<256x128xi32>
    %min3A_88 = arith.minsi %min3A_87, %slice3A_58 : vector<256x128xi32>
    %min3A_89 = arith.minsi %min3A_88, %slice3A_59 : vector<256x128xi32>
    %min3A_90 = arith.minsi %min3A_89, %slice3A_60 : vector<256x128xi32>
    %min3A_91 = arith.minsi %min3A_90, %slice3A_61 : vector<256x128xi32>
    %min3A_92 = arith.minsi %min3A_91, %slice3A_62 : vector<256x128xi32>
    %min3A_93 = arith.minsi %min3A_92, %slice3A_63 : vector<256x128xi32>
    %min3A_94 = arith.minsi %min3A_93, %slice3A_64 : vector<256x128xi32>
    %min3A_95 = arith.minsi %min3A_94, %slice3A_65 : vector<256x128xi32>
    %min3A_96 = arith.minsi %min3A_95, %slice3A_66 : vector<256x128xi32>
    %min3A_97 = arith.minsi %min3A_96, %slice3A_67 : vector<256x128xi32>
    %min3A_98 = arith.minsi %min3A_97, %slice3A_68 : vector<256x128xi32>
    %min3A_99 = arith.minsi %min3A_98, %slice3A_69 : vector<256x128xi32>
    %min3A_100 = arith.minsi %min3A_99, %slice3A_70 : vector<256x128xi32>
    %min3A_101 = arith.minsi %min3A_100, %slice3A_71 : vector<256x128xi32>
    %min3A_102 = arith.minsi %min3A_101, %slice3A_72 : vector<256x128xi32>
    %min3A_103 = arith.minsi %min3A_102, %slice3A_73 : vector<256x128xi32>
    %min3A_104 = arith.minsi %min3A_103, %slice3A_74 : vector<256x128xi32>
    %min3A_105 = arith.minsi %min3A_104, %slice3A_75 : vector<256x128xi32>
    %min3A_106 = arith.minsi %min3A_105, %slice3A_76 : vector<256x128xi32>
    %min3A_107 = arith.minsi %min3A_106, %slice3A_77 : vector<256x128xi32>
    %min3A_108 = arith.minsi %min3A_107, %slice3A_78 : vector<256x128xi32>
    %min3A_109 = arith.minsi %min3A_108, %slice3A_79 : vector<256x128xi32>
    %min3A_110 = arith.minsi %min3A_109, %slice3A_80 : vector<256x128xi32>
    %min3A_111 = arith.minsi %min3A_110, %slice3A_81 : vector<256x128xi32>
    %eq3A = arith.cmpi eq, %slice3A_50, %min3A_111 : vector<256x128xi32>
    %jit3A = arith.constant 2147483647 : i32
    %broadcast_in_dim3A_112 = vector.broadcast %jit3A : i32 to vector<256x128xi32>
    %select_n3A = arith.select %eq3A, %broadcast_in_dim3A_112, %slice3A_50 : vector<256x128xi1>, vector<256x128xi32>
    %eq3A_113 = arith.cmpi eq, %slice3A_51, %min3A_111 : vector<256x128xi32>
    %jit3A_114 = arith.constant 2147483647 : i32
    %broadcast_in_dim3A_115 = vector.broadcast %jit3A_114 : i32 to vector<256x128xi32>
    %select_n3A_116 = arith.select %eq3A_113, %broadcast_in_dim3A_115, %slice3A_51 : vector<256x128xi1>, vector<256x128xi32>
    %eq3A_117 = arith.cmpi eq, %slice3A_52, %min3A_111 : vector<256x128xi32>
    %jit3A_118 = arith.constant 2147483647 : i32
    %broadcast_in_dim3A_119 = vector.broadcast %jit3A_118 : i32 to vector<256x128xi32>
    %select_n3A_120 = arith.select %eq3A_117, %broadcast_in_dim3A_119, %slice3A_52 : vector<256x128xi1>, vector<256x128xi32>
    %eq3A_121 = arith.cmpi eq, %slice3A_53, %min3A_111 : vector<256x128xi32>
    %jit3A_122 = arith.constant 2147483647 : i32
    %broadcast_in_dim3A_123 = vector.broadcast %jit3A_122 : i32 to vector<256x128xi32>
    %select_n3A_124 = arith.select %eq3A_121, %broadcast_in_dim3A_123, %slice3A_53 : vector<256x128xi1>, vector<256x128xi32>
    %eq3A_125 = arith.cmpi eq, %slice3A_54, %min3A_111 : vector<256x128xi32>
    %jit3A_126 = arith.constant 2147483647 : i32
    %broadcast_in_dim3A_127 = vector.broadcast %jit3A_126 : i32 to vector<256x128xi32>
    %select_n3A_128 = arith.select %eq3A_125, %broadcast_in_dim3A_127, %slice3A_54 : vector<256x128xi1>, vector<256x128xi32>
    %eq3A_129 = arith.cmpi eq, %slice3A_55, %min3A_111 : vector<256x128xi32>
    %jit3A_130 = arith.constant 2147483647 : i32
    %broadcast_in_dim3A_131 = vector.broadcast %jit3A_130 : i32 to vector<256x128xi32>
    %select_n3A_132 = arith.select %eq3A_129, %broadcast_in_dim3A_131, %slice3A_55 : vector<256x128xi1>, vector<256x128xi32>
    %eq3A_133 = arith.cmpi eq, %slice3A_56, %min3A_111 : vector<256x128xi32>
    %jit3A_134 = arith.constant 2147483647 : i32
    %broadcast_in_dim3A_135 = vector.broadcast %jit3A_134 : i32 to vector<256x128xi32>
    %select_n3A_136 = arith.select %eq3A_133, %broadcast_in_dim3A_135, %slice3A_56 : vector<256x128xi1>, vector<256x128xi32>
    %eq3A_137 = arith.cmpi eq, %slice3A_57, %min3A_111 : vector<256x128xi32>
    %jit3A_138 = arith.constant 2147483647 : i32
    %broadcast_in_dim3A_139 = vector.broadcast %jit3A_138 : i32 to vector<256x128xi32>
    %select_n3A_140 = arith.select %eq3A_137, %broadcast_in_dim3A_139, %slice3A_57 : vector<256x128xi1>, vector<256x128xi32>
    %eq3A_141 = arith.cmpi eq, %slice3A_58, %min3A_111 : vector<256x128xi32>
    %jit3A_142 = arith.constant 2147483647 : i32
    %broadcast_in_dim3A_143 = vector.broadcast %jit3A_142 : i32 to vector<256x128xi32>
    %select_n3A_144 = arith.select %eq3A_141, %broadcast_in_dim3A_143, %slice3A_58 : vector<256x128xi1>, vector<256x128xi32>
    %eq3A_145 = arith.cmpi eq, %slice3A_59, %min3A_111 : vector<256x128xi32>
    %jit3A_146 = arith.constant 2147483647 : i32
    %broadcast_in_dim3A_147 = vector.broadcast %jit3A_146 : i32 to vector<256x128xi32>
    %select_n3A_148 = arith.select %eq3A_145, %broadcast_in_dim3A_147, %slice3A_59 : vector<256x128xi1>, vector<256x128xi32>
    %eq3A_149 = arith.cmpi eq, %slice3A_60, %min3A_111 : vector<256x128xi32>
    %jit3A_150 = arith.constant 2147483647 : i32
    %broadcast_in_dim3A_151 = vector.broadcast %jit3A_150 : i32 to vector<256x128xi32>
    %select_n3A_152 = arith.select %eq3A_149, %broadcast_in_dim3A_151, %slice3A_60 : vector<256x128xi1>, vector<256x128xi32>
    %eq3A_153 = arith.cmpi eq, %slice3A_61, %min3A_111 : vector<256x128xi32>
    %jit3A_154 = arith.constant 2147483647 : i32
    %broadcast_in_dim3A_155 = vector.broadcast %jit3A_154 : i32 to vector<256x128xi32>
    %select_n3A_156 = arith.select %eq3A_153, %broadcast_in_dim3A_155, %slice3A_61 : vector<256x128xi1>, vector<256x128xi32>
    %eq3A_157 = arith.cmpi eq, %slice3A_62, %min3A_111 : vector<256x128xi32>
    %jit3A_158 = arith.constant 2147483647 : i32
    %broadcast_in_dim3A_159 = vector.broadcast %jit3A_158 : i32 to vector<256x128xi32>
    %select_n3A_160 = arith.select %eq3A_157, %broadcast_in_dim3A_159, %slice3A_62 : vector<256x128xi1>, vector<256x128xi32>
    %eq3A_161 = arith.cmpi eq, %slice3A_63, %min3A_111 : vector<256x128xi32>
    %jit3A_162 = arith.constant 2147483647 : i32
    %broadcast_in_dim3A_163 = vector.broadcast %jit3A_162 : i32 to vector<256x128xi32>
    %select_n3A_164 = arith.select %eq3A_161, %broadcast_in_dim3A_163, %slice3A_63 : vector<256x128xi1>, vector<256x128xi32>
    %eq3A_165 = arith.cmpi eq, %slice3A_64, %min3A_111 : vector<256x128xi32>
    %jit3A_166 = arith.constant 2147483647 : i32
    %broadcast_in_dim3A_167 = vector.broadcast %jit3A_166 : i32 to vector<256x128xi32>
    %select_n3A_168 = arith.select %eq3A_165, %broadcast_in_dim3A_167, %slice3A_64 : vector<256x128xi1>, vector<256x128xi32>
    %eq3A_169 = arith.cmpi eq, %slice3A_65, %min3A_111 : vector<256x128xi32>
    %jit3A_170 = arith.constant 2147483647 : i32
    %broadcast_in_dim3A_171 = vector.broadcast %jit3A_170 : i32 to vector<256x128xi32>
    %select_n3A_172 = arith.select %eq3A_169, %broadcast_in_dim3A_171, %slice3A_65 : vector<256x128xi1>, vector<256x128xi32>
    %eq3A_173 = arith.cmpi eq, %slice3A_66, %min3A_111 : vector<256x128xi32>
    %jit3A_174 = arith.constant 2147483647 : i32
    %broadcast_in_dim3A_175 = vector.broadcast %jit3A_174 : i32 to vector<256x128xi32>
    %select_n3A_176 = arith.select %eq3A_173, %broadcast_in_dim3A_175, %slice3A_66 : vector<256x128xi1>, vector<256x128xi32>
    %eq3A_177 = arith.cmpi eq, %slice3A_67, %min3A_111 : vector<256x128xi32>
    %jit3A_178 = arith.constant 2147483647 : i32
    %broadcast_in_dim3A_179 = vector.broadcast %jit3A_178 : i32 to vector<256x128xi32>
    %select_n3A_180 = arith.select %eq3A_177, %broadcast_in_dim3A_179, %slice3A_67 : vector<256x128xi1>, vector<256x128xi32>
    %eq3A_181 = arith.cmpi eq, %slice3A_68, %min3A_111 : vector<256x128xi32>
    %jit3A_182 = arith.constant 2147483647 : i32
    %broadcast_in_dim3A_183 = vector.broadcast %jit3A_182 : i32 to vector<256x128xi32>
    %select_n3A_184 = arith.select %eq3A_181, %broadcast_in_dim3A_183, %slice3A_68 : vector<256x128xi1>, vector<256x128xi32>
    %eq3A_185 = arith.cmpi eq, %slice3A_69, %min3A_111 : vector<256x128xi32>
    %jit3A_186 = arith.constant 2147483647 : i32
    %broadcast_in_dim3A_187 = vector.broadcast %jit3A_186 : i32 to vector<256x128xi32>
    %select_n3A_188 = arith.select %eq3A_185, %broadcast_in_dim3A_187, %slice3A_69 : vector<256x128xi1>, vector<256x128xi32>
    %eq3A_189 = arith.cmpi eq, %slice3A_70, %min3A_111 : vector<256x128xi32>
    %jit3A_190 = arith.constant 2147483647 : i32
    %broadcast_in_dim3A_191 = vector.broadcast %jit3A_190 : i32 to vector<256x128xi32>
    %select_n3A_192 = arith.select %eq3A_189, %broadcast_in_dim3A_191, %slice3A_70 : vector<256x128xi1>, vector<256x128xi32>
    %eq3A_193 = arith.cmpi eq, %slice3A_71, %min3A_111 : vector<256x128xi32>
    %jit3A_194 = arith.constant 2147483647 : i32
    %broadcast_in_dim3A_195 = vector.broadcast %jit3A_194 : i32 to vector<256x128xi32>
    %select_n3A_196 = arith.select %eq3A_193, %broadcast_in_dim3A_195, %slice3A_71 : vector<256x128xi1>, vector<256x128xi32>
    %eq3A_197 = arith.cmpi eq, %slice3A_72, %min3A_111 : vector<256x128xi32>
    %jit3A_198 = arith.constant 2147483647 : i32
    %broadcast_in_dim3A_199 = vector.broadcast %jit3A_198 : i32 to vector<256x128xi32>
    %select_n3A_200 = arith.select %eq3A_197, %broadcast_in_dim3A_199, %slice3A_72 : vector<256x128xi1>, vector<256x128xi32>
    %eq3A_201 = arith.cmpi eq, %slice3A_73, %min3A_111 : vector<256x128xi32>
    %jit3A_202 = arith.constant 2147483647 : i32
    %broadcast_in_dim3A_203 = vector.broadcast %jit3A_202 : i32 to vector<256x128xi32>
    %select_n3A_204 = arith.select %eq3A_201, %broadcast_in_dim3A_203, %slice3A_73 : vector<256x128xi1>, vector<256x128xi32>
    %eq3A_205 = arith.cmpi eq, %slice3A_74, %min3A_111 : vector<256x128xi32>
    %jit3A_206 = arith.constant 2147483647 : i32
    %broadcast_in_dim3A_207 = vector.broadcast %jit3A_206 : i32 to vector<256x128xi32>
    %select_n3A_208 = arith.select %eq3A_205, %broadcast_in_dim3A_207, %slice3A_74 : vector<256x128xi1>, vector<256x128xi32>
    %eq3A_209 = arith.cmpi eq, %slice3A_75, %min3A_111 : vector<256x128xi32>
    %jit3A_210 = arith.constant 2147483647 : i32
    %broadcast_in_dim3A_211 = vector.broadcast %jit3A_210 : i32 to vector<256x128xi32>
    %select_n3A_212 = arith.select %eq3A_209, %broadcast_in_dim3A_211, %slice3A_75 : vector<256x128xi1>, vector<256x128xi32>
    %eq3A_213 = arith.cmpi eq, %slice3A_76, %min3A_111 : vector<256x128xi32>
    %jit3A_214 = arith.constant 2147483647 : i32
    %broadcast_in_dim3A_215 = vector.broadcast %jit3A_214 : i32 to vector<256x128xi32>
    %select_n3A_216 = arith.select %eq3A_213, %broadcast_in_dim3A_215, %slice3A_76 : vector<256x128xi1>, vector<256x128xi32>
    %eq3A_217 = arith.cmpi eq, %slice3A_77, %min3A_111 : vector<256x128xi32>
    %jit3A_218 = arith.constant 2147483647 : i32
    %broadcast_in_dim3A_219 = vector.broadcast %jit3A_218 : i32 to vector<256x128xi32>
    %select_n3A_220 = arith.select %eq3A_217, %broadcast_in_dim3A_219, %slice3A_77 : vector<256x128xi1>, vector<256x128xi32>
    %eq3A_221 = arith.cmpi eq, %slice3A_78, %min3A_111 : vector<256x128xi32>
    %jit3A_222 = arith.constant 2147483647 : i32
    %broadcast_in_dim3A_223 = vector.broadcast %jit3A_222 : i32 to vector<256x128xi32>
    %select_n3A_224 = arith.select %eq3A_221, %broadcast_in_dim3A_223, %slice3A_78 : vector<256x128xi1>, vector<256x128xi32>
    %eq3A_225 = arith.cmpi eq, %slice3A_79, %min3A_111 : vector<256x128xi32>
    %jit3A_226 = arith.constant 2147483647 : i32
    %broadcast_in_dim3A_227 = vector.broadcast %jit3A_226 : i32 to vector<256x128xi32>
    %select_n3A_228 = arith.select %eq3A_225, %broadcast_in_dim3A_227, %slice3A_79 : vector<256x128xi1>, vector<256x128xi32>
    %eq3A_229 = arith.cmpi eq, %slice3A_80, %min3A_111 : vector<256x128xi32>
    %jit3A_230 = arith.constant 2147483647 : i32
    %broadcast_in_dim3A_231 = vector.broadcast %jit3A_230 : i32 to vector<256x128xi32>
    %select_n3A_232 = arith.select %eq3A_229, %broadcast_in_dim3A_231, %slice3A_80 : vector<256x128xi1>, vector<256x128xi32>
    %eq3A_233 = arith.cmpi eq, %slice3A_81, %min3A_111 : vector<256x128xi32>
    %jit3A_234 = arith.constant 2147483647 : i32
    %broadcast_in_dim3A_235 = vector.broadcast %jit3A_234 : i32 to vector<256x128xi32>
    %select_n3A_236 = arith.select %eq3A_233, %broadcast_in_dim3A_235, %slice3A_81 : vector<256x128xi1>, vector<256x128xi32>
    %min3A_237 = arith.minsi %select_n3A, %select_n3A_116 : vector<256x128xi32>
    %min3A_238 = arith.minsi %min3A_237, %select_n3A_120 : vector<256x128xi32>
    %min3A_239 = arith.minsi %min3A_238, %select_n3A_124 : vector<256x128xi32>
    %min3A_240 = arith.minsi %min3A_239, %select_n3A_128 : vector<256x128xi32>
    %min3A_241 = arith.minsi %min3A_240, %select_n3A_132 : vector<256x128xi32>
    %min3A_242 = arith.minsi %min3A_241, %select_n3A_136 : vector<256x128xi32>
    %min3A_243 = arith.minsi %min3A_242, %select_n3A_140 : vector<256x128xi32>
    %min3A_244 = arith.minsi %min3A_243, %select_n3A_144 : vector<256x128xi32>
    %min3A_245 = arith.minsi %min3A_244, %select_n3A_148 : vector<256x128xi32>
    %min3A_246 = arith.minsi %min3A_245, %select_n3A_152 : vector<256x128xi32>
    %min3A_247 = arith.minsi %min3A_246, %select_n3A_156 : vector<256x128xi32>
    %min3A_248 = arith.minsi %min3A_247, %select_n3A_160 : vector<256x128xi32>
    %min3A_249 = arith.minsi %min3A_248, %select_n3A_164 : vector<256x128xi32>
    %min3A_250 = arith.minsi %min3A_249, %select_n3A_168 : vector<256x128xi32>
    %min3A_251 = arith.minsi %min3A_250, %select_n3A_172 : vector<256x128xi32>
    %min3A_252 = arith.minsi %min3A_251, %select_n3A_176 : vector<256x128xi32>
    %min3A_253 = arith.minsi %min3A_252, %select_n3A_180 : vector<256x128xi32>
    %min3A_254 = arith.minsi %min3A_253, %select_n3A_184 : vector<256x128xi32>
    %min3A_255 = arith.minsi %min3A_254, %select_n3A_188 : vector<256x128xi32>
    %min3A_256 = arith.minsi %min3A_255, %select_n3A_192 : vector<256x128xi32>
    %min3A_257 = arith.minsi %min3A_256, %select_n3A_196 : vector<256x128xi32>
    %min3A_258 = arith.minsi %min3A_257, %select_n3A_200 : vector<256x128xi32>
    %min3A_259 = arith.minsi %min3A_258, %select_n3A_204 : vector<256x128xi32>
    %min3A_260 = arith.minsi %min3A_259, %select_n3A_208 : vector<256x128xi32>
    %min3A_261 = arith.minsi %min3A_260, %select_n3A_212 : vector<256x128xi32>
    %min3A_262 = arith.minsi %min3A_261, %select_n3A_216 : vector<256x128xi32>
    %min3A_263 = arith.minsi %min3A_262, %select_n3A_220 : vector<256x128xi32>
    %min3A_264 = arith.minsi %min3A_263, %select_n3A_224 : vector<256x128xi32>
    %min3A_265 = arith.minsi %min3A_264, %select_n3A_228 : vector<256x128xi32>
    %min3A_266 = arith.minsi %min3A_265, %select_n3A_232 : vector<256x128xi32>
    %min3A_267 = arith.minsi %min3A_266, %select_n3A_236 : vector<256x128xi32>
    %eq3A_268 = arith.cmpi eq, %select_n3A, %min3A_267 : vector<256x128xi32>
    %jit3A_269 = arith.constant 2147483647 : i32
    %broadcast_in_dim3A_270 = vector.broadcast %jit3A_269 : i32 to vector<256x128xi32>
    %select_n3A_271 = arith.select %eq3A_268, %broadcast_in_dim3A_270, %select_n3A : vector<256x128xi1>, vector<256x128xi32>
    %eq3A_272 = arith.cmpi eq, %select_n3A_116, %min3A_267 : vector<256x128xi32>
    %jit3A_273 = arith.constant 2147483647 : i32
    %broadcast_in_dim3A_274 = vector.broadcast %jit3A_273 : i32 to vector<256x128xi32>
    %select_n3A_275 = arith.select %eq3A_272, %broadcast_in_dim3A_274, %select_n3A_116 : vector<256x128xi1>, vector<256x128xi32>
    %eq3A_276 = arith.cmpi eq, %select_n3A_120, %min3A_267 : vector<256x128xi32>
    %jit3A_277 = arith.constant 2147483647 : i32
    %broadcast_in_dim3A_278 = vector.broadcast %jit3A_277 : i32 to vector<256x128xi32>
    %select_n3A_279 = arith.select %eq3A_276, %broadcast_in_dim3A_278, %select_n3A_120 : vector<256x128xi1>, vector<256x128xi32>
    %eq3A_280 = arith.cmpi eq, %select_n3A_124, %min3A_267 : vector<256x128xi32>
    %jit3A_281 = arith.constant 2147483647 : i32
    %broadcast_in_dim3A_282 = vector.broadcast %jit3A_281 : i32 to vector<256x128xi32>
    %select_n3A_283 = arith.select %eq3A_280, %broadcast_in_dim3A_282, %select_n3A_124 : vector<256x128xi1>, vector<256x128xi32>
    %eq3A_284 = arith.cmpi eq, %select_n3A_128, %min3A_267 : vector<256x128xi32>
    %jit3A_285 = arith.constant 2147483647 : i32
    %broadcast_in_dim3A_286 = vector.broadcast %jit3A_285 : i32 to vector<256x128xi32>
    %select_n3A_287 = arith.select %eq3A_284, %broadcast_in_dim3A_286, %select_n3A_128 : vector<256x128xi1>, vector<256x128xi32>
    %eq3A_288 = arith.cmpi eq, %select_n3A_132, %min3A_267 : vector<256x128xi32>
    %jit3A_289 = arith.constant 2147483647 : i32
    %broadcast_in_dim3A_290 = vector.broadcast %jit3A_289 : i32 to vector<256x128xi32>
    %select_n3A_291 = arith.select %eq3A_288, %broadcast_in_dim3A_290, %select_n3A_132 : vector<256x128xi1>, vector<256x128xi32>
    %eq3A_292 = arith.cmpi eq, %select_n3A_136, %min3A_267 : vector<256x128xi32>
    %jit3A_293 = arith.constant 2147483647 : i32
    %broadcast_in_dim3A_294 = vector.broadcast %jit3A_293 : i32 to vector<256x128xi32>
    %select_n3A_295 = arith.select %eq3A_292, %broadcast_in_dim3A_294, %select_n3A_136 : vector<256x128xi1>, vector<256x128xi32>
    %eq3A_296 = arith.cmpi eq, %select_n3A_140, %min3A_267 : vector<256x128xi32>
    %jit3A_297 = arith.constant 2147483647 : i32
    %broadcast_in_dim3A_298 = vector.broadcast %jit3A_297 : i32 to vector<256x128xi32>
    %select_n3A_299 = arith.select %eq3A_296, %broadcast_in_dim3A_298, %select_n3A_140 : vector<256x128xi1>, vector<256x128xi32>
    %eq3A_300 = arith.cmpi eq, %select_n3A_144, %min3A_267 : vector<256x128xi32>
    %jit3A_301 = arith.constant 2147483647 : i32
    %broadcast_in_dim3A_302 = vector.broadcast %jit3A_301 : i32 to vector<256x128xi32>
    %select_n3A_303 = arith.select %eq3A_300, %broadcast_in_dim3A_302, %select_n3A_144 : vector<256x128xi1>, vector<256x128xi32>
    %eq3A_304 = arith.cmpi eq, %select_n3A_148, %min3A_267 : vector<256x128xi32>
    %jit3A_305 = arith.constant 2147483647 : i32
    %broadcast_in_dim3A_306 = vector.broadcast %jit3A_305 : i32 to vector<256x128xi32>
    %select_n3A_307 = arith.select %eq3A_304, %broadcast_in_dim3A_306, %select_n3A_148 : vector<256x128xi1>, vector<256x128xi32>
    %eq3A_308 = arith.cmpi eq, %select_n3A_152, %min3A_267 : vector<256x128xi32>
    %jit3A_309 = arith.constant 2147483647 : i32
    %broadcast_in_dim3A_310 = vector.broadcast %jit3A_309 : i32 to vector<256x128xi32>
    %select_n3A_311 = arith.select %eq3A_308, %broadcast_in_dim3A_310, %select_n3A_152 : vector<256x128xi1>, vector<256x128xi32>
    %eq3A_312 = arith.cmpi eq, %select_n3A_156, %min3A_267 : vector<256x128xi32>
    %jit3A_313 = arith.constant 2147483647 : i32
    %broadcast_in_dim3A_314 = vector.broadcast %jit3A_313 : i32 to vector<256x128xi32>
    %select_n3A_315 = arith.select %eq3A_312, %broadcast_in_dim3A_314, %select_n3A_156 : vector<256x128xi1>, vector<256x128xi32>
    %eq3A_316 = arith.cmpi eq, %select_n3A_160, %min3A_267 : vector<256x128xi32>
    %jit3A_317 = arith.constant 2147483647 : i32
    %broadcast_in_dim3A_318 = vector.broadcast %jit3A_317 : i32 to vector<256x128xi32>
    %select_n3A_319 = arith.select %eq3A_316, %broadcast_in_dim3A_318, %select_n3A_160 : vector<256x128xi1>, vector<256x128xi32>
    %eq3A_320 = arith.cmpi eq, %select_n3A_164, %min3A_267 : vector<256x128xi32>
    %jit3A_321 = arith.constant 2147483647 : i32
    %broadcast_in_dim3A_322 = vector.broadcast %jit3A_321 : i32 to vector<256x128xi32>
    %select_n3A_323 = arith.select %eq3A_320, %broadcast_in_dim3A_322, %select_n3A_164 : vector<256x128xi1>, vector<256x128xi32>
    %eq3A_324 = arith.cmpi eq, %select_n3A_168, %min3A_267 : vector<256x128xi32>
    %jit3A_325 = arith.constant 2147483647 : i32
    %broadcast_in_dim3A_326 = vector.broadcast %jit3A_325 : i32 to vector<256x128xi32>
    %select_n3A_327 = arith.select %eq3A_324, %broadcast_in_dim3A_326, %select_n3A_168 : vector<256x128xi1>, vector<256x128xi32>
    %eq3A_328 = arith.cmpi eq, %select_n3A_172, %min3A_267 : vector<256x128xi32>
    %jit3A_329 = arith.constant 2147483647 : i32
    %broadcast_in_dim3A_330 = vector.broadcast %jit3A_329 : i32 to vector<256x128xi32>
    %select_n3A_331 = arith.select %eq3A_328, %broadcast_in_dim3A_330, %select_n3A_172 : vector<256x128xi1>, vector<256x128xi32>
    %eq3A_332 = arith.cmpi eq, %select_n3A_176, %min3A_267 : vector<256x128xi32>
    %jit3A_333 = arith.constant 2147483647 : i32
    %broadcast_in_dim3A_334 = vector.broadcast %jit3A_333 : i32 to vector<256x128xi32>
    %select_n3A_335 = arith.select %eq3A_332, %broadcast_in_dim3A_334, %select_n3A_176 : vector<256x128xi1>, vector<256x128xi32>
    %eq3A_336 = arith.cmpi eq, %select_n3A_180, %min3A_267 : vector<256x128xi32>
    %jit3A_337 = arith.constant 2147483647 : i32
    %broadcast_in_dim3A_338 = vector.broadcast %jit3A_337 : i32 to vector<256x128xi32>
    %select_n3A_339 = arith.select %eq3A_336, %broadcast_in_dim3A_338, %select_n3A_180 : vector<256x128xi1>, vector<256x128xi32>
    %eq3A_340 = arith.cmpi eq, %select_n3A_184, %min3A_267 : vector<256x128xi32>
    %jit3A_341 = arith.constant 2147483647 : i32
    %broadcast_in_dim3A_342 = vector.broadcast %jit3A_341 : i32 to vector<256x128xi32>
    %select_n3A_343 = arith.select %eq3A_340, %broadcast_in_dim3A_342, %select_n3A_184 : vector<256x128xi1>, vector<256x128xi32>
    %eq3A_344 = arith.cmpi eq, %select_n3A_188, %min3A_267 : vector<256x128xi32>
    %jit3A_345 = arith.constant 2147483647 : i32
    %broadcast_in_dim3A_346 = vector.broadcast %jit3A_345 : i32 to vector<256x128xi32>
    %select_n3A_347 = arith.select %eq3A_344, %broadcast_in_dim3A_346, %select_n3A_188 : vector<256x128xi1>, vector<256x128xi32>
    %eq3A_348 = arith.cmpi eq, %select_n3A_192, %min3A_267 : vector<256x128xi32>
    %jit3A_349 = arith.constant 2147483647 : i32
    %broadcast_in_dim3A_350 = vector.broadcast %jit3A_349 : i32 to vector<256x128xi32>
    %select_n3A_351 = arith.select %eq3A_348, %broadcast_in_dim3A_350, %select_n3A_192 : vector<256x128xi1>, vector<256x128xi32>
    %eq3A_352 = arith.cmpi eq, %select_n3A_196, %min3A_267 : vector<256x128xi32>
    %jit3A_353 = arith.constant 2147483647 : i32
    %broadcast_in_dim3A_354 = vector.broadcast %jit3A_353 : i32 to vector<256x128xi32>
    %select_n3A_355 = arith.select %eq3A_352, %broadcast_in_dim3A_354, %select_n3A_196 : vector<256x128xi1>, vector<256x128xi32>
    %eq3A_356 = arith.cmpi eq, %select_n3A_200, %min3A_267 : vector<256x128xi32>
    %jit3A_357 = arith.constant 2147483647 : i32
    %broadcast_in_dim3A_358 = vector.broadcast %jit3A_357 : i32 to vector<256x128xi32>
    %select_n3A_359 = arith.select %eq3A_356, %broadcast_in_dim3A_358, %select_n3A_200 : vector<256x128xi1>, vector<256x128xi32>
    %eq3A_360 = arith.cmpi eq, %select_n3A_204, %min3A_267 : vector<256x128xi32>
    %jit3A_361 = arith.constant 2147483647 : i32
    %broadcast_in_dim3A_362 = vector.broadcast %jit3A_361 : i32 to vector<256x128xi32>
    %select_n3A_363 = arith.select %eq3A_360, %broadcast_in_dim3A_362, %select_n3A_204 : vector<256x128xi1>, vector<256x128xi32>
    %eq3A_364 = arith.cmpi eq, %select_n3A_208, %min3A_267 : vector<256x128xi32>
    %jit3A_365 = arith.constant 2147483647 : i32
    %broadcast_in_dim3A_366 = vector.broadcast %jit3A_365 : i32 to vector<256x128xi32>
    %select_n3A_367 = arith.select %eq3A_364, %broadcast_in_dim3A_366, %select_n3A_208 : vector<256x128xi1>, vector<256x128xi32>
    %eq3A_368 = arith.cmpi eq, %select_n3A_212, %min3A_267 : vector<256x128xi32>
    %jit3A_369 = arith.constant 2147483647 : i32
    %broadcast_in_dim3A_370 = vector.broadcast %jit3A_369 : i32 to vector<256x128xi32>
    %select_n3A_371 = arith.select %eq3A_368, %broadcast_in_dim3A_370, %select_n3A_212 : vector<256x128xi1>, vector<256x128xi32>
    %eq3A_372 = arith.cmpi eq, %select_n3A_216, %min3A_267 : vector<256x128xi32>
    %jit3A_373 = arith.constant 2147483647 : i32
    %broadcast_in_dim3A_374 = vector.broadcast %jit3A_373 : i32 to vector<256x128xi32>
    %select_n3A_375 = arith.select %eq3A_372, %broadcast_in_dim3A_374, %select_n3A_216 : vector<256x128xi1>, vector<256x128xi32>
    %eq3A_376 = arith.cmpi eq, %select_n3A_220, %min3A_267 : vector<256x128xi32>
    %jit3A_377 = arith.constant 2147483647 : i32
    %broadcast_in_dim3A_378 = vector.broadcast %jit3A_377 : i32 to vector<256x128xi32>
    %select_n3A_379 = arith.select %eq3A_376, %broadcast_in_dim3A_378, %select_n3A_220 : vector<256x128xi1>, vector<256x128xi32>
    %eq3A_380 = arith.cmpi eq, %select_n3A_224, %min3A_267 : vector<256x128xi32>
    %jit3A_381 = arith.constant 2147483647 : i32
    %broadcast_in_dim3A_382 = vector.broadcast %jit3A_381 : i32 to vector<256x128xi32>
    %select_n3A_383 = arith.select %eq3A_380, %broadcast_in_dim3A_382, %select_n3A_224 : vector<256x128xi1>, vector<256x128xi32>
    %eq3A_384 = arith.cmpi eq, %select_n3A_228, %min3A_267 : vector<256x128xi32>
    %jit3A_385 = arith.constant 2147483647 : i32
    %broadcast_in_dim3A_386 = vector.broadcast %jit3A_385 : i32 to vector<256x128xi32>
    %select_n3A_387 = arith.select %eq3A_384, %broadcast_in_dim3A_386, %select_n3A_228 : vector<256x128xi1>, vector<256x128xi32>
    %eq3A_388 = arith.cmpi eq, %select_n3A_232, %min3A_267 : vector<256x128xi32>
    %jit3A_389 = arith.constant 2147483647 : i32
    %broadcast_in_dim3A_390 = vector.broadcast %jit3A_389 : i32 to vector<256x128xi32>
    %select_n3A_391 = arith.select %eq3A_388, %broadcast_in_dim3A_390, %select_n3A_232 : vector<256x128xi1>, vector<256x128xi32>
    %eq3A_392 = arith.cmpi eq, %select_n3A_236, %min3A_267 : vector<256x128xi32>
    %jit3A_393 = arith.constant 2147483647 : i32
    %broadcast_in_dim3A_394 = vector.broadcast %jit3A_393 : i32 to vector<256x128xi32>
    %select_n3A_395 = arith.select %eq3A_392, %broadcast_in_dim3A_394, %select_n3A_236 : vector<256x128xi1>, vector<256x128xi32>
    %min3A_396 = arith.minsi %select_n3A_271, %select_n3A_275 : vector<256x128xi32>
    %min3A_397 = arith.minsi %min3A_396, %select_n3A_279 : vector<256x128xi32>
    %min3A_398 = arith.minsi %min3A_397, %select_n3A_283 : vector<256x128xi32>
    %min3A_399 = arith.minsi %min3A_398, %select_n3A_287 : vector<256x128xi32>
    %min3A_400 = arith.minsi %min3A_399, %select_n3A_291 : vector<256x128xi32>
    %min3A_401 = arith.minsi %min3A_400, %select_n3A_295 : vector<256x128xi32>
    %min3A_402 = arith.minsi %min3A_401, %select_n3A_299 : vector<256x128xi32>
    %min3A_403 = arith.minsi %min3A_402, %select_n3A_303 : vector<256x128xi32>
    %min3A_404 = arith.minsi %min3A_403, %select_n3A_307 : vector<256x128xi32>
    %min3A_405 = arith.minsi %min3A_404, %select_n3A_311 : vector<256x128xi32>
    %min3A_406 = arith.minsi %min3A_405, %select_n3A_315 : vector<256x128xi32>
    %min3A_407 = arith.minsi %min3A_406, %select_n3A_319 : vector<256x128xi32>
    %min3A_408 = arith.minsi %min3A_407, %select_n3A_323 : vector<256x128xi32>
    %min3A_409 = arith.minsi %min3A_408, %select_n3A_327 : vector<256x128xi32>
    %min3A_410 = arith.minsi %min3A_409, %select_n3A_331 : vector<256x128xi32>
    %min3A_411 = arith.minsi %min3A_410, %select_n3A_335 : vector<256x128xi32>
    %min3A_412 = arith.minsi %min3A_411, %select_n3A_339 : vector<256x128xi32>
    %min3A_413 = arith.minsi %min3A_412, %select_n3A_343 : vector<256x128xi32>
    %min3A_414 = arith.minsi %min3A_413, %select_n3A_347 : vector<256x128xi32>
    %min3A_415 = arith.minsi %min3A_414, %select_n3A_351 : vector<256x128xi32>
    %min3A_416 = arith.minsi %min3A_415, %select_n3A_355 : vector<256x128xi32>
    %min3A_417 = arith.minsi %min3A_416, %select_n3A_359 : vector<256x128xi32>
    %min3A_418 = arith.minsi %min3A_417, %select_n3A_363 : vector<256x128xi32>
    %min3A_419 = arith.minsi %min3A_418, %select_n3A_367 : vector<256x128xi32>
    %min3A_420 = arith.minsi %min3A_419, %select_n3A_371 : vector<256x128xi32>
    %min3A_421 = arith.minsi %min3A_420, %select_n3A_375 : vector<256x128xi32>
    %min3A_422 = arith.minsi %min3A_421, %select_n3A_379 : vector<256x128xi32>
    %min3A_423 = arith.minsi %min3A_422, %select_n3A_383 : vector<256x128xi32>
    %min3A_424 = arith.minsi %min3A_423, %select_n3A_387 : vector<256x128xi32>
    %min3A_425 = arith.minsi %min3A_424, %select_n3A_391 : vector<256x128xi32>
    %min3A_426 = arith.minsi %min3A_425, %select_n3A_395 : vector<256x128xi32>
    %eq3A_427 = arith.cmpi eq, %select_n3A_271, %min3A_426 : vector<256x128xi32>
    %jit3A_428 = arith.constant 2147483647 : i32
    %broadcast_in_dim3A_429 = vector.broadcast %jit3A_428 : i32 to vector<256x128xi32>
    %select_n3A_430 = arith.select %eq3A_427, %broadcast_in_dim3A_429, %select_n3A_271 : vector<256x128xi1>, vector<256x128xi32>
    %eq3A_431 = arith.cmpi eq, %select_n3A_275, %min3A_426 : vector<256x128xi32>
    %jit3A_432 = arith.constant 2147483647 : i32
    %broadcast_in_dim3A_433 = vector.broadcast %jit3A_432 : i32 to vector<256x128xi32>
    %select_n3A_434 = arith.select %eq3A_431, %broadcast_in_dim3A_433, %select_n3A_275 : vector<256x128xi1>, vector<256x128xi32>
    %eq3A_435 = arith.cmpi eq, %select_n3A_279, %min3A_426 : vector<256x128xi32>
    %jit3A_436 = arith.constant 2147483647 : i32
    %broadcast_in_dim3A_437 = vector.broadcast %jit3A_436 : i32 to vector<256x128xi32>
    %select_n3A_438 = arith.select %eq3A_435, %broadcast_in_dim3A_437, %select_n3A_279 : vector<256x128xi1>, vector<256x128xi32>
    %eq3A_439 = arith.cmpi eq, %select_n3A_283, %min3A_426 : vector<256x128xi32>
    %jit3A_440 = arith.constant 2147483647 : i32
    %broadcast_in_dim3A_441 = vector.broadcast %jit3A_440 : i32 to vector<256x128xi32>
    %select_n3A_442 = arith.select %eq3A_439, %broadcast_in_dim3A_441, %select_n3A_283 : vector<256x128xi1>, vector<256x128xi32>
    %eq3A_443 = arith.cmpi eq, %select_n3A_287, %min3A_426 : vector<256x128xi32>
    %jit3A_444 = arith.constant 2147483647 : i32
    %broadcast_in_dim3A_445 = vector.broadcast %jit3A_444 : i32 to vector<256x128xi32>
    %select_n3A_446 = arith.select %eq3A_443, %broadcast_in_dim3A_445, %select_n3A_287 : vector<256x128xi1>, vector<256x128xi32>
    %eq3A_447 = arith.cmpi eq, %select_n3A_291, %min3A_426 : vector<256x128xi32>
    %jit3A_448 = arith.constant 2147483647 : i32
    %broadcast_in_dim3A_449 = vector.broadcast %jit3A_448 : i32 to vector<256x128xi32>
    %select_n3A_450 = arith.select %eq3A_447, %broadcast_in_dim3A_449, %select_n3A_291 : vector<256x128xi1>, vector<256x128xi32>
    %eq3A_451 = arith.cmpi eq, %select_n3A_295, %min3A_426 : vector<256x128xi32>
    %jit3A_452 = arith.constant 2147483647 : i32
    %broadcast_in_dim3A_453 = vector.broadcast %jit3A_452 : i32 to vector<256x128xi32>
    %select_n3A_454 = arith.select %eq3A_451, %broadcast_in_dim3A_453, %select_n3A_295 : vector<256x128xi1>, vector<256x128xi32>
    %eq3A_455 = arith.cmpi eq, %select_n3A_299, %min3A_426 : vector<256x128xi32>
    %jit3A_456 = arith.constant 2147483647 : i32
    %broadcast_in_dim3A_457 = vector.broadcast %jit3A_456 : i32 to vector<256x128xi32>
    %select_n3A_458 = arith.select %eq3A_455, %broadcast_in_dim3A_457, %select_n3A_299 : vector<256x128xi1>, vector<256x128xi32>
    %eq3A_459 = arith.cmpi eq, %select_n3A_303, %min3A_426 : vector<256x128xi32>
    %jit3A_460 = arith.constant 2147483647 : i32
    %broadcast_in_dim3A_461 = vector.broadcast %jit3A_460 : i32 to vector<256x128xi32>
    %select_n3A_462 = arith.select %eq3A_459, %broadcast_in_dim3A_461, %select_n3A_303 : vector<256x128xi1>, vector<256x128xi32>
    %eq3A_463 = arith.cmpi eq, %select_n3A_307, %min3A_426 : vector<256x128xi32>
    %jit3A_464 = arith.constant 2147483647 : i32
    %broadcast_in_dim3A_465 = vector.broadcast %jit3A_464 : i32 to vector<256x128xi32>
    %select_n3A_466 = arith.select %eq3A_463, %broadcast_in_dim3A_465, %select_n3A_307 : vector<256x128xi1>, vector<256x128xi32>
    %eq3A_467 = arith.cmpi eq, %select_n3A_311, %min3A_426 : vector<256x128xi32>
    %jit3A_468 = arith.constant 2147483647 : i32
    %broadcast_in_dim3A_469 = vector.broadcast %jit3A_468 : i32 to vector<256x128xi32>
    %select_n3A_470 = arith.select %eq3A_467, %broadcast_in_dim3A_469, %select_n3A_311 : vector<256x128xi1>, vector<256x128xi32>
    %eq3A_471 = arith.cmpi eq, %select_n3A_315, %min3A_426 : vector<256x128xi32>
    %jit3A_472 = arith.constant 2147483647 : i32
    %broadcast_in_dim3A_473 = vector.broadcast %jit3A_472 : i32 to vector<256x128xi32>
    %select_n3A_474 = arith.select %eq3A_471, %broadcast_in_dim3A_473, %select_n3A_315 : vector<256x128xi1>, vector<256x128xi32>
    %eq3A_475 = arith.cmpi eq, %select_n3A_319, %min3A_426 : vector<256x128xi32>
    %jit3A_476 = arith.constant 2147483647 : i32
    %broadcast_in_dim3A_477 = vector.broadcast %jit3A_476 : i32 to vector<256x128xi32>
    %select_n3A_478 = arith.select %eq3A_475, %broadcast_in_dim3A_477, %select_n3A_319 : vector<256x128xi1>, vector<256x128xi32>
    %eq3A_479 = arith.cmpi eq, %select_n3A_323, %min3A_426 : vector<256x128xi32>
    %jit3A_480 = arith.constant 2147483647 : i32
    %broadcast_in_dim3A_481 = vector.broadcast %jit3A_480 : i32 to vector<256x128xi32>
    %select_n3A_482 = arith.select %eq3A_479, %broadcast_in_dim3A_481, %select_n3A_323 : vector<256x128xi1>, vector<256x128xi32>
    %eq3A_483 = arith.cmpi eq, %select_n3A_327, %min3A_426 : vector<256x128xi32>
    %jit3A_484 = arith.constant 2147483647 : i32
    %broadcast_in_dim3A_485 = vector.broadcast %jit3A_484 : i32 to vector<256x128xi32>
    %select_n3A_486 = arith.select %eq3A_483, %broadcast_in_dim3A_485, %select_n3A_327 : vector<256x128xi1>, vector<256x128xi32>
    %eq3A_487 = arith.cmpi eq, %select_n3A_331, %min3A_426 : vector<256x128xi32>
    %jit3A_488 = arith.constant 2147483647 : i32
    %broadcast_in_dim3A_489 = vector.broadcast %jit3A_488 : i32 to vector<256x128xi32>
    %select_n3A_490 = arith.select %eq3A_487, %broadcast_in_dim3A_489, %select_n3A_331 : vector<256x128xi1>, vector<256x128xi32>
    %eq3A_491 = arith.cmpi eq, %select_n3A_335, %min3A_426 : vector<256x128xi32>
    %jit3A_492 = arith.constant 2147483647 : i32
    %broadcast_in_dim3A_493 = vector.broadcast %jit3A_492 : i32 to vector<256x128xi32>
    %select_n3A_494 = arith.select %eq3A_491, %broadcast_in_dim3A_493, %select_n3A_335 : vector<256x128xi1>, vector<256x128xi32>
    %eq3A_495 = arith.cmpi eq, %select_n3A_339, %min3A_426 : vector<256x128xi32>
    %jit3A_496 = arith.constant 2147483647 : i32
    %broadcast_in_dim3A_497 = vector.broadcast %jit3A_496 : i32 to vector<256x128xi32>
    %select_n3A_498 = arith.select %eq3A_495, %broadcast_in_dim3A_497, %select_n3A_339 : vector<256x128xi1>, vector<256x128xi32>
    %eq3A_499 = arith.cmpi eq, %select_n3A_343, %min3A_426 : vector<256x128xi32>
    %jit3A_500 = arith.constant 2147483647 : i32
    %broadcast_in_dim3A_501 = vector.broadcast %jit3A_500 : i32 to vector<256x128xi32>
    %select_n3A_502 = arith.select %eq3A_499, %broadcast_in_dim3A_501, %select_n3A_343 : vector<256x128xi1>, vector<256x128xi32>
    %eq3A_503 = arith.cmpi eq, %select_n3A_347, %min3A_426 : vector<256x128xi32>
    %jit3A_504 = arith.constant 2147483647 : i32
    %broadcast_in_dim3A_505 = vector.broadcast %jit3A_504 : i32 to vector<256x128xi32>
    %select_n3A_506 = arith.select %eq3A_503, %broadcast_in_dim3A_505, %select_n3A_347 : vector<256x128xi1>, vector<256x128xi32>
    %eq3A_507 = arith.cmpi eq, %select_n3A_351, %min3A_426 : vector<256x128xi32>
    %jit3A_508 = arith.constant 2147483647 : i32
    %broadcast_in_dim3A_509 = vector.broadcast %jit3A_508 : i32 to vector<256x128xi32>
    %select_n3A_510 = arith.select %eq3A_507, %broadcast_in_dim3A_509, %select_n3A_351 : vector<256x128xi1>, vector<256x128xi32>
    %eq3A_511 = arith.cmpi eq, %select_n3A_355, %min3A_426 : vector<256x128xi32>
    %jit3A_512 = arith.constant 2147483647 : i32
    %broadcast_in_dim3A_513 = vector.broadcast %jit3A_512 : i32 to vector<256x128xi32>
    %select_n3A_514 = arith.select %eq3A_511, %broadcast_in_dim3A_513, %select_n3A_355 : vector<256x128xi1>, vector<256x128xi32>
    %eq3A_515 = arith.cmpi eq, %select_n3A_359, %min3A_426 : vector<256x128xi32>
    %jit3A_516 = arith.constant 2147483647 : i32
    %broadcast_in_dim3A_517 = vector.broadcast %jit3A_516 : i32 to vector<256x128xi32>
    %select_n3A_518 = arith.select %eq3A_515, %broadcast_in_dim3A_517, %select_n3A_359 : vector<256x128xi1>, vector<256x128xi32>
    %eq3A_519 = arith.cmpi eq, %select_n3A_363, %min3A_426 : vector<256x128xi32>
    %jit3A_520 = arith.constant 2147483647 : i32
    %broadcast_in_dim3A_521 = vector.broadcast %jit3A_520 : i32 to vector<256x128xi32>
    %select_n3A_522 = arith.select %eq3A_519, %broadcast_in_dim3A_521, %select_n3A_363 : vector<256x128xi1>, vector<256x128xi32>
    %eq3A_523 = arith.cmpi eq, %select_n3A_367, %min3A_426 : vector<256x128xi32>
    %jit3A_524 = arith.constant 2147483647 : i32
    %broadcast_in_dim3A_525 = vector.broadcast %jit3A_524 : i32 to vector<256x128xi32>
    %select_n3A_526 = arith.select %eq3A_523, %broadcast_in_dim3A_525, %select_n3A_367 : vector<256x128xi1>, vector<256x128xi32>
    %eq3A_527 = arith.cmpi eq, %select_n3A_371, %min3A_426 : vector<256x128xi32>
    %jit3A_528 = arith.constant 2147483647 : i32
    %broadcast_in_dim3A_529 = vector.broadcast %jit3A_528 : i32 to vector<256x128xi32>
    %select_n3A_530 = arith.select %eq3A_527, %broadcast_in_dim3A_529, %select_n3A_371 : vector<256x128xi1>, vector<256x128xi32>
    %eq3A_531 = arith.cmpi eq, %select_n3A_375, %min3A_426 : vector<256x128xi32>
    %jit3A_532 = arith.constant 2147483647 : i32
    %broadcast_in_dim3A_533 = vector.broadcast %jit3A_532 : i32 to vector<256x128xi32>
    %select_n3A_534 = arith.select %eq3A_531, %broadcast_in_dim3A_533, %select_n3A_375 : vector<256x128xi1>, vector<256x128xi32>
    %eq3A_535 = arith.cmpi eq, %select_n3A_379, %min3A_426 : vector<256x128xi32>
    %jit3A_536 = arith.constant 2147483647 : i32
    %broadcast_in_dim3A_537 = vector.broadcast %jit3A_536 : i32 to vector<256x128xi32>
    %select_n3A_538 = arith.select %eq3A_535, %broadcast_in_dim3A_537, %select_n3A_379 : vector<256x128xi1>, vector<256x128xi32>
    %eq3A_539 = arith.cmpi eq, %select_n3A_383, %min3A_426 : vector<256x128xi32>
    %jit3A_540 = arith.constant 2147483647 : i32
    %broadcast_in_dim3A_541 = vector.broadcast %jit3A_540 : i32 to vector<256x128xi32>
    %select_n3A_542 = arith.select %eq3A_539, %broadcast_in_dim3A_541, %select_n3A_383 : vector<256x128xi1>, vector<256x128xi32>
    %eq3A_543 = arith.cmpi eq, %select_n3A_387, %min3A_426 : vector<256x128xi32>
    %jit3A_544 = arith.constant 2147483647 : i32
    %broadcast_in_dim3A_545 = vector.broadcast %jit3A_544 : i32 to vector<256x128xi32>
    %select_n3A_546 = arith.select %eq3A_543, %broadcast_in_dim3A_545, %select_n3A_387 : vector<256x128xi1>, vector<256x128xi32>
    %eq3A_547 = arith.cmpi eq, %select_n3A_391, %min3A_426 : vector<256x128xi32>
    %jit3A_548 = arith.constant 2147483647 : i32
    %broadcast_in_dim3A_549 = vector.broadcast %jit3A_548 : i32 to vector<256x128xi32>
    %select_n3A_550 = arith.select %eq3A_547, %broadcast_in_dim3A_549, %select_n3A_391 : vector<256x128xi1>, vector<256x128xi32>
    %eq3A_551 = arith.cmpi eq, %select_n3A_395, %min3A_426 : vector<256x128xi32>
    %jit3A_552 = arith.constant 2147483647 : i32
    %broadcast_in_dim3A_553 = vector.broadcast %jit3A_552 : i32 to vector<256x128xi32>
    %select_n3A_554 = arith.select %eq3A_551, %broadcast_in_dim3A_553, %select_n3A_395 : vector<256x128xi1>, vector<256x128xi32>
    %min3A_555 = arith.minsi %select_n3A_430, %select_n3A_434 : vector<256x128xi32>
    %min3A_556 = arith.minsi %min3A_555, %select_n3A_438 : vector<256x128xi32>
    %min3A_557 = arith.minsi %min3A_556, %select_n3A_442 : vector<256x128xi32>
    %min3A_558 = arith.minsi %min3A_557, %select_n3A_446 : vector<256x128xi32>
    %min3A_559 = arith.minsi %min3A_558, %select_n3A_450 : vector<256x128xi32>
    %min3A_560 = arith.minsi %min3A_559, %select_n3A_454 : vector<256x128xi32>
    %min3A_561 = arith.minsi %min3A_560, %select_n3A_458 : vector<256x128xi32>
    %min3A_562 = arith.minsi %min3A_561, %select_n3A_462 : vector<256x128xi32>
    %min3A_563 = arith.minsi %min3A_562, %select_n3A_466 : vector<256x128xi32>
    %min3A_564 = arith.minsi %min3A_563, %select_n3A_470 : vector<256x128xi32>
    %min3A_565 = arith.minsi %min3A_564, %select_n3A_474 : vector<256x128xi32>
    %min3A_566 = arith.minsi %min3A_565, %select_n3A_478 : vector<256x128xi32>
    %min3A_567 = arith.minsi %min3A_566, %select_n3A_482 : vector<256x128xi32>
    %min3A_568 = arith.minsi %min3A_567, %select_n3A_486 : vector<256x128xi32>
    %min3A_569 = arith.minsi %min3A_568, %select_n3A_490 : vector<256x128xi32>
    %min3A_570 = arith.minsi %min3A_569, %select_n3A_494 : vector<256x128xi32>
    %min3A_571 = arith.minsi %min3A_570, %select_n3A_498 : vector<256x128xi32>
    %min3A_572 = arith.minsi %min3A_571, %select_n3A_502 : vector<256x128xi32>
    %min3A_573 = arith.minsi %min3A_572, %select_n3A_506 : vector<256x128xi32>
    %min3A_574 = arith.minsi %min3A_573, %select_n3A_510 : vector<256x128xi32>
    %min3A_575 = arith.minsi %min3A_574, %select_n3A_514 : vector<256x128xi32>
    %min3A_576 = arith.minsi %min3A_575, %select_n3A_518 : vector<256x128xi32>
    %min3A_577 = arith.minsi %min3A_576, %select_n3A_522 : vector<256x128xi32>
    %min3A_578 = arith.minsi %min3A_577, %select_n3A_526 : vector<256x128xi32>
    %min3A_579 = arith.minsi %min3A_578, %select_n3A_530 : vector<256x128xi32>
    %min3A_580 = arith.minsi %min3A_579, %select_n3A_534 : vector<256x128xi32>
    %min3A_581 = arith.minsi %min3A_580, %select_n3A_538 : vector<256x128xi32>
    %min3A_582 = arith.minsi %min3A_581, %select_n3A_542 : vector<256x128xi32>
    %min3A_583 = arith.minsi %min3A_582, %select_n3A_546 : vector<256x128xi32>
    %min3A_584 = arith.minsi %min3A_583, %select_n3A_550 : vector<256x128xi32>
    %min3A_585 = arith.minsi %min3A_584, %select_n3A_554 : vector<256x128xi32>
    %eq3A_586 = arith.cmpi eq, %select_n3A_430, %min3A_585 : vector<256x128xi32>
    %jit3A_587 = arith.constant 2147483647 : i32
    %broadcast_in_dim3A_588 = vector.broadcast %jit3A_587 : i32 to vector<256x128xi32>
    %select_n3A_589 = arith.select %eq3A_586, %broadcast_in_dim3A_588, %select_n3A_430 : vector<256x128xi1>, vector<256x128xi32>
    %eq3A_590 = arith.cmpi eq, %select_n3A_434, %min3A_585 : vector<256x128xi32>
    %jit3A_591 = arith.constant 2147483647 : i32
    %broadcast_in_dim3A_592 = vector.broadcast %jit3A_591 : i32 to vector<256x128xi32>
    %select_n3A_593 = arith.select %eq3A_590, %broadcast_in_dim3A_592, %select_n3A_434 : vector<256x128xi1>, vector<256x128xi32>
    %eq3A_594 = arith.cmpi eq, %select_n3A_438, %min3A_585 : vector<256x128xi32>
    %jit3A_595 = arith.constant 2147483647 : i32
    %broadcast_in_dim3A_596 = vector.broadcast %jit3A_595 : i32 to vector<256x128xi32>
    %select_n3A_597 = arith.select %eq3A_594, %broadcast_in_dim3A_596, %select_n3A_438 : vector<256x128xi1>, vector<256x128xi32>
    %eq3A_598 = arith.cmpi eq, %select_n3A_442, %min3A_585 : vector<256x128xi32>
    %jit3A_599 = arith.constant 2147483647 : i32
    %broadcast_in_dim3A_600 = vector.broadcast %jit3A_599 : i32 to vector<256x128xi32>
    %select_n3A_601 = arith.select %eq3A_598, %broadcast_in_dim3A_600, %select_n3A_442 : vector<256x128xi1>, vector<256x128xi32>
    %eq3A_602 = arith.cmpi eq, %select_n3A_446, %min3A_585 : vector<256x128xi32>
    %jit3A_603 = arith.constant 2147483647 : i32
    %broadcast_in_dim3A_604 = vector.broadcast %jit3A_603 : i32 to vector<256x128xi32>
    %select_n3A_605 = arith.select %eq3A_602, %broadcast_in_dim3A_604, %select_n3A_446 : vector<256x128xi1>, vector<256x128xi32>
    %eq3A_606 = arith.cmpi eq, %select_n3A_450, %min3A_585 : vector<256x128xi32>
    %jit3A_607 = arith.constant 2147483647 : i32
    %broadcast_in_dim3A_608 = vector.broadcast %jit3A_607 : i32 to vector<256x128xi32>
    %select_n3A_609 = arith.select %eq3A_606, %broadcast_in_dim3A_608, %select_n3A_450 : vector<256x128xi1>, vector<256x128xi32>
    %eq3A_610 = arith.cmpi eq, %select_n3A_454, %min3A_585 : vector<256x128xi32>
    %jit3A_611 = arith.constant 2147483647 : i32
    %broadcast_in_dim3A_612 = vector.broadcast %jit3A_611 : i32 to vector<256x128xi32>
    %select_n3A_613 = arith.select %eq3A_610, %broadcast_in_dim3A_612, %select_n3A_454 : vector<256x128xi1>, vector<256x128xi32>
    %eq3A_614 = arith.cmpi eq, %select_n3A_458, %min3A_585 : vector<256x128xi32>
    %jit3A_615 = arith.constant 2147483647 : i32
    %broadcast_in_dim3A_616 = vector.broadcast %jit3A_615 : i32 to vector<256x128xi32>
    %select_n3A_617 = arith.select %eq3A_614, %broadcast_in_dim3A_616, %select_n3A_458 : vector<256x128xi1>, vector<256x128xi32>
    %eq3A_618 = arith.cmpi eq, %select_n3A_462, %min3A_585 : vector<256x128xi32>
    %jit3A_619 = arith.constant 2147483647 : i32
    %broadcast_in_dim3A_620 = vector.broadcast %jit3A_619 : i32 to vector<256x128xi32>
    %select_n3A_621 = arith.select %eq3A_618, %broadcast_in_dim3A_620, %select_n3A_462 : vector<256x128xi1>, vector<256x128xi32>
    %eq3A_622 = arith.cmpi eq, %select_n3A_466, %min3A_585 : vector<256x128xi32>
    %jit3A_623 = arith.constant 2147483647 : i32
    %broadcast_in_dim3A_624 = vector.broadcast %jit3A_623 : i32 to vector<256x128xi32>
    %select_n3A_625 = arith.select %eq3A_622, %broadcast_in_dim3A_624, %select_n3A_466 : vector<256x128xi1>, vector<256x128xi32>
    %eq3A_626 = arith.cmpi eq, %select_n3A_470, %min3A_585 : vector<256x128xi32>
    %jit3A_627 = arith.constant 2147483647 : i32
    %broadcast_in_dim3A_628 = vector.broadcast %jit3A_627 : i32 to vector<256x128xi32>
    %select_n3A_629 = arith.select %eq3A_626, %broadcast_in_dim3A_628, %select_n3A_470 : vector<256x128xi1>, vector<256x128xi32>
    %eq3A_630 = arith.cmpi eq, %select_n3A_474, %min3A_585 : vector<256x128xi32>
    %jit3A_631 = arith.constant 2147483647 : i32
    %broadcast_in_dim3A_632 = vector.broadcast %jit3A_631 : i32 to vector<256x128xi32>
    %select_n3A_633 = arith.select %eq3A_630, %broadcast_in_dim3A_632, %select_n3A_474 : vector<256x128xi1>, vector<256x128xi32>
    %eq3A_634 = arith.cmpi eq, %select_n3A_478, %min3A_585 : vector<256x128xi32>
    %jit3A_635 = arith.constant 2147483647 : i32
    %broadcast_in_dim3A_636 = vector.broadcast %jit3A_635 : i32 to vector<256x128xi32>
    %select_n3A_637 = arith.select %eq3A_634, %broadcast_in_dim3A_636, %select_n3A_478 : vector<256x128xi1>, vector<256x128xi32>
    %eq3A_638 = arith.cmpi eq, %select_n3A_482, %min3A_585 : vector<256x128xi32>
    %jit3A_639 = arith.constant 2147483647 : i32
    %broadcast_in_dim3A_640 = vector.broadcast %jit3A_639 : i32 to vector<256x128xi32>
    %select_n3A_641 = arith.select %eq3A_638, %broadcast_in_dim3A_640, %select_n3A_482 : vector<256x128xi1>, vector<256x128xi32>
    %eq3A_642 = arith.cmpi eq, %select_n3A_486, %min3A_585 : vector<256x128xi32>
    %jit3A_643 = arith.constant 2147483647 : i32
    %broadcast_in_dim3A_644 = vector.broadcast %jit3A_643 : i32 to vector<256x128xi32>
    %select_n3A_645 = arith.select %eq3A_642, %broadcast_in_dim3A_644, %select_n3A_486 : vector<256x128xi1>, vector<256x128xi32>
    %eq3A_646 = arith.cmpi eq, %select_n3A_490, %min3A_585 : vector<256x128xi32>
    %jit3A_647 = arith.constant 2147483647 : i32
    %broadcast_in_dim3A_648 = vector.broadcast %jit3A_647 : i32 to vector<256x128xi32>
    %select_n3A_649 = arith.select %eq3A_646, %broadcast_in_dim3A_648, %select_n3A_490 : vector<256x128xi1>, vector<256x128xi32>
    %eq3A_650 = arith.cmpi eq, %select_n3A_494, %min3A_585 : vector<256x128xi32>
    %jit3A_651 = arith.constant 2147483647 : i32
    %broadcast_in_dim3A_652 = vector.broadcast %jit3A_651 : i32 to vector<256x128xi32>
    %select_n3A_653 = arith.select %eq3A_650, %broadcast_in_dim3A_652, %select_n3A_494 : vector<256x128xi1>, vector<256x128xi32>
    %eq3A_654 = arith.cmpi eq, %select_n3A_498, %min3A_585 : vector<256x128xi32>
    %jit3A_655 = arith.constant 2147483647 : i32
    %broadcast_in_dim3A_656 = vector.broadcast %jit3A_655 : i32 to vector<256x128xi32>
    %select_n3A_657 = arith.select %eq3A_654, %broadcast_in_dim3A_656, %select_n3A_498 : vector<256x128xi1>, vector<256x128xi32>
    %eq3A_658 = arith.cmpi eq, %select_n3A_502, %min3A_585 : vector<256x128xi32>
    %jit3A_659 = arith.constant 2147483647 : i32
    %broadcast_in_dim3A_660 = vector.broadcast %jit3A_659 : i32 to vector<256x128xi32>
    %select_n3A_661 = arith.select %eq3A_658, %broadcast_in_dim3A_660, %select_n3A_502 : vector<256x128xi1>, vector<256x128xi32>
    %eq3A_662 = arith.cmpi eq, %select_n3A_506, %min3A_585 : vector<256x128xi32>
    %jit3A_663 = arith.constant 2147483647 : i32
    %broadcast_in_dim3A_664 = vector.broadcast %jit3A_663 : i32 to vector<256x128xi32>
    %select_n3A_665 = arith.select %eq3A_662, %broadcast_in_dim3A_664, %select_n3A_506 : vector<256x128xi1>, vector<256x128xi32>
    %eq3A_666 = arith.cmpi eq, %select_n3A_510, %min3A_585 : vector<256x128xi32>
    %jit3A_667 = arith.constant 2147483647 : i32
    %broadcast_in_dim3A_668 = vector.broadcast %jit3A_667 : i32 to vector<256x128xi32>
    %select_n3A_669 = arith.select %eq3A_666, %broadcast_in_dim3A_668, %select_n3A_510 : vector<256x128xi1>, vector<256x128xi32>
    %eq3A_670 = arith.cmpi eq, %select_n3A_514, %min3A_585 : vector<256x128xi32>
    %jit3A_671 = arith.constant 2147483647 : i32
    %broadcast_in_dim3A_672 = vector.broadcast %jit3A_671 : i32 to vector<256x128xi32>
    %select_n3A_673 = arith.select %eq3A_670, %broadcast_in_dim3A_672, %select_n3A_514 : vector<256x128xi1>, vector<256x128xi32>
    %eq3A_674 = arith.cmpi eq, %select_n3A_518, %min3A_585 : vector<256x128xi32>
    %jit3A_675 = arith.constant 2147483647 : i32
    %broadcast_in_dim3A_676 = vector.broadcast %jit3A_675 : i32 to vector<256x128xi32>
    %select_n3A_677 = arith.select %eq3A_674, %broadcast_in_dim3A_676, %select_n3A_518 : vector<256x128xi1>, vector<256x128xi32>
    %eq3A_678 = arith.cmpi eq, %select_n3A_522, %min3A_585 : vector<256x128xi32>
    %jit3A_679 = arith.constant 2147483647 : i32
    %broadcast_in_dim3A_680 = vector.broadcast %jit3A_679 : i32 to vector<256x128xi32>
    %select_n3A_681 = arith.select %eq3A_678, %broadcast_in_dim3A_680, %select_n3A_522 : vector<256x128xi1>, vector<256x128xi32>
    %eq3A_682 = arith.cmpi eq, %select_n3A_526, %min3A_585 : vector<256x128xi32>
    %jit3A_683 = arith.constant 2147483647 : i32
    %broadcast_in_dim3A_684 = vector.broadcast %jit3A_683 : i32 to vector<256x128xi32>
    %select_n3A_685 = arith.select %eq3A_682, %broadcast_in_dim3A_684, %select_n3A_526 : vector<256x128xi1>, vector<256x128xi32>
    %eq3A_686 = arith.cmpi eq, %select_n3A_530, %min3A_585 : vector<256x128xi32>
    %jit3A_687 = arith.constant 2147483647 : i32
    %broadcast_in_dim3A_688 = vector.broadcast %jit3A_687 : i32 to vector<256x128xi32>
    %select_n3A_689 = arith.select %eq3A_686, %broadcast_in_dim3A_688, %select_n3A_530 : vector<256x128xi1>, vector<256x128xi32>
    %eq3A_690 = arith.cmpi eq, %select_n3A_534, %min3A_585 : vector<256x128xi32>
    %jit3A_691 = arith.constant 2147483647 : i32
    %broadcast_in_dim3A_692 = vector.broadcast %jit3A_691 : i32 to vector<256x128xi32>
    %select_n3A_693 = arith.select %eq3A_690, %broadcast_in_dim3A_692, %select_n3A_534 : vector<256x128xi1>, vector<256x128xi32>
    %eq3A_694 = arith.cmpi eq, %select_n3A_538, %min3A_585 : vector<256x128xi32>
    %jit3A_695 = arith.constant 2147483647 : i32
    %broadcast_in_dim3A_696 = vector.broadcast %jit3A_695 : i32 to vector<256x128xi32>
    %select_n3A_697 = arith.select %eq3A_694, %broadcast_in_dim3A_696, %select_n3A_538 : vector<256x128xi1>, vector<256x128xi32>
    %eq3A_698 = arith.cmpi eq, %select_n3A_542, %min3A_585 : vector<256x128xi32>
    %jit3A_699 = arith.constant 2147483647 : i32
    %broadcast_in_dim3A_700 = vector.broadcast %jit3A_699 : i32 to vector<256x128xi32>
    %select_n3A_701 = arith.select %eq3A_698, %broadcast_in_dim3A_700, %select_n3A_542 : vector<256x128xi1>, vector<256x128xi32>
    %eq3A_702 = arith.cmpi eq, %select_n3A_546, %min3A_585 : vector<256x128xi32>
    %jit3A_703 = arith.constant 2147483647 : i32
    %broadcast_in_dim3A_704 = vector.broadcast %jit3A_703 : i32 to vector<256x128xi32>
    %select_n3A_705 = arith.select %eq3A_702, %broadcast_in_dim3A_704, %select_n3A_546 : vector<256x128xi1>, vector<256x128xi32>
    %eq3A_706 = arith.cmpi eq, %select_n3A_550, %min3A_585 : vector<256x128xi32>
    %jit3A_707 = arith.constant 2147483647 : i32
    %broadcast_in_dim3A_708 = vector.broadcast %jit3A_707 : i32 to vector<256x128xi32>
    %select_n3A_709 = arith.select %eq3A_706, %broadcast_in_dim3A_708, %select_n3A_550 : vector<256x128xi1>, vector<256x128xi32>
    %eq3A_710 = arith.cmpi eq, %select_n3A_554, %min3A_585 : vector<256x128xi32>
    %jit3A_711 = arith.constant 2147483647 : i32
    %broadcast_in_dim3A_712 = vector.broadcast %jit3A_711 : i32 to vector<256x128xi32>
    %select_n3A_713 = arith.select %eq3A_710, %broadcast_in_dim3A_712, %select_n3A_554 : vector<256x128xi1>, vector<256x128xi32>
    %min3A_714 = arith.minsi %select_n3A_589, %select_n3A_593 : vector<256x128xi32>
    %min3A_715 = arith.minsi %min3A_714, %select_n3A_597 : vector<256x128xi32>
    %min3A_716 = arith.minsi %min3A_715, %select_n3A_601 : vector<256x128xi32>
    %min3A_717 = arith.minsi %min3A_716, %select_n3A_605 : vector<256x128xi32>
    %min3A_718 = arith.minsi %min3A_717, %select_n3A_609 : vector<256x128xi32>
    %min3A_719 = arith.minsi %min3A_718, %select_n3A_613 : vector<256x128xi32>
    %min3A_720 = arith.minsi %min3A_719, %select_n3A_617 : vector<256x128xi32>
    %min3A_721 = arith.minsi %min3A_720, %select_n3A_621 : vector<256x128xi32>
    %min3A_722 = arith.minsi %min3A_721, %select_n3A_625 : vector<256x128xi32>
    %min3A_723 = arith.minsi %min3A_722, %select_n3A_629 : vector<256x128xi32>
    %min3A_724 = arith.minsi %min3A_723, %select_n3A_633 : vector<256x128xi32>
    %min3A_725 = arith.minsi %min3A_724, %select_n3A_637 : vector<256x128xi32>
    %min3A_726 = arith.minsi %min3A_725, %select_n3A_641 : vector<256x128xi32>
    %min3A_727 = arith.minsi %min3A_726, %select_n3A_645 : vector<256x128xi32>
    %min3A_728 = arith.minsi %min3A_727, %select_n3A_649 : vector<256x128xi32>
    %min3A_729 = arith.minsi %min3A_728, %select_n3A_653 : vector<256x128xi32>
    %min3A_730 = arith.minsi %min3A_729, %select_n3A_657 : vector<256x128xi32>
    %min3A_731 = arith.minsi %min3A_730, %select_n3A_661 : vector<256x128xi32>
    %min3A_732 = arith.minsi %min3A_731, %select_n3A_665 : vector<256x128xi32>
    %min3A_733 = arith.minsi %min3A_732, %select_n3A_669 : vector<256x128xi32>
    %min3A_734 = arith.minsi %min3A_733, %select_n3A_673 : vector<256x128xi32>
    %min3A_735 = arith.minsi %min3A_734, %select_n3A_677 : vector<256x128xi32>
    %min3A_736 = arith.minsi %min3A_735, %select_n3A_681 : vector<256x128xi32>
    %min3A_737 = arith.minsi %min3A_736, %select_n3A_685 : vector<256x128xi32>
    %min3A_738 = arith.minsi %min3A_737, %select_n3A_689 : vector<256x128xi32>
    %min3A_739 = arith.minsi %min3A_738, %select_n3A_693 : vector<256x128xi32>
    %min3A_740 = arith.minsi %min3A_739, %select_n3A_697 : vector<256x128xi32>
    %min3A_741 = arith.minsi %min3A_740, %select_n3A_701 : vector<256x128xi32>
    %min3A_742 = arith.minsi %min3A_741, %select_n3A_705 : vector<256x128xi32>
    %min3A_743 = arith.minsi %min3A_742, %select_n3A_709 : vector<256x128xi32>
    %min3A_744 = arith.minsi %min3A_743, %select_n3A_713 : vector<256x128xi32>
    %eq3A_745 = arith.cmpi eq, %select_n3A_589, %min3A_744 : vector<256x128xi32>
    %jit3A_746 = arith.constant 2147483647 : i32
    %broadcast_in_dim3A_747 = vector.broadcast %jit3A_746 : i32 to vector<256x128xi32>
    %select_n3A_748 = arith.select %eq3A_745, %broadcast_in_dim3A_747, %select_n3A_589 : vector<256x128xi1>, vector<256x128xi32>
    %eq3A_749 = arith.cmpi eq, %select_n3A_593, %min3A_744 : vector<256x128xi32>
    %jit3A_750 = arith.constant 2147483647 : i32
    %broadcast_in_dim3A_751 = vector.broadcast %jit3A_750 : i32 to vector<256x128xi32>
    %select_n3A_752 = arith.select %eq3A_749, %broadcast_in_dim3A_751, %select_n3A_593 : vector<256x128xi1>, vector<256x128xi32>
    %eq3A_753 = arith.cmpi eq, %select_n3A_597, %min3A_744 : vector<256x128xi32>
    %jit3A_754 = arith.constant 2147483647 : i32
    %broadcast_in_dim3A_755 = vector.broadcast %jit3A_754 : i32 to vector<256x128xi32>
    %select_n3A_756 = arith.select %eq3A_753, %broadcast_in_dim3A_755, %select_n3A_597 : vector<256x128xi1>, vector<256x128xi32>
    %eq3A_757 = arith.cmpi eq, %select_n3A_601, %min3A_744 : vector<256x128xi32>
    %jit3A_758 = arith.constant 2147483647 : i32
    %broadcast_in_dim3A_759 = vector.broadcast %jit3A_758 : i32 to vector<256x128xi32>
    %select_n3A_760 = arith.select %eq3A_757, %broadcast_in_dim3A_759, %select_n3A_601 : vector<256x128xi1>, vector<256x128xi32>
    %eq3A_761 = arith.cmpi eq, %select_n3A_605, %min3A_744 : vector<256x128xi32>
    %jit3A_762 = arith.constant 2147483647 : i32
    %broadcast_in_dim3A_763 = vector.broadcast %jit3A_762 : i32 to vector<256x128xi32>
    %select_n3A_764 = arith.select %eq3A_761, %broadcast_in_dim3A_763, %select_n3A_605 : vector<256x128xi1>, vector<256x128xi32>
    %eq3A_765 = arith.cmpi eq, %select_n3A_609, %min3A_744 : vector<256x128xi32>
    %jit3A_766 = arith.constant 2147483647 : i32
    %broadcast_in_dim3A_767 = vector.broadcast %jit3A_766 : i32 to vector<256x128xi32>
    %select_n3A_768 = arith.select %eq3A_765, %broadcast_in_dim3A_767, %select_n3A_609 : vector<256x128xi1>, vector<256x128xi32>
    %eq3A_769 = arith.cmpi eq, %select_n3A_613, %min3A_744 : vector<256x128xi32>
    %jit3A_770 = arith.constant 2147483647 : i32
    %broadcast_in_dim3A_771 = vector.broadcast %jit3A_770 : i32 to vector<256x128xi32>
    %select_n3A_772 = arith.select %eq3A_769, %broadcast_in_dim3A_771, %select_n3A_613 : vector<256x128xi1>, vector<256x128xi32>
    %eq3A_773 = arith.cmpi eq, %select_n3A_617, %min3A_744 : vector<256x128xi32>
    %jit3A_774 = arith.constant 2147483647 : i32
    %broadcast_in_dim3A_775 = vector.broadcast %jit3A_774 : i32 to vector<256x128xi32>
    %select_n3A_776 = arith.select %eq3A_773, %broadcast_in_dim3A_775, %select_n3A_617 : vector<256x128xi1>, vector<256x128xi32>
    %eq3A_777 = arith.cmpi eq, %select_n3A_621, %min3A_744 : vector<256x128xi32>
    %jit3A_778 = arith.constant 2147483647 : i32
    %broadcast_in_dim3A_779 = vector.broadcast %jit3A_778 : i32 to vector<256x128xi32>
    %select_n3A_780 = arith.select %eq3A_777, %broadcast_in_dim3A_779, %select_n3A_621 : vector<256x128xi1>, vector<256x128xi32>
    %eq3A_781 = arith.cmpi eq, %select_n3A_625, %min3A_744 : vector<256x128xi32>
    %jit3A_782 = arith.constant 2147483647 : i32
    %broadcast_in_dim3A_783 = vector.broadcast %jit3A_782 : i32 to vector<256x128xi32>
    %select_n3A_784 = arith.select %eq3A_781, %broadcast_in_dim3A_783, %select_n3A_625 : vector<256x128xi1>, vector<256x128xi32>
    %eq3A_785 = arith.cmpi eq, %select_n3A_629, %min3A_744 : vector<256x128xi32>
    %jit3A_786 = arith.constant 2147483647 : i32
    %broadcast_in_dim3A_787 = vector.broadcast %jit3A_786 : i32 to vector<256x128xi32>
    %select_n3A_788 = arith.select %eq3A_785, %broadcast_in_dim3A_787, %select_n3A_629 : vector<256x128xi1>, vector<256x128xi32>
    %eq3A_789 = arith.cmpi eq, %select_n3A_633, %min3A_744 : vector<256x128xi32>
    %jit3A_790 = arith.constant 2147483647 : i32
    %broadcast_in_dim3A_791 = vector.broadcast %jit3A_790 : i32 to vector<256x128xi32>
    %select_n3A_792 = arith.select %eq3A_789, %broadcast_in_dim3A_791, %select_n3A_633 : vector<256x128xi1>, vector<256x128xi32>
    %eq3A_793 = arith.cmpi eq, %select_n3A_637, %min3A_744 : vector<256x128xi32>
    %jit3A_794 = arith.constant 2147483647 : i32
    %broadcast_in_dim3A_795 = vector.broadcast %jit3A_794 : i32 to vector<256x128xi32>
    %select_n3A_796 = arith.select %eq3A_793, %broadcast_in_dim3A_795, %select_n3A_637 : vector<256x128xi1>, vector<256x128xi32>
    %eq3A_797 = arith.cmpi eq, %select_n3A_641, %min3A_744 : vector<256x128xi32>
    %jit3A_798 = arith.constant 2147483647 : i32
    %broadcast_in_dim3A_799 = vector.broadcast %jit3A_798 : i32 to vector<256x128xi32>
    %select_n3A_800 = arith.select %eq3A_797, %broadcast_in_dim3A_799, %select_n3A_641 : vector<256x128xi1>, vector<256x128xi32>
    %eq3A_801 = arith.cmpi eq, %select_n3A_645, %min3A_744 : vector<256x128xi32>
    %jit3A_802 = arith.constant 2147483647 : i32
    %broadcast_in_dim3A_803 = vector.broadcast %jit3A_802 : i32 to vector<256x128xi32>
    %select_n3A_804 = arith.select %eq3A_801, %broadcast_in_dim3A_803, %select_n3A_645 : vector<256x128xi1>, vector<256x128xi32>
    %eq3A_805 = arith.cmpi eq, %select_n3A_649, %min3A_744 : vector<256x128xi32>
    %jit3A_806 = arith.constant 2147483647 : i32
    %broadcast_in_dim3A_807 = vector.broadcast %jit3A_806 : i32 to vector<256x128xi32>
    %select_n3A_808 = arith.select %eq3A_805, %broadcast_in_dim3A_807, %select_n3A_649 : vector<256x128xi1>, vector<256x128xi32>
    %eq3A_809 = arith.cmpi eq, %select_n3A_653, %min3A_744 : vector<256x128xi32>
    %jit3A_810 = arith.constant 2147483647 : i32
    %broadcast_in_dim3A_811 = vector.broadcast %jit3A_810 : i32 to vector<256x128xi32>
    %select_n3A_812 = arith.select %eq3A_809, %broadcast_in_dim3A_811, %select_n3A_653 : vector<256x128xi1>, vector<256x128xi32>
    %eq3A_813 = arith.cmpi eq, %select_n3A_657, %min3A_744 : vector<256x128xi32>
    %jit3A_814 = arith.constant 2147483647 : i32
    %broadcast_in_dim3A_815 = vector.broadcast %jit3A_814 : i32 to vector<256x128xi32>
    %select_n3A_816 = arith.select %eq3A_813, %broadcast_in_dim3A_815, %select_n3A_657 : vector<256x128xi1>, vector<256x128xi32>
    %eq3A_817 = arith.cmpi eq, %select_n3A_661, %min3A_744 : vector<256x128xi32>
    %jit3A_818 = arith.constant 2147483647 : i32
    %broadcast_in_dim3A_819 = vector.broadcast %jit3A_818 : i32 to vector<256x128xi32>
    %select_n3A_820 = arith.select %eq3A_817, %broadcast_in_dim3A_819, %select_n3A_661 : vector<256x128xi1>, vector<256x128xi32>
    %eq3A_821 = arith.cmpi eq, %select_n3A_665, %min3A_744 : vector<256x128xi32>
    %jit3A_822 = arith.constant 2147483647 : i32
    %broadcast_in_dim3A_823 = vector.broadcast %jit3A_822 : i32 to vector<256x128xi32>
    %select_n3A_824 = arith.select %eq3A_821, %broadcast_in_dim3A_823, %select_n3A_665 : vector<256x128xi1>, vector<256x128xi32>
    %eq3A_825 = arith.cmpi eq, %select_n3A_669, %min3A_744 : vector<256x128xi32>
    %jit3A_826 = arith.constant 2147483647 : i32
    %broadcast_in_dim3A_827 = vector.broadcast %jit3A_826 : i32 to vector<256x128xi32>
    %select_n3A_828 = arith.select %eq3A_825, %broadcast_in_dim3A_827, %select_n3A_669 : vector<256x128xi1>, vector<256x128xi32>
    %eq3A_829 = arith.cmpi eq, %select_n3A_673, %min3A_744 : vector<256x128xi32>
    %jit3A_830 = arith.constant 2147483647 : i32
    %broadcast_in_dim3A_831 = vector.broadcast %jit3A_830 : i32 to vector<256x128xi32>
    %select_n3A_832 = arith.select %eq3A_829, %broadcast_in_dim3A_831, %select_n3A_673 : vector<256x128xi1>, vector<256x128xi32>
    %eq3A_833 = arith.cmpi eq, %select_n3A_677, %min3A_744 : vector<256x128xi32>
    %jit3A_834 = arith.constant 2147483647 : i32
    %broadcast_in_dim3A_835 = vector.broadcast %jit3A_834 : i32 to vector<256x128xi32>
    %select_n3A_836 = arith.select %eq3A_833, %broadcast_in_dim3A_835, %select_n3A_677 : vector<256x128xi1>, vector<256x128xi32>
    %eq3A_837 = arith.cmpi eq, %select_n3A_681, %min3A_744 : vector<256x128xi32>
    %jit3A_838 = arith.constant 2147483647 : i32
    %broadcast_in_dim3A_839 = vector.broadcast %jit3A_838 : i32 to vector<256x128xi32>
    %select_n3A_840 = arith.select %eq3A_837, %broadcast_in_dim3A_839, %select_n3A_681 : vector<256x128xi1>, vector<256x128xi32>
    %eq3A_841 = arith.cmpi eq, %select_n3A_685, %min3A_744 : vector<256x128xi32>
    %jit3A_842 = arith.constant 2147483647 : i32
    %broadcast_in_dim3A_843 = vector.broadcast %jit3A_842 : i32 to vector<256x128xi32>
    %select_n3A_844 = arith.select %eq3A_841, %broadcast_in_dim3A_843, %select_n3A_685 : vector<256x128xi1>, vector<256x128xi32>
    %eq3A_845 = arith.cmpi eq, %select_n3A_689, %min3A_744 : vector<256x128xi32>
    %jit3A_846 = arith.constant 2147483647 : i32
    %broadcast_in_dim3A_847 = vector.broadcast %jit3A_846 : i32 to vector<256x128xi32>
    %select_n3A_848 = arith.select %eq3A_845, %broadcast_in_dim3A_847, %select_n3A_689 : vector<256x128xi1>, vector<256x128xi32>
    %eq3A_849 = arith.cmpi eq, %select_n3A_693, %min3A_744 : vector<256x128xi32>
    %jit3A_850 = arith.constant 2147483647 : i32
    %broadcast_in_dim3A_851 = vector.broadcast %jit3A_850 : i32 to vector<256x128xi32>
    %select_n3A_852 = arith.select %eq3A_849, %broadcast_in_dim3A_851, %select_n3A_693 : vector<256x128xi1>, vector<256x128xi32>
    %eq3A_853 = arith.cmpi eq, %select_n3A_697, %min3A_744 : vector<256x128xi32>
    %jit3A_854 = arith.constant 2147483647 : i32
    %broadcast_in_dim3A_855 = vector.broadcast %jit3A_854 : i32 to vector<256x128xi32>
    %select_n3A_856 = arith.select %eq3A_853, %broadcast_in_dim3A_855, %select_n3A_697 : vector<256x128xi1>, vector<256x128xi32>
    %eq3A_857 = arith.cmpi eq, %select_n3A_701, %min3A_744 : vector<256x128xi32>
    %jit3A_858 = arith.constant 2147483647 : i32
    %broadcast_in_dim3A_859 = vector.broadcast %jit3A_858 : i32 to vector<256x128xi32>
    %select_n3A_860 = arith.select %eq3A_857, %broadcast_in_dim3A_859, %select_n3A_701 : vector<256x128xi1>, vector<256x128xi32>
    %eq3A_861 = arith.cmpi eq, %select_n3A_705, %min3A_744 : vector<256x128xi32>
    %jit3A_862 = arith.constant 2147483647 : i32
    %broadcast_in_dim3A_863 = vector.broadcast %jit3A_862 : i32 to vector<256x128xi32>
    %select_n3A_864 = arith.select %eq3A_861, %broadcast_in_dim3A_863, %select_n3A_705 : vector<256x128xi1>, vector<256x128xi32>
    %eq3A_865 = arith.cmpi eq, %select_n3A_709, %min3A_744 : vector<256x128xi32>
    %jit3A_866 = arith.constant 2147483647 : i32
    %broadcast_in_dim3A_867 = vector.broadcast %jit3A_866 : i32 to vector<256x128xi32>
    %select_n3A_868 = arith.select %eq3A_865, %broadcast_in_dim3A_867, %select_n3A_709 : vector<256x128xi1>, vector<256x128xi32>
    %eq3A_869 = arith.cmpi eq, %select_n3A_713, %min3A_744 : vector<256x128xi32>
    %jit3A_870 = arith.constant 2147483647 : i32
    %broadcast_in_dim3A_871 = vector.broadcast %jit3A_870 : i32 to vector<256x128xi32>
    %select_n3A_872 = arith.select %eq3A_869, %broadcast_in_dim3A_871, %select_n3A_713 : vector<256x128xi1>, vector<256x128xi32>
    %min3A_873 = arith.minsi %select_n3A_748, %select_n3A_752 : vector<256x128xi32>
    %min3A_874 = arith.minsi %min3A_873, %select_n3A_756 : vector<256x128xi32>
    %min3A_875 = arith.minsi %min3A_874, %select_n3A_760 : vector<256x128xi32>
    %min3A_876 = arith.minsi %min3A_875, %select_n3A_764 : vector<256x128xi32>
    %min3A_877 = arith.minsi %min3A_876, %select_n3A_768 : vector<256x128xi32>
    %min3A_878 = arith.minsi %min3A_877, %select_n3A_772 : vector<256x128xi32>
    %min3A_879 = arith.minsi %min3A_878, %select_n3A_776 : vector<256x128xi32>
    %min3A_880 = arith.minsi %min3A_879, %select_n3A_780 : vector<256x128xi32>
    %min3A_881 = arith.minsi %min3A_880, %select_n3A_784 : vector<256x128xi32>
    %min3A_882 = arith.minsi %min3A_881, %select_n3A_788 : vector<256x128xi32>
    %min3A_883 = arith.minsi %min3A_882, %select_n3A_792 : vector<256x128xi32>
    %min3A_884 = arith.minsi %min3A_883, %select_n3A_796 : vector<256x128xi32>
    %min3A_885 = arith.minsi %min3A_884, %select_n3A_800 : vector<256x128xi32>
    %min3A_886 = arith.minsi %min3A_885, %select_n3A_804 : vector<256x128xi32>
    %min3A_887 = arith.minsi %min3A_886, %select_n3A_808 : vector<256x128xi32>
    %min3A_888 = arith.minsi %min3A_887, %select_n3A_812 : vector<256x128xi32>
    %min3A_889 = arith.minsi %min3A_888, %select_n3A_816 : vector<256x128xi32>
    %min3A_890 = arith.minsi %min3A_889, %select_n3A_820 : vector<256x128xi32>
    %min3A_891 = arith.minsi %min3A_890, %select_n3A_824 : vector<256x128xi32>
    %min3A_892 = arith.minsi %min3A_891, %select_n3A_828 : vector<256x128xi32>
    %min3A_893 = arith.minsi %min3A_892, %select_n3A_832 : vector<256x128xi32>
    %min3A_894 = arith.minsi %min3A_893, %select_n3A_836 : vector<256x128xi32>
    %min3A_895 = arith.minsi %min3A_894, %select_n3A_840 : vector<256x128xi32>
    %min3A_896 = arith.minsi %min3A_895, %select_n3A_844 : vector<256x128xi32>
    %min3A_897 = arith.minsi %min3A_896, %select_n3A_848 : vector<256x128xi32>
    %min3A_898 = arith.minsi %min3A_897, %select_n3A_852 : vector<256x128xi32>
    %min3A_899 = arith.minsi %min3A_898, %select_n3A_856 : vector<256x128xi32>
    %min3A_900 = arith.minsi %min3A_899, %select_n3A_860 : vector<256x128xi32>
    %min3A_901 = arith.minsi %min3A_900, %select_n3A_864 : vector<256x128xi32>
    %min3A_902 = arith.minsi %min3A_901, %select_n3A_868 : vector<256x128xi32>
    %min3A_903 = arith.minsi %min3A_902, %select_n3A_872 : vector<256x128xi32>
    %min3A_904 = arith.minsi %min3A_111, %min3A_267 : vector<256x128xi32>
    %min3A_905 = arith.minsi %min3A_904, %min3A_426 : vector<256x128xi32>
    %min3A_906 = arith.minsi %min3A_905, %min3A_585 : vector<256x128xi32>
    %min3A_907 = arith.minsi %min3A_906, %min3A_744 : vector<256x128xi32>
    %min3A_908 = arith.minsi %min3A_907, %min3A_903 : vector<256x128xi32>
    %reduce_min3A = arith.constant dense<2147483647> : vector<256xi32>
    %reduce_min3A_909 = vector.multi_reduction <minsi>, %min3A_908, %reduce_min3A [1] : vector<256x128xi32> to vector<256xi32>
    %broadcast_in_dim3A_910 = vector.shape_cast %reduce_min3A_909 : vector<256xi32> to vector<256x1xi32>
    %squeeze3A = vector.shape_cast %broadcast_in_dim3A_910 : vector<256x1xi32> to vector<256xi32>
    %and3A_911 = arith.constant 4095 : i32
    %and3A_912 = vector.broadcast %and3A_911 : i32 to vector<256xi32>
    %and3A_913 = arith.andi %squeeze3A, %and3A_912 : vector<256xi32>
    %add3A_914 = vector.broadcast %mul3A_49 : i32 to vector<256xi32>
    %add3A_915 = arith.addi %and3A_913, %add3A_914 : vector<256xi32>
    %swap3A = arith.constant 0 : index
    %swap3A_916 = arith.constant 0 : index
    %swap3A_917 = arith.constant 0 : index
    %swap3A_918 = vector.load %arg4[%swap3A, %swap3A_916, %swap3A_917] : memref<1x32x256xi32, #tpu.memory_space<vmem>>, vector<1x1x256xi32>
    %swap3A_919 = vector.shape_cast %swap3A_918 : vector<1x1x256xi32> to vector<256xi32>
    %swap3A_920 = vector.shape_cast %add3A_915 : vector<256xi32> to vector<1x1x256xi32>
    tpu.vector_store %arg4[%swap3A, %swap3A_916, %swap3A_917], %swap3A_920 {strides = array<i32>} : memref<1x32x256xi32, #tpu.memory_space<vmem>>, vector<1x1x256xi32>,
    %eq3A_921 = vector.broadcast %broadcast_in_dim3A_910 : vector<256x1xi32> to vector<256x128xi32>
    %eq3A_922 = arith.cmpi eq, %min3A_111, %eq3A_921 : vector<256x128xi32>
    %jit3A_923 = arith.constant 2147483647 : i32
    %broadcast_in_dim3A_924 = vector.broadcast %jit3A_923 : i32 to vector<256x128xi32>
    %select_n3A_925 = arith.select %eq3A_922, %broadcast_in_dim3A_924, %min3A_111 : vector<256x128xi1>, vector<256x128xi32>
    %eq3A_926 = vector.broadcast %broadcast_in_dim3A_910 : vector<256x1xi32> to vector<256x128xi32>
    %eq3A_927 = arith.cmpi eq, %min3A_267, %eq3A_926 : vector<256x128xi32>
    %jit3A_928 = arith.constant 2147483647 : i32
    %broadcast_in_dim3A_929 = vector.broadcast %jit3A_928 : i32 to vector<256x128xi32>
    %select_n3A_930 = arith.select %eq3A_927, %broadcast_in_dim3A_929, %min3A_267 : vector<256x128xi1>, vector<256x128xi32>
    %eq3A_931 = vector.broadcast %broadcast_in_dim3A_910 : vector<256x1xi32> to vector<256x128xi32>
    %eq3A_932 = arith.cmpi eq, %min3A_426, %eq3A_931 : vector<256x128xi32>
    %jit3A_933 = arith.constant 2147483647 : i32
    %broadcast_in_dim3A_934 = vector.broadcast %jit3A_933 : i32 to vector<256x128xi32>
    %select_n3A_935 = arith.select %eq3A_932, %broadcast_in_dim3A_934, %min3A_426 : vector<256x128xi1>, vector<256x128xi32>
    %eq3A_936 = vector.broadcast %broadcast_in_dim3A_910 : vector<256x1xi32> to vector<256x128xi32>
    %eq3A_937 = arith.cmpi eq, %min3A_585, %eq3A_936 : vector<256x128xi32>
    %jit3A_938 = arith.constant 2147483647 : i32
    %broadcast_in_dim3A_939 = vector.broadcast %jit3A_938 : i32 to vector<256x128xi32>
    %select_n3A_940 = arith.select %eq3A_937, %broadcast_in_dim3A_939, %min3A_585 : vector<256x128xi1>, vector<256x128xi32>
    %eq3A_941 = vector.broadcast %broadcast_in_dim3A_910 : vector<256x1xi32> to vector<256x128xi32>
    %eq3A_942 = arith.cmpi eq, %min3A_744, %eq3A_941 : vector<256x128xi32>
    %jit3A_943 = arith.constant 2147483647 : i32
    %broadcast_in_dim3A_944 = vector.broadcast %jit3A_943 : i32 to vector<256x128xi32>
    %select_n3A_945 = arith.select %eq3A_942, %broadcast_in_dim3A_944, %min3A_744 : vector<256x128xi1>, vector<256x128xi32>
    %eq3A_946 = vector.broadcast %broadcast_in_dim3A_910 : vector<256x1xi32> to vector<256x128xi32>
    %eq3A_947 = arith.cmpi eq, %min3A_903, %eq3A_946 : vector<256x128xi32>
    %jit3A_948 = arith.constant 2147483647 : i32
    %broadcast_in_dim3A_949 = vector.broadcast %jit3A_948 : i32 to vector<256x128xi32>
    %select_n3A_950 = arith.select %eq3A_947, %broadcast_in_dim3A_949, %min3A_903 : vector<256x128xi1>, vector<256x128xi32>
    %min3A_951 = arith.minsi %select_n3A_925, %select_n3A_930 : vector<256x128xi32>
    %min3A_952 = arith.minsi %min3A_951, %select_n3A_935 : vector<256x128xi32>
    %min3A_953 = arith.minsi %min3A_952, %select_n3A_940 : vector<256x128xi32>
    %min3A_954 = arith.minsi %min3A_953, %select_n3A_945 : vector<256x128xi32>
    %min3A_955 = arith.minsi %min3A_954, %select_n3A_950 : vector<256x128xi32>
    %reduce_min3A_956 = arith.constant dense<2147483647> : vector<256xi32>
    %reduce_min3A_957 = vector.multi_reduction <minsi>, %min3A_955, %reduce_min3A_956 [1] : vector<256x128xi32> to vector<256xi32>
    %broadcast_in_dim3A_958 = vector.shape_cast %reduce_min3A_957 : vector<256xi32> to vector<256x1xi32>
    %squeeze3A_959 = vector.shape_cast %broadcast_in_dim3A_958 : vector<256x1xi32> to vector<256xi32>
    %and3A_960 = arith.constant 4095 : i32
    %and3A_961 = vector.broadcast %and3A_960 : i32 to vector<256xi32>
    %and3A_962 = arith.andi %squeeze3A_959, %and3A_961 : vector<256xi32>
    %add3A_963 = vector.broadcast %mul3A_49 : i32 to vector<256xi32>
    %add3A_964 = arith.addi %and3A_962, %add3A_963 : vector<256xi32>
    %swap3A_965 = arith.constant 0 : index
    %swap3A_966 = arith.constant 1 : index
    %swap3A_967 = arith.constant 0 : index
    %swap3A_968 = vector.load %arg4[%swap3A_965, %swap3A_966, %swap3A_967] : memref<1x32x256xi32, #tpu.memory_space<vmem>>, vector<1x1x256xi32>
    %swap3A_969 = vector.shape_cast %swap3A_968 : vector<1x1x256xi32> to vector<256xi32>
    %swap3A_970 = vector.shape_cast %add3A_964 : vector<256xi32> to vector<1x1x256xi32>
    tpu.vector_store %arg4[%swap3A_965, %swap3A_966, %swap3A_967], %swap3A_970 {strides = array<i32>} : memref<1x32x256xi32, #tpu.memory_space<vmem>>, vector<1x1x256xi32>,
    %eq3A_971 = vector.broadcast %broadcast_in_dim3A_958 : vector<256x1xi32> to vector<256x128xi32>
    %eq3A_972 = arith.cmpi eq, %select_n3A_925, %eq3A_971 : vector<256x128xi32>
    %jit3A_973 = arith.constant 2147483647 : i32
    %broadcast_in_dim3A_974 = vector.broadcast %jit3A_973 : i32 to vector<256x128xi32>
    %select_n3A_975 = arith.select %eq3A_972, %broadcast_in_dim3A_974, %select_n3A_925 : vector<256x128xi1>, vector<256x128xi32>
    %eq3A_976 = vector.broadcast %broadcast_in_dim3A_958 : vector<256x1xi32> to vector<256x128xi32>
    %eq3A_977 = arith.cmpi eq, %select_n3A_930, %eq3A_976 : vector<256x128xi32>
    %jit3A_978 = arith.constant 2147483647 : i32
    %broadcast_in_dim3A_979 = vector.broadcast %jit3A_978 : i32 to vector<256x128xi32>
    %select_n3A_980 = arith.select %eq3A_977, %broadcast_in_dim3A_979, %select_n3A_930 : vector<256x128xi1>, vector<256x128xi32>
    %eq3A_981 = vector.broadcast %broadcast_in_dim3A_958 : vector<256x1xi32> to vector<256x128xi32>
    %eq3A_982 = arith.cmpi eq, %select_n3A_935, %eq3A_981 : vector<256x128xi32>
    %jit3A_983 = arith.constant 2147483647 : i32
    %broadcast_in_dim3A_984 = vector.broadcast %jit3A_983 : i32 to vector<256x128xi32>
    %select_n3A_985 = arith.select %eq3A_982, %broadcast_in_dim3A_984, %select_n3A_935 : vector<256x128xi1>, vector<256x128xi32>
    %eq3A_986 = vector.broadcast %broadcast_in_dim3A_958 : vector<256x1xi32> to vector<256x128xi32>
    %eq3A_987 = arith.cmpi eq, %select_n3A_940, %eq3A_986 : vector<256x128xi32>
    %jit3A_988 = arith.constant 2147483647 : i32
    %broadcast_in_dim3A_989 = vector.broadcast %jit3A_988 : i32 to vector<256x128xi32>
    %select_n3A_990 = arith.select %eq3A_987, %broadcast_in_dim3A_989, %select_n3A_940 : vector<256x128xi1>, vector<256x128xi32>
    %eq3A_991 = vector.broadcast %broadcast_in_dim3A_958 : vector<256x1xi32> to vector<256x128xi32>
    %eq3A_992 = arith.cmpi eq, %select_n3A_945, %eq3A_991 : vector<256x128xi32>
    %jit3A_993 = arith.constant 2147483647 : i32
    %broadcast_in_dim3A_994 = vector.broadcast %jit3A_993 : i32 to vector<256x128xi32>
    %select_n3A_995 = arith.select %eq3A_992, %broadcast_in_dim3A_994, %select_n3A_945 : vector<256x128xi1>, vector<256x128xi32>
    %eq3A_996 = vector.broadcast %broadcast_in_dim3A_958 : vector<256x1xi32> to vector<256x128xi32>
    %eq3A_997 = arith.cmpi eq, %select_n3A_950, %eq3A_996 : vector<256x128xi32>
    %jit3A_998 = arith.constant 2147483647 : i32
    %broadcast_in_dim3A_999 = vector.broadcast %jit3A_998 : i32 to vector<256x128xi32>
    %select_n3A_1000 = arith.select %eq3A_997, %broadcast_in_dim3A_999, %select_n3A_950 : vector<256x128xi1>, vector<256x128xi32>
    %min3A_1001 = arith.minsi %select_n3A_975, %select_n3A_980 : vector<256x128xi32>
    %min3A_1002 = arith.minsi %min3A_1001, %select_n3A_985 : vector<256x128xi32>
    %min3A_1003 = arith.minsi %min3A_1002, %select_n3A_990 : vector<256x128xi32>
    %min3A_1004 = arith.minsi %min3A_1003, %select_n3A_995 : vector<256x128xi32>
    %min3A_1005 = arith.minsi %min3A_1004, %select_n3A_1000 : vector<256x128xi32>
    %reduce_min3A_1006 = arith.constant dense<2147483647> : vector<256xi32>
    %reduce_min3A_1007 = vector.multi_reduction <minsi>, %min3A_1005, %reduce_min3A_1006 [1] : vector<256x128xi32> to vector<256xi32>
    %broadcast_in_dim3A_1008 = vector.shape_cast %reduce_min3A_1007 : vector<256xi32> to vector<256x1xi32>
    %squeeze3A_1009 = vector.shape_cast %broadcast_in_dim3A_1008 : vector<256x1xi32> to vector<256xi32>
    %and3A_1010 = arith.constant 4095 : i32
    %and3A_1011 = vector.broadcast %and3A_1010 : i32 to vector<256xi32>
    %and3A_1012 = arith.andi %squeeze3A_1009, %and3A_1011 : vector<256xi32>
    %add3A_1013 = vector.broadcast %mul3A_49 : i32 to vector<256xi32>
    %add3A_1014 = arith.addi %and3A_1012, %add3A_1013 : vector<256xi32>
    %swap3A_1015 = arith.constant 0 : index
    %swap3A_1016 = arith.constant 2 : index
    %swap3A_1017 = arith.constant 0 : index
    %swap3A_1018 = vector.load %arg4[%swap3A_1015, %swap3A_1016, %swap3A_1017] : memref<1x32x256xi32, #tpu.memory_space<vmem>>, vector<1x1x256xi32>
    %swap3A_1019 = vector.shape_cast %swap3A_1018 : vector<1x1x256xi32> to vector<256xi32>
    %swap3A_1020 = vector.shape_cast %add3A_1014 : vector<256xi32> to vector<1x1x256xi32>
    tpu.vector_store %arg4[%swap3A_1015, %swap3A_1016, %swap3A_1017], %swap3A_1020 {strides = array<i32>} : memref<1x32x256xi32, #tpu.memory_space<vmem>>, vector<1x1x256xi32>,
    %eq3A_1021 = vector.broadcast %broadcast_in_dim3A_1008 : vector<256x1xi32> to vector<256x128xi32>
    %eq3A_1022 = arith.cmpi eq, %select_n3A_975, %eq3A_1021 : vector<256x128xi32>
    %jit3A_1023 = arith.constant 2147483647 : i32
    %broadcast_in_dim3A_1024 = vector.broadcast %jit3A_1023 : i32 to vector<256x128xi32>
    %select_n3A_1025 = arith.select %eq3A_1022, %broadcast_in_dim3A_1024, %select_n3A_975 : vector<256x128xi1>, vector<256x128xi32>
    %eq3A_1026 = vector.broadcast %broadcast_in_dim3A_1008 : vector<256x1xi32> to vector<256x128xi32>
    %eq3A_1027 = arith.cmpi eq, %select_n3A_980, %eq3A_1026 : vector<256x128xi32>
    %jit3A_1028 = arith.constant 2147483647 : i32
    %broadcast_in_dim3A_1029 = vector.broadcast %jit3A_1028 : i32 to vector<256x128xi32>
    %select_n3A_1030 = arith.select %eq3A_1027, %broadcast_in_dim3A_1029, %select_n3A_980 : vector<256x128xi1>, vector<256x128xi32>
    %eq3A_1031 = vector.broadcast %broadcast_in_dim3A_1008 : vector<256x1xi32> to vector<256x128xi32>
    %eq3A_1032 = arith.cmpi eq, %select_n3A_985, %eq3A_1031 : vector<256x128xi32>
    %jit3A_1033 = arith.constant 2147483647 : i32
    %broadcast_in_dim3A_1034 = vector.broadcast %jit3A_1033 : i32 to vector<256x128xi32>
    %select_n3A_1035 = arith.select %eq3A_1032, %broadcast_in_dim3A_1034, %select_n3A_985 : vector<256x128xi1>, vector<256x128xi32>
    %eq3A_1036 = vector.broadcast %broadcast_in_dim3A_1008 : vector<256x1xi32> to vector<256x128xi32>
    %eq3A_1037 = arith.cmpi eq, %select_n3A_990, %eq3A_1036 : vector<256x128xi32>
    %jit3A_1038 = arith.constant 2147483647 : i32
    %broadcast_in_dim3A_1039 = vector.broadcast %jit3A_1038 : i32 to vector<256x128xi32>
    %select_n3A_1040 = arith.select %eq3A_1037, %broadcast_in_dim3A_1039, %select_n3A_990 : vector<256x128xi1>, vector<256x128xi32>
    %eq3A_1041 = vector.broadcast %broadcast_in_dim3A_1008 : vector<256x1xi32> to vector<256x128xi32>
    %eq3A_1042 = arith.cmpi eq, %select_n3A_995, %eq3A_1041 : vector<256x128xi32>
    %jit3A_1043 = arith.constant 2147483647 : i32
    %broadcast_in_dim3A_1044 = vector.broadcast %jit3A_1043 : i32 to vector<256x128xi32>
    %select_n3A_1045 = arith.select %eq3A_1042, %broadcast_in_dim3A_1044, %select_n3A_995 : vector<256x128xi1>, vector<256x128xi32>
    %eq3A_1046 = vector.broadcast %broadcast_in_dim3A_1008 : vector<256x1xi32> to vector<256x128xi32>
    %eq3A_1047 = arith.cmpi eq, %select_n3A_1000, %eq3A_1046 : vector<256x128xi32>
    %jit3A_1048 = arith.constant 2147483647 : i32
    %broadcast_in_dim3A_1049 = vector.broadcast %jit3A_1048 : i32 to vector<256x128xi32>
    %select_n3A_1050 = arith.select %eq3A_1047, %broadcast_in_dim3A_1049, %select_n3A_1000 : vector<256x128xi1>, vector<256x128xi32>
    %min3A_1051 = arith.minsi %select_n3A_1025, %select_n3A_1030 : vector<256x128xi32>
    %min3A_1052 = arith.minsi %min3A_1051, %select_n3A_1035 : vector<256x128xi32>
    %min3A_1053 = arith.minsi %min3A_1052, %select_n3A_1040 : vector<256x128xi32>
    %min3A_1054 = arith.minsi %min3A_1053, %select_n3A_1045 : vector<256x128xi32>
    %min3A_1055 = arith.minsi %min3A_1054, %select_n3A_1050 : vector<256x128xi32>
    %reduce_min3A_1056 = arith.constant dense<2147483647> : vector<256xi32>
    %reduce_min3A_1057 = vector.multi_reduction <minsi>, %min3A_1055, %reduce_min3A_1056 [1] : vector<256x128xi32> to vector<256xi32>
    %broadcast_in_dim3A_1058 = vector.shape_cast %reduce_min3A_1057 : vector<256xi32> to vector<256x1xi32>
    %squeeze3A_1059 = vector.shape_cast %broadcast_in_dim3A_1058 : vector<256x1xi32> to vector<256xi32>
    %and3A_1060 = arith.constant 4095 : i32
    %and3A_1061 = vector.broadcast %and3A_1060 : i32 to vector<256xi32>
    %and3A_1062 = arith.andi %squeeze3A_1059, %and3A_1061 : vector<256xi32>
    %add3A_1063 = vector.broadcast %mul3A_49 : i32 to vector<256xi32>
    %add3A_1064 = arith.addi %and3A_1062, %add3A_1063 : vector<256xi32>
    %swap3A_1065 = arith.constant 0 : index
    %swap3A_1066 = arith.constant 3 : index
    %swap3A_1067 = arith.constant 0 : index
    %swap3A_1068 = vector.load %arg4[%swap3A_1065, %swap3A_1066, %swap3A_1067] : memref<1x32x256xi32, #tpu.memory_space<vmem>>, vector<1x1x256xi32>
    %swap3A_1069 = vector.shape_cast %swap3A_1068 : vector<1x1x256xi32> to vector<256xi32>
    %swap3A_1070 = vector.shape_cast %add3A_1064 : vector<256xi32> to vector<1x1x256xi32>
    tpu.vector_store %arg4[%swap3A_1065, %swap3A_1066, %swap3A_1067], %swap3A_1070 {strides = array<i32>} : memref<1x32x256xi32, #tpu.memory_space<vmem>>, vector<1x1x256xi32>,
    %eq3A_1071 = vector.broadcast %broadcast_in_dim3A_1058 : vector<256x1xi32> to vector<256x128xi32>
    %eq3A_1072 = arith.cmpi eq, %select_n3A_1025, %eq3A_1071 : vector<256x128xi32>
    %jit3A_1073 = arith.constant 2147483647 : i32
    %broadcast_in_dim3A_1074 = vector.broadcast %jit3A_1073 : i32 to vector<256x128xi32>
    %select_n3A_1075 = arith.select %eq3A_1072, %broadcast_in_dim3A_1074, %select_n3A_1025 : vector<256x128xi1>, vector<256x128xi32>
    %eq3A_1076 = vector.broadcast %broadcast_in_dim3A_1058 : vector<256x1xi32> to vector<256x128xi32>
    %eq3A_1077 = arith.cmpi eq, %select_n3A_1030, %eq3A_1076 : vector<256x128xi32>
    %jit3A_1078 = arith.constant 2147483647 : i32
    %broadcast_in_dim3A_1079 = vector.broadcast %jit3A_1078 : i32 to vector<256x128xi32>
    %select_n3A_1080 = arith.select %eq3A_1077, %broadcast_in_dim3A_1079, %select_n3A_1030 : vector<256x128xi1>, vector<256x128xi32>
    %eq3A_1081 = vector.broadcast %broadcast_in_dim3A_1058 : vector<256x1xi32> to vector<256x128xi32>
    %eq3A_1082 = arith.cmpi eq, %select_n3A_1035, %eq3A_1081 : vector<256x128xi32>
    %jit3A_1083 = arith.constant 2147483647 : i32
    %broadcast_in_dim3A_1084 = vector.broadcast %jit3A_1083 : i32 to vector<256x128xi32>
    %select_n3A_1085 = arith.select %eq3A_1082, %broadcast_in_dim3A_1084, %select_n3A_1035 : vector<256x128xi1>, vector<256x128xi32>
    %eq3A_1086 = vector.broadcast %broadcast_in_dim3A_1058 : vector<256x1xi32> to vector<256x128xi32>
    %eq3A_1087 = arith.cmpi eq, %select_n3A_1040, %eq3A_1086 : vector<256x128xi32>
    %jit3A_1088 = arith.constant 2147483647 : i32
    %broadcast_in_dim3A_1089 = vector.broadcast %jit3A_1088 : i32 to vector<256x128xi32>
    %select_n3A_1090 = arith.select %eq3A_1087, %broadcast_in_dim3A_1089, %select_n3A_1040 : vector<256x128xi1>, vector<256x128xi32>
    %eq3A_1091 = vector.broadcast %broadcast_in_dim3A_1058 : vector<256x1xi32> to vector<256x128xi32>
    %eq3A_1092 = arith.cmpi eq, %select_n3A_1045, %eq3A_1091 : vector<256x128xi32>
    %jit3A_1093 = arith.constant 2147483647 : i32
    %broadcast_in_dim3A_1094 = vector.broadcast %jit3A_1093 : i32 to vector<256x128xi32>
    %select_n3A_1095 = arith.select %eq3A_1092, %broadcast_in_dim3A_1094, %select_n3A_1045 : vector<256x128xi1>, vector<256x128xi32>
    %eq3A_1096 = vector.broadcast %broadcast_in_dim3A_1058 : vector<256x1xi32> to vector<256x128xi32>
    %eq3A_1097 = arith.cmpi eq, %select_n3A_1050, %eq3A_1096 : vector<256x128xi32>
    %jit3A_1098 = arith.constant 2147483647 : i32
    %broadcast_in_dim3A_1099 = vector.broadcast %jit3A_1098 : i32 to vector<256x128xi32>
    %select_n3A_1100 = arith.select %eq3A_1097, %broadcast_in_dim3A_1099, %select_n3A_1050 : vector<256x128xi1>, vector<256x128xi32>
    %min3A_1101 = arith.minsi %select_n3A_1075, %select_n3A_1080 : vector<256x128xi32>
    %min3A_1102 = arith.minsi %min3A_1101, %select_n3A_1085 : vector<256x128xi32>
    %min3A_1103 = arith.minsi %min3A_1102, %select_n3A_1090 : vector<256x128xi32>
    %min3A_1104 = arith.minsi %min3A_1103, %select_n3A_1095 : vector<256x128xi32>
    %min3A_1105 = arith.minsi %min3A_1104, %select_n3A_1100 : vector<256x128xi32>
    %reduce_min3A_1106 = arith.constant dense<2147483647> : vector<256xi32>
    %reduce_min3A_1107 = vector.multi_reduction <minsi>, %min3A_1105, %reduce_min3A_1106 [1] : vector<256x128xi32> to vector<256xi32>
    %broadcast_in_dim3A_1108 = vector.shape_cast %reduce_min3A_1107 : vector<256xi32> to vector<256x1xi32>
    %squeeze3A_1109 = vector.shape_cast %broadcast_in_dim3A_1108 : vector<256x1xi32> to vector<256xi32>
    %and3A_1110 = arith.constant 4095 : i32
    %and3A_1111 = vector.broadcast %and3A_1110 : i32 to vector<256xi32>
    %and3A_1112 = arith.andi %squeeze3A_1109, %and3A_1111 : vector<256xi32>
    %add3A_1113 = vector.broadcast %mul3A_49 : i32 to vector<256xi32>
    %add3A_1114 = arith.addi %and3A_1112, %add3A_1113 : vector<256xi32>
    %swap3A_1115 = arith.constant 0 : index
    %swap3A_1116 = arith.constant 4 : index
    %swap3A_1117 = arith.constant 0 : index
    %swap3A_1118 = vector.load %arg4[%swap3A_1115, %swap3A_1116, %swap3A_1117] : memref<1x32x256xi32, #tpu.memory_space<vmem>>, vector<1x1x256xi32>
    %swap3A_1119 = vector.shape_cast %swap3A_1118 : vector<1x1x256xi32> to vector<256xi32>
    %swap3A_1120 = vector.shape_cast %add3A_1114 : vector<256xi32> to vector<1x1x256xi32>
    tpu.vector_store %arg4[%swap3A_1115, %swap3A_1116, %swap3A_1117], %swap3A_1120 {strides = array<i32>} : memref<1x32x256xi32, #tpu.memory_space<vmem>>, vector<1x1x256xi32>,
    %eq3A_1121 = vector.broadcast %broadcast_in_dim3A_1108 : vector<256x1xi32> to vector<256x128xi32>
    %eq3A_1122 = arith.cmpi eq, %select_n3A_1075, %eq3A_1121 : vector<256x128xi32>
    %jit3A_1123 = arith.constant 2147483647 : i32
    %broadcast_in_dim3A_1124 = vector.broadcast %jit3A_1123 : i32 to vector<256x128xi32>
    %select_n3A_1125 = arith.select %eq3A_1122, %broadcast_in_dim3A_1124, %select_n3A_1075 : vector<256x128xi1>, vector<256x128xi32>
    %eq3A_1126 = vector.broadcast %broadcast_in_dim3A_1108 : vector<256x1xi32> to vector<256x128xi32>
    %eq3A_1127 = arith.cmpi eq, %select_n3A_1080, %eq3A_1126 : vector<256x128xi32>
    %jit3A_1128 = arith.constant 2147483647 : i32
    %broadcast_in_dim3A_1129 = vector.broadcast %jit3A_1128 : i32 to vector<256x128xi32>
    %select_n3A_1130 = arith.select %eq3A_1127, %broadcast_in_dim3A_1129, %select_n3A_1080 : vector<256x128xi1>, vector<256x128xi32>
    %eq3A_1131 = vector.broadcast %broadcast_in_dim3A_1108 : vector<256x1xi32> to vector<256x128xi32>
    %eq3A_1132 = arith.cmpi eq, %select_n3A_1085, %eq3A_1131 : vector<256x128xi32>
    %jit3A_1133 = arith.constant 2147483647 : i32
    %broadcast_in_dim3A_1134 = vector.broadcast %jit3A_1133 : i32 to vector<256x128xi32>
    %select_n3A_1135 = arith.select %eq3A_1132, %broadcast_in_dim3A_1134, %select_n3A_1085 : vector<256x128xi1>, vector<256x128xi32>
    %eq3A_1136 = vector.broadcast %broadcast_in_dim3A_1108 : vector<256x1xi32> to vector<256x128xi32>
    %eq3A_1137 = arith.cmpi eq, %select_n3A_1090, %eq3A_1136 : vector<256x128xi32>
    %jit3A_1138 = arith.constant 2147483647 : i32
    %broadcast_in_dim3A_1139 = vector.broadcast %jit3A_1138 : i32 to vector<256x128xi32>
    %select_n3A_1140 = arith.select %eq3A_1137, %broadcast_in_dim3A_1139, %select_n3A_1090 : vector<256x128xi1>, vector<256x128xi32>
    %eq3A_1141 = vector.broadcast %broadcast_in_dim3A_1108 : vector<256x1xi32> to vector<256x128xi32>
    %eq3A_1142 = arith.cmpi eq, %select_n3A_1095, %eq3A_1141 : vector<256x128xi32>
    %jit3A_1143 = arith.constant 2147483647 : i32
    %broadcast_in_dim3A_1144 = vector.broadcast %jit3A_1143 : i32 to vector<256x128xi32>
    %select_n3A_1145 = arith.select %eq3A_1142, %broadcast_in_dim3A_1144, %select_n3A_1095 : vector<256x128xi1>, vector<256x128xi32>
    %eq3A_1146 = vector.broadcast %broadcast_in_dim3A_1108 : vector<256x1xi32> to vector<256x128xi32>
    %eq3A_1147 = arith.cmpi eq, %select_n3A_1100, %eq3A_1146 : vector<256x128xi32>
    %jit3A_1148 = arith.constant 2147483647 : i32
    %broadcast_in_dim3A_1149 = vector.broadcast %jit3A_1148 : i32 to vector<256x128xi32>
    %select_n3A_1150 = arith.select %eq3A_1147, %broadcast_in_dim3A_1149, %select_n3A_1100 : vector<256x128xi1>, vector<256x128xi32>
    %min3A_1151 = arith.minsi %select_n3A_1125, %select_n3A_1130 : vector<256x128xi32>
    %min3A_1152 = arith.minsi %min3A_1151, %select_n3A_1135 : vector<256x128xi32>
    %min3A_1153 = arith.minsi %min3A_1152, %select_n3A_1140 : vector<256x128xi32>
    %min3A_1154 = arith.minsi %min3A_1153, %select_n3A_1145 : vector<256x128xi32>
    %min3A_1155 = arith.minsi %min3A_1154, %select_n3A_1150 : vector<256x128xi32>
    %reduce_min3A_1156 = arith.constant dense<2147483647> : vector<256xi32>
    %reduce_min3A_1157 = vector.multi_reduction <minsi>, %min3A_1155, %reduce_min3A_1156 [1] : vector<256x128xi32> to vector<256xi32>
    %broadcast_in_dim3A_1158 = vector.shape_cast %reduce_min3A_1157 : vector<256xi32> to vector<256x1xi32>
    %squeeze3A_1159 = vector.shape_cast %broadcast_in_dim3A_1158 : vector<256x1xi32> to vector<256xi32>
    %and3A_1160 = arith.constant 4095 : i32
    %and3A_1161 = vector.broadcast %and3A_1160 : i32 to vector<256xi32>
    %and3A_1162 = arith.andi %squeeze3A_1159, %and3A_1161 : vector<256xi32>
    %add3A_1163 = vector.broadcast %mul3A_49 : i32 to vector<256xi32>
    %add3A_1164 = arith.addi %and3A_1162, %add3A_1163 : vector<256xi32>
    %swap3A_1165 = arith.constant 0 : index
    %swap3A_1166 = arith.constant 5 : index
    %swap3A_1167 = arith.constant 0 : index
    %swap3A_1168 = vector.load %arg4[%swap3A_1165, %swap3A_1166, %swap3A_1167] : memref<1x32x256xi32, #tpu.memory_space<vmem>>, vector<1x1x256xi32>
    %swap3A_1169 = vector.shape_cast %swap3A_1168 : vector<1x1x256xi32> to vector<256xi32>
    %swap3A_1170 = vector.shape_cast %add3A_1164 : vector<256xi32> to vector<1x1x256xi32>
    tpu.vector_store %arg4[%swap3A_1165, %swap3A_1166, %swap3A_1167], %swap3A_1170 {strides = array<i32>} : memref<1x32x256xi32, #tpu.memory_space<vmem>>, vector<1x1x256xi32>,
    %eq3A_1171 = vector.broadcast %broadcast_in_dim3A_1158 : vector<256x1xi32> to vector<256x128xi32>
    %eq3A_1172 = arith.cmpi eq, %select_n3A_1125, %eq3A_1171 : vector<256x128xi32>
    %jit3A_1173 = arith.constant 2147483647 : i32
    %broadcast_in_dim3A_1174 = vector.broadcast %jit3A_1173 : i32 to vector<256x128xi32>
    %select_n3A_1175 = arith.select %eq3A_1172, %broadcast_in_dim3A_1174, %select_n3A_1125 : vector<256x128xi1>, vector<256x128xi32>
    %eq3A_1176 = vector.broadcast %broadcast_in_dim3A_1158 : vector<256x1xi32> to vector<256x128xi32>
    %eq3A_1177 = arith.cmpi eq, %select_n3A_1130, %eq3A_1176 : vector<256x128xi32>
    %jit3A_1178 = arith.constant 2147483647 : i32
    %broadcast_in_dim3A_1179 = vector.broadcast %jit3A_1178 : i32 to vector<256x128xi32>
    %select_n3A_1180 = arith.select %eq3A_1177, %broadcast_in_dim3A_1179, %select_n3A_1130 : vector<256x128xi1>, vector<256x128xi32>
    %eq3A_1181 = vector.broadcast %broadcast_in_dim3A_1158 : vector<256x1xi32> to vector<256x128xi32>
    %eq3A_1182 = arith.cmpi eq, %select_n3A_1135, %eq3A_1181 : vector<256x128xi32>
    %jit3A_1183 = arith.constant 2147483647 : i32
    %broadcast_in_dim3A_1184 = vector.broadcast %jit3A_1183 : i32 to vector<256x128xi32>
    %select_n3A_1185 = arith.select %eq3A_1182, %broadcast_in_dim3A_1184, %select_n3A_1135 : vector<256x128xi1>, vector<256x128xi32>
    %eq3A_1186 = vector.broadcast %broadcast_in_dim3A_1158 : vector<256x1xi32> to vector<256x128xi32>
    %eq3A_1187 = arith.cmpi eq, %select_n3A_1140, %eq3A_1186 : vector<256x128xi32>
    %jit3A_1188 = arith.constant 2147483647 : i32
    %broadcast_in_dim3A_1189 = vector.broadcast %jit3A_1188 : i32 to vector<256x128xi32>
    %select_n3A_1190 = arith.select %eq3A_1187, %broadcast_in_dim3A_1189, %select_n3A_1140 : vector<256x128xi1>, vector<256x128xi32>
    %eq3A_1191 = vector.broadcast %broadcast_in_dim3A_1158 : vector<256x1xi32> to vector<256x128xi32>
    %eq3A_1192 = arith.cmpi eq, %select_n3A_1145, %eq3A_1191 : vector<256x128xi32>
    %jit3A_1193 = arith.constant 2147483647 : i32
    %broadcast_in_dim3A_1194 = vector.broadcast %jit3A_1193 : i32 to vector<256x128xi32>
    %select_n3A_1195 = arith.select %eq3A_1192, %broadcast_in_dim3A_1194, %select_n3A_1145 : vector<256x128xi1>, vector<256x128xi32>
    %eq3A_1196 = vector.broadcast %broadcast_in_dim3A_1158 : vector<256x1xi32> to vector<256x128xi32>
    %eq3A_1197 = arith.cmpi eq, %select_n3A_1150, %eq3A_1196 : vector<256x128xi32>
    %jit3A_1198 = arith.constant 2147483647 : i32
    %broadcast_in_dim3A_1199 = vector.broadcast %jit3A_1198 : i32 to vector<256x128xi32>
    %select_n3A_1200 = arith.select %eq3A_1197, %broadcast_in_dim3A_1199, %select_n3A_1150 : vector<256x128xi1>, vector<256x128xi32>
    %min3A_1201 = arith.minsi %select_n3A_1175, %select_n3A_1180 : vector<256x128xi32>
    %min3A_1202 = arith.minsi %min3A_1201, %select_n3A_1185 : vector<256x128xi32>
    %min3A_1203 = arith.minsi %min3A_1202, %select_n3A_1190 : vector<256x128xi32>
    %min3A_1204 = arith.minsi %min3A_1203, %select_n3A_1195 : vector<256x128xi32>
    %min3A_1205 = arith.minsi %min3A_1204, %select_n3A_1200 : vector<256x128xi32>
    %reduce_min3A_1206 = arith.constant dense<2147483647> : vector<256xi32>
    %reduce_min3A_1207 = vector.multi_reduction <minsi>, %min3A_1205, %reduce_min3A_1206 [1] : vector<256x128xi32> to vector<256xi32>
    %broadcast_in_dim3A_1208 = vector.shape_cast %reduce_min3A_1207 : vector<256xi32> to vector<256x1xi32>
    %squeeze3A_1209 = vector.shape_cast %broadcast_in_dim3A_1208 : vector<256x1xi32> to vector<256xi32>
    %and3A_1210 = arith.constant 4095 : i32
    %and3A_1211 = vector.broadcast %and3A_1210 : i32 to vector<256xi32>
    %and3A_1212 = arith.andi %squeeze3A_1209, %and3A_1211 : vector<256xi32>
    %add3A_1213 = vector.broadcast %mul3A_49 : i32 to vector<256xi32>
    %add3A_1214 = arith.addi %and3A_1212, %add3A_1213 : vector<256xi32>
    %swap3A_1215 = arith.constant 0 : index
    %swap3A_1216 = arith.constant 6 : index
    %swap3A_1217 = arith.constant 0 : index
    %swap3A_1218 = vector.load %arg4[%swap3A_1215, %swap3A_1216, %swap3A_1217] : memref<1x32x256xi32, #tpu.memory_space<vmem>>, vector<1x1x256xi32>
    %swap3A_1219 = vector.shape_cast %swap3A_1218 : vector<1x1x256xi32> to vector<256xi32>
    %swap3A_1220 = vector.shape_cast %add3A_1214 : vector<256xi32> to vector<1x1x256xi32>
    tpu.vector_store %arg4[%swap3A_1215, %swap3A_1216, %swap3A_1217], %swap3A_1220 {strides = array<i32>} : memref<1x32x256xi32, #tpu.memory_space<vmem>>, vector<1x1x256xi32>,
    %eq3A_1221 = vector.broadcast %broadcast_in_dim3A_1208 : vector<256x1xi32> to vector<256x128xi32>
    %eq3A_1222 = arith.cmpi eq, %select_n3A_1175, %eq3A_1221 : vector<256x128xi32>
    %jit3A_1223 = arith.constant 2147483647 : i32
    %broadcast_in_dim3A_1224 = vector.broadcast %jit3A_1223 : i32 to vector<256x128xi32>
    %select_n3A_1225 = arith.select %eq3A_1222, %broadcast_in_dim3A_1224, %select_n3A_1175 : vector<256x128xi1>, vector<256x128xi32>
    %eq3A_1226 = vector.broadcast %broadcast_in_dim3A_1208 : vector<256x1xi32> to vector<256x128xi32>
    %eq3A_1227 = arith.cmpi eq, %select_n3A_1180, %eq3A_1226 : vector<256x128xi32>
    %jit3A_1228 = arith.constant 2147483647 : i32
    %broadcast_in_dim3A_1229 = vector.broadcast %jit3A_1228 : i32 to vector<256x128xi32>
    %select_n3A_1230 = arith.select %eq3A_1227, %broadcast_in_dim3A_1229, %select_n3A_1180 : vector<256x128xi1>, vector<256x128xi32>
    %eq3A_1231 = vector.broadcast %broadcast_in_dim3A_1208 : vector<256x1xi32> to vector<256x128xi32>
    %eq3A_1232 = arith.cmpi eq, %select_n3A_1185, %eq3A_1231 : vector<256x128xi32>
    %jit3A_1233 = arith.constant 2147483647 : i32
    %broadcast_in_dim3A_1234 = vector.broadcast %jit3A_1233 : i32 to vector<256x128xi32>
    %select_n3A_1235 = arith.select %eq3A_1232, %broadcast_in_dim3A_1234, %select_n3A_1185 : vector<256x128xi1>, vector<256x128xi32>
    %eq3A_1236 = vector.broadcast %broadcast_in_dim3A_1208 : vector<256x1xi32> to vector<256x128xi32>
    %eq3A_1237 = arith.cmpi eq, %select_n3A_1190, %eq3A_1236 : vector<256x128xi32>
    %jit3A_1238 = arith.constant 2147483647 : i32
    %broadcast_in_dim3A_1239 = vector.broadcast %jit3A_1238 : i32 to vector<256x128xi32>
    %select_n3A_1240 = arith.select %eq3A_1237, %broadcast_in_dim3A_1239, %select_n3A_1190 : vector<256x128xi1>, vector<256x128xi32>
    %eq3A_1241 = vector.broadcast %broadcast_in_dim3A_1208 : vector<256x1xi32> to vector<256x128xi32>
    %eq3A_1242 = arith.cmpi eq, %select_n3A_1195, %eq3A_1241 : vector<256x128xi32>
    %jit3A_1243 = arith.constant 2147483647 : i32
    %broadcast_in_dim3A_1244 = vector.broadcast %jit3A_1243 : i32 to vector<256x128xi32>
    %select_n3A_1245 = arith.select %eq3A_1242, %broadcast_in_dim3A_1244, %select_n3A_1195 : vector<256x128xi1>, vector<256x128xi32>
    %eq3A_1246 = vector.broadcast %broadcast_in_dim3A_1208 : vector<256x1xi32> to vector<256x128xi32>
    %eq3A_1247 = arith.cmpi eq, %select_n3A_1200, %eq3A_1246 : vector<256x128xi32>
    %jit3A_1248 = arith.constant 2147483647 : i32
    %broadcast_in_dim3A_1249 = vector.broadcast %jit3A_1248 : i32 to vector<256x128xi32>
    %select_n3A_1250 = arith.select %eq3A_1247, %broadcast_in_dim3A_1249, %select_n3A_1200 : vector<256x128xi1>, vector<256x128xi32>
    %min3A_1251 = arith.minsi %select_n3A_1225, %select_n3A_1230 : vector<256x128xi32>
    %min3A_1252 = arith.minsi %min3A_1251, %select_n3A_1235 : vector<256x128xi32>
    %min3A_1253 = arith.minsi %min3A_1252, %select_n3A_1240 : vector<256x128xi32>
    %min3A_1254 = arith.minsi %min3A_1253, %select_n3A_1245 : vector<256x128xi32>
    %min3A_1255 = arith.minsi %min3A_1254, %select_n3A_1250 : vector<256x128xi32>
    %reduce_min3A_1256 = arith.constant dense<2147483647> : vector<256xi32>
    %reduce_min3A_1257 = vector.multi_reduction <minsi>, %min3A_1255, %reduce_min3A_1256 [1] : vector<256x128xi32> to vector<256xi32>
    %broadcast_in_dim3A_1258 = vector.shape_cast %reduce_min3A_1257 : vector<256xi32> to vector<256x1xi32>
    %squeeze3A_1259 = vector.shape_cast %broadcast_in_dim3A_1258 : vector<256x1xi32> to vector<256xi32>
    %and3A_1260 = arith.constant 4095 : i32
    %and3A_1261 = vector.broadcast %and3A_1260 : i32 to vector<256xi32>
    %and3A_1262 = arith.andi %squeeze3A_1259, %and3A_1261 : vector<256xi32>
    %add3A_1263 = vector.broadcast %mul3A_49 : i32 to vector<256xi32>
    %add3A_1264 = arith.addi %and3A_1262, %add3A_1263 : vector<256xi32>
    %swap3A_1265 = arith.constant 0 : index
    %swap3A_1266 = arith.constant 7 : index
    %swap3A_1267 = arith.constant 0 : index
    %swap3A_1268 = vector.load %arg4[%swap3A_1265, %swap3A_1266, %swap3A_1267] : memref<1x32x256xi32, #tpu.memory_space<vmem>>, vector<1x1x256xi32>
    %swap3A_1269 = vector.shape_cast %swap3A_1268 : vector<1x1x256xi32> to vector<256xi32>
    %swap3A_1270 = vector.shape_cast %add3A_1264 : vector<256xi32> to vector<1x1x256xi32>
    tpu.vector_store %arg4[%swap3A_1265, %swap3A_1266, %swap3A_1267], %swap3A_1270 {strides = array<i32>} : memref<1x32x256xi32, #tpu.memory_space<vmem>>, vector<1x1x256xi32>,
    %eq3A_1271 = vector.broadcast %broadcast_in_dim3A_1258 : vector<256x1xi32> to vector<256x128xi32>
    %eq3A_1272 = arith.cmpi eq, %select_n3A_1225, %eq3A_1271 : vector<256x128xi32>
    %jit3A_1273 = arith.constant 2147483647 : i32
    %broadcast_in_dim3A_1274 = vector.broadcast %jit3A_1273 : i32 to vector<256x128xi32>
    %select_n3A_1275 = arith.select %eq3A_1272, %broadcast_in_dim3A_1274, %select_n3A_1225 : vector<256x128xi1>, vector<256x128xi32>
    %eq3A_1276 = vector.broadcast %broadcast_in_dim3A_1258 : vector<256x1xi32> to vector<256x128xi32>
    %eq3A_1277 = arith.cmpi eq, %select_n3A_1230, %eq3A_1276 : vector<256x128xi32>
    %jit3A_1278 = arith.constant 2147483647 : i32
    %broadcast_in_dim3A_1279 = vector.broadcast %jit3A_1278 : i32 to vector<256x128xi32>
    %select_n3A_1280 = arith.select %eq3A_1277, %broadcast_in_dim3A_1279, %select_n3A_1230 : vector<256x128xi1>, vector<256x128xi32>
    %eq3A_1281 = vector.broadcast %broadcast_in_dim3A_1258 : vector<256x1xi32> to vector<256x128xi32>
    %eq3A_1282 = arith.cmpi eq, %select_n3A_1235, %eq3A_1281 : vector<256x128xi32>
    %jit3A_1283 = arith.constant 2147483647 : i32
    %broadcast_in_dim3A_1284 = vector.broadcast %jit3A_1283 : i32 to vector<256x128xi32>
    %select_n3A_1285 = arith.select %eq3A_1282, %broadcast_in_dim3A_1284, %select_n3A_1235 : vector<256x128xi1>, vector<256x128xi32>
    %eq3A_1286 = vector.broadcast %broadcast_in_dim3A_1258 : vector<256x1xi32> to vector<256x128xi32>
    %eq3A_1287 = arith.cmpi eq, %select_n3A_1240, %eq3A_1286 : vector<256x128xi32>
    %jit3A_1288 = arith.constant 2147483647 : i32
    %broadcast_in_dim3A_1289 = vector.broadcast %jit3A_1288 : i32 to vector<256x128xi32>
    %select_n3A_1290 = arith.select %eq3A_1287, %broadcast_in_dim3A_1289, %select_n3A_1240 : vector<256x128xi1>, vector<256x128xi32>
    %eq3A_1291 = vector.broadcast %broadcast_in_dim3A_1258 : vector<256x1xi32> to vector<256x128xi32>
    %eq3A_1292 = arith.cmpi eq, %select_n3A_1245, %eq3A_1291 : vector<256x128xi32>
    %jit3A_1293 = arith.constant 2147483647 : i32
    %broadcast_in_dim3A_1294 = vector.broadcast %jit3A_1293 : i32 to vector<256x128xi32>
    %select_n3A_1295 = arith.select %eq3A_1292, %broadcast_in_dim3A_1294, %select_n3A_1245 : vector<256x128xi1>, vector<256x128xi32>
    %eq3A_1296 = vector.broadcast %broadcast_in_dim3A_1258 : vector<256x1xi32> to vector<256x128xi32>
    %eq3A_1297 = arith.cmpi eq, %select_n3A_1250, %eq3A_1296 : vector<256x128xi32>
    %jit3A_1298 = arith.constant 2147483647 : i32
    %broadcast_in_dim3A_1299 = vector.broadcast %jit3A_1298 : i32 to vector<256x128xi32>
    %select_n3A_1300 = arith.select %eq3A_1297, %broadcast_in_dim3A_1299, %select_n3A_1250 : vector<256x128xi1>, vector<256x128xi32>
    %min3A_1301 = arith.minsi %select_n3A_1275, %select_n3A_1280 : vector<256x128xi32>
    %min3A_1302 = arith.minsi %min3A_1301, %select_n3A_1285 : vector<256x128xi32>
    %min3A_1303 = arith.minsi %min3A_1302, %select_n3A_1290 : vector<256x128xi32>
    %min3A_1304 = arith.minsi %min3A_1303, %select_n3A_1295 : vector<256x128xi32>
    %min3A_1305 = arith.minsi %min3A_1304, %select_n3A_1300 : vector<256x128xi32>
    %reduce_min3A_1306 = arith.constant dense<2147483647> : vector<256xi32>
    %reduce_min3A_1307 = vector.multi_reduction <minsi>, %min3A_1305, %reduce_min3A_1306 [1] : vector<256x128xi32> to vector<256xi32>
    %broadcast_in_dim3A_1308 = vector.shape_cast %reduce_min3A_1307 : vector<256xi32> to vector<256x1xi32>
    %squeeze3A_1309 = vector.shape_cast %broadcast_in_dim3A_1308 : vector<256x1xi32> to vector<256xi32>
    %and3A_1310 = arith.constant 4095 : i32
    %and3A_1311 = vector.broadcast %and3A_1310 : i32 to vector<256xi32>
    %and3A_1312 = arith.andi %squeeze3A_1309, %and3A_1311 : vector<256xi32>
    %add3A_1313 = vector.broadcast %mul3A_49 : i32 to vector<256xi32>
    %add3A_1314 = arith.addi %and3A_1312, %add3A_1313 : vector<256xi32>
    %swap3A_1315 = arith.constant 0 : index
    %swap3A_1316 = arith.constant 8 : index
    %swap3A_1317 = arith.constant 0 : index
    %swap3A_1318 = vector.load %arg4[%swap3A_1315, %swap3A_1316, %swap3A_1317] : memref<1x32x256xi32, #tpu.memory_space<vmem>>, vector<1x1x256xi32>
    %swap3A_1319 = vector.shape_cast %swap3A_1318 : vector<1x1x256xi32> to vector<256xi32>
    %swap3A_1320 = vector.shape_cast %add3A_1314 : vector<256xi32> to vector<1x1x256xi32>
    tpu.vector_store %arg4[%swap3A_1315, %swap3A_1316, %swap3A_1317], %swap3A_1320 {strides = array<i32>} : memref<1x32x256xi32, #tpu.memory_space<vmem>>, vector<1x1x256xi32>,
    %eq3A_1321 = vector.broadcast %broadcast_in_dim3A_1308 : vector<256x1xi32> to vector<256x128xi32>
    %eq3A_1322 = arith.cmpi eq, %select_n3A_1275, %eq3A_1321 : vector<256x128xi32>
    %jit3A_1323 = arith.constant 2147483647 : i32
    %broadcast_in_dim3A_1324 = vector.broadcast %jit3A_1323 : i32 to vector<256x128xi32>
    %select_n3A_1325 = arith.select %eq3A_1322, %broadcast_in_dim3A_1324, %select_n3A_1275 : vector<256x128xi1>, vector<256x128xi32>
    %eq3A_1326 = vector.broadcast %broadcast_in_dim3A_1308 : vector<256x1xi32> to vector<256x128xi32>
    %eq3A_1327 = arith.cmpi eq, %select_n3A_1280, %eq3A_1326 : vector<256x128xi32>
    %jit3A_1328 = arith.constant 2147483647 : i32
    %broadcast_in_dim3A_1329 = vector.broadcast %jit3A_1328 : i32 to vector<256x128xi32>
    %select_n3A_1330 = arith.select %eq3A_1327, %broadcast_in_dim3A_1329, %select_n3A_1280 : vector<256x128xi1>, vector<256x128xi32>
    %eq3A_1331 = vector.broadcast %broadcast_in_dim3A_1308 : vector<256x1xi32> to vector<256x128xi32>
    %eq3A_1332 = arith.cmpi eq, %select_n3A_1285, %eq3A_1331 : vector<256x128xi32>
    %jit3A_1333 = arith.constant 2147483647 : i32
    %broadcast_in_dim3A_1334 = vector.broadcast %jit3A_1333 : i32 to vector<256x128xi32>
    %select_n3A_1335 = arith.select %eq3A_1332, %broadcast_in_dim3A_1334, %select_n3A_1285 : vector<256x128xi1>, vector<256x128xi32>
    %eq3A_1336 = vector.broadcast %broadcast_in_dim3A_1308 : vector<256x1xi32> to vector<256x128xi32>
    %eq3A_1337 = arith.cmpi eq, %select_n3A_1290, %eq3A_1336 : vector<256x128xi32>
    %jit3A_1338 = arith.constant 2147483647 : i32
    %broadcast_in_dim3A_1339 = vector.broadcast %jit3A_1338 : i32 to vector<256x128xi32>
    %select_n3A_1340 = arith.select %eq3A_1337, %broadcast_in_dim3A_1339, %select_n3A_1290 : vector<256x128xi1>, vector<256x128xi32>
    %eq3A_1341 = vector.broadcast %broadcast_in_dim3A_1308 : vector<256x1xi32> to vector<256x128xi32>
    %eq3A_1342 = arith.cmpi eq, %select_n3A_1295, %eq3A_1341 : vector<256x128xi32>
    %jit3A_1343 = arith.constant 2147483647 : i32
    %broadcast_in_dim3A_1344 = vector.broadcast %jit3A_1343 : i32 to vector<256x128xi32>
    %select_n3A_1345 = arith.select %eq3A_1342, %broadcast_in_dim3A_1344, %select_n3A_1295 : vector<256x128xi1>, vector<256x128xi32>
    %eq3A_1346 = vector.broadcast %broadcast_in_dim3A_1308 : vector<256x1xi32> to vector<256x128xi32>
    %eq3A_1347 = arith.cmpi eq, %select_n3A_1300, %eq3A_1346 : vector<256x128xi32>
    %jit3A_1348 = arith.constant 2147483647 : i32
    %broadcast_in_dim3A_1349 = vector.broadcast %jit3A_1348 : i32 to vector<256x128xi32>
    %select_n3A_1350 = arith.select %eq3A_1347, %broadcast_in_dim3A_1349, %select_n3A_1300 : vector<256x128xi1>, vector<256x128xi32>
    %min3A_1351 = arith.minsi %select_n3A_1325, %select_n3A_1330 : vector<256x128xi32>
    %min3A_1352 = arith.minsi %min3A_1351, %select_n3A_1335 : vector<256x128xi32>
    %min3A_1353 = arith.minsi %min3A_1352, %select_n3A_1340 : vector<256x128xi32>
    %min3A_1354 = arith.minsi %min3A_1353, %select_n3A_1345 : vector<256x128xi32>
    %min3A_1355 = arith.minsi %min3A_1354, %select_n3A_1350 : vector<256x128xi32>
    %reduce_min3A_1356 = arith.constant dense<2147483647> : vector<256xi32>
    %reduce_min3A_1357 = vector.multi_reduction <minsi>, %min3A_1355, %reduce_min3A_1356 [1] : vector<256x128xi32> to vector<256xi32>
    %broadcast_in_dim3A_1358 = vector.shape_cast %reduce_min3A_1357 : vector<256xi32> to vector<256x1xi32>
    %squeeze3A_1359 = vector.shape_cast %broadcast_in_dim3A_1358 : vector<256x1xi32> to vector<256xi32>
    %and3A_1360 = arith.constant 4095 : i32
    %and3A_1361 = vector.broadcast %and3A_1360 : i32 to vector<256xi32>
    %and3A_1362 = arith.andi %squeeze3A_1359, %and3A_1361 : vector<256xi32>
    %add3A_1363 = vector.broadcast %mul3A_49 : i32 to vector<256xi32>
    %add3A_1364 = arith.addi %and3A_1362, %add3A_1363 : vector<256xi32>
    %swap3A_1365 = arith.constant 0 : index
    %swap3A_1366 = arith.constant 9 : index
    %swap3A_1367 = arith.constant 0 : index
    %swap3A_1368 = vector.load %arg4[%swap3A_1365, %swap3A_1366, %swap3A_1367] : memref<1x32x256xi32, #tpu.memory_space<vmem>>, vector<1x1x256xi32>
    %swap3A_1369 = vector.shape_cast %swap3A_1368 : vector<1x1x256xi32> to vector<256xi32>
    %swap3A_1370 = vector.shape_cast %add3A_1364 : vector<256xi32> to vector<1x1x256xi32>
    tpu.vector_store %arg4[%swap3A_1365, %swap3A_1366, %swap3A_1367], %swap3A_1370 {strides = array<i32>} : memref<1x32x256xi32, #tpu.memory_space<vmem>>, vector<1x1x256xi32>,
    %eq3A_1371 = vector.broadcast %broadcast_in_dim3A_1358 : vector<256x1xi32> to vector<256x128xi32>
    %eq3A_1372 = arith.cmpi eq, %select_n3A_1325, %eq3A_1371 : vector<256x128xi32>
    %jit3A_1373 = arith.constant 2147483647 : i32
    %broadcast_in_dim3A_1374 = vector.broadcast %jit3A_1373 : i32 to vector<256x128xi32>
    %select_n3A_1375 = arith.select %eq3A_1372, %broadcast_in_dim3A_1374, %select_n3A_1325 : vector<256x128xi1>, vector<256x128xi32>
    %eq3A_1376 = vector.broadcast %broadcast_in_dim3A_1358 : vector<256x1xi32> to vector<256x128xi32>
    %eq3A_1377 = arith.cmpi eq, %select_n3A_1330, %eq3A_1376 : vector<256x128xi32>
    %jit3A_1378 = arith.constant 2147483647 : i32
    %broadcast_in_dim3A_1379 = vector.broadcast %jit3A_1378 : i32 to vector<256x128xi32>
    %select_n3A_1380 = arith.select %eq3A_1377, %broadcast_in_dim3A_1379, %select_n3A_1330 : vector<256x128xi1>, vector<256x128xi32>
    %eq3A_1381 = vector.broadcast %broadcast_in_dim3A_1358 : vector<256x1xi32> to vector<256x128xi32>
    %eq3A_1382 = arith.cmpi eq, %select_n3A_1335, %eq3A_1381 : vector<256x128xi32>
    %jit3A_1383 = arith.constant 2147483647 : i32
    %broadcast_in_dim3A_1384 = vector.broadcast %jit3A_1383 : i32 to vector<256x128xi32>
    %select_n3A_1385 = arith.select %eq3A_1382, %broadcast_in_dim3A_1384, %select_n3A_1335 : vector<256x128xi1>, vector<256x128xi32>
    %eq3A_1386 = vector.broadcast %broadcast_in_dim3A_1358 : vector<256x1xi32> to vector<256x128xi32>
    %eq3A_1387 = arith.cmpi eq, %select_n3A_1340, %eq3A_1386 : vector<256x128xi32>
    %jit3A_1388 = arith.constant 2147483647 : i32
    %broadcast_in_dim3A_1389 = vector.broadcast %jit3A_1388 : i32 to vector<256x128xi32>
    %select_n3A_1390 = arith.select %eq3A_1387, %broadcast_in_dim3A_1389, %select_n3A_1340 : vector<256x128xi1>, vector<256x128xi32>
    %eq3A_1391 = vector.broadcast %broadcast_in_dim3A_1358 : vector<256x1xi32> to vector<256x128xi32>
    %eq3A_1392 = arith.cmpi eq, %select_n3A_1345, %eq3A_1391 : vector<256x128xi32>
    %jit3A_1393 = arith.constant 2147483647 : i32
    %broadcast_in_dim3A_1394 = vector.broadcast %jit3A_1393 : i32 to vector<256x128xi32>
    %select_n3A_1395 = arith.select %eq3A_1392, %broadcast_in_dim3A_1394, %select_n3A_1345 : vector<256x128xi1>, vector<256x128xi32>
    %eq3A_1396 = vector.broadcast %broadcast_in_dim3A_1358 : vector<256x1xi32> to vector<256x128xi32>
    %eq3A_1397 = arith.cmpi eq, %select_n3A_1350, %eq3A_1396 : vector<256x128xi32>
    %jit3A_1398 = arith.constant 2147483647 : i32
    %broadcast_in_dim3A_1399 = vector.broadcast %jit3A_1398 : i32 to vector<256x128xi32>
    %select_n3A_1400 = arith.select %eq3A_1397, %broadcast_in_dim3A_1399, %select_n3A_1350 : vector<256x128xi1>, vector<256x128xi32>
    %min3A_1401 = arith.minsi %select_n3A_1375, %select_n3A_1380 : vector<256x128xi32>
    %min3A_1402 = arith.minsi %min3A_1401, %select_n3A_1385 : vector<256x128xi32>
    %min3A_1403 = arith.minsi %min3A_1402, %select_n3A_1390 : vector<256x128xi32>
    %min3A_1404 = arith.minsi %min3A_1403, %select_n3A_1395 : vector<256x128xi32>
    %min3A_1405 = arith.minsi %min3A_1404, %select_n3A_1400 : vector<256x128xi32>
    %reduce_min3A_1406 = arith.constant dense<2147483647> : vector<256xi32>
    %reduce_min3A_1407 = vector.multi_reduction <minsi>, %min3A_1405, %reduce_min3A_1406 [1] : vector<256x128xi32> to vector<256xi32>
    %broadcast_in_dim3A_1408 = vector.shape_cast %reduce_min3A_1407 : vector<256xi32> to vector<256x1xi32>
    %squeeze3A_1409 = vector.shape_cast %broadcast_in_dim3A_1408 : vector<256x1xi32> to vector<256xi32>
    %and3A_1410 = arith.constant 4095 : i32
    %and3A_1411 = vector.broadcast %and3A_1410 : i32 to vector<256xi32>
    %and3A_1412 = arith.andi %squeeze3A_1409, %and3A_1411 : vector<256xi32>
    %add3A_1413 = vector.broadcast %mul3A_49 : i32 to vector<256xi32>
    %add3A_1414 = arith.addi %and3A_1412, %add3A_1413 : vector<256xi32>
    %swap3A_1415 = arith.constant 0 : index
    %swap3A_1416 = arith.constant 10 : index
    %swap3A_1417 = arith.constant 0 : index
    %swap3A_1418 = vector.load %arg4[%swap3A_1415, %swap3A_1416, %swap3A_1417] : memref<1x32x256xi32, #tpu.memory_space<vmem>>, vector<1x1x256xi32>
    %swap3A_1419 = vector.shape_cast %swap3A_1418 : vector<1x1x256xi32> to vector<256xi32>
    %swap3A_1420 = vector.shape_cast %add3A_1414 : vector<256xi32> to vector<1x1x256xi32>
    tpu.vector_store %arg4[%swap3A_1415, %swap3A_1416, %swap3A_1417], %swap3A_1420 {strides = array<i32>} : memref<1x32x256xi32, #tpu.memory_space<vmem>>, vector<1x1x256xi32>,
    %eq3A_1421 = vector.broadcast %broadcast_in_dim3A_1408 : vector<256x1xi32> to vector<256x128xi32>
    %eq3A_1422 = arith.cmpi eq, %select_n3A_1375, %eq3A_1421 : vector<256x128xi32>
    %jit3A_1423 = arith.constant 2147483647 : i32
    %broadcast_in_dim3A_1424 = vector.broadcast %jit3A_1423 : i32 to vector<256x128xi32>
    %select_n3A_1425 = arith.select %eq3A_1422, %broadcast_in_dim3A_1424, %select_n3A_1375 : vector<256x128xi1>, vector<256x128xi32>
    %eq3A_1426 = vector.broadcast %broadcast_in_dim3A_1408 : vector<256x1xi32> to vector<256x128xi32>
    %eq3A_1427 = arith.cmpi eq, %select_n3A_1380, %eq3A_1426 : vector<256x128xi32>
    %jit3A_1428 = arith.constant 2147483647 : i32
    %broadcast_in_dim3A_1429 = vector.broadcast %jit3A_1428 : i32 to vector<256x128xi32>
    %select_n3A_1430 = arith.select %eq3A_1427, %broadcast_in_dim3A_1429, %select_n3A_1380 : vector<256x128xi1>, vector<256x128xi32>
    %eq3A_1431 = vector.broadcast %broadcast_in_dim3A_1408 : vector<256x1xi32> to vector<256x128xi32>
    %eq3A_1432 = arith.cmpi eq, %select_n3A_1385, %eq3A_1431 : vector<256x128xi32>
    %jit3A_1433 = arith.constant 2147483647 : i32
    %broadcast_in_dim3A_1434 = vector.broadcast %jit3A_1433 : i32 to vector<256x128xi32>
    %select_n3A_1435 = arith.select %eq3A_1432, %broadcast_in_dim3A_1434, %select_n3A_1385 : vector<256x128xi1>, vector<256x128xi32>
    %eq3A_1436 = vector.broadcast %broadcast_in_dim3A_1408 : vector<256x1xi32> to vector<256x128xi32>
    %eq3A_1437 = arith.cmpi eq, %select_n3A_1390, %eq3A_1436 : vector<256x128xi32>
    %jit3A_1438 = arith.constant 2147483647 : i32
    %broadcast_in_dim3A_1439 = vector.broadcast %jit3A_1438 : i32 to vector<256x128xi32>
    %select_n3A_1440 = arith.select %eq3A_1437, %broadcast_in_dim3A_1439, %select_n3A_1390 : vector<256x128xi1>, vector<256x128xi32>
    %eq3A_1441 = vector.broadcast %broadcast_in_dim3A_1408 : vector<256x1xi32> to vector<256x128xi32>
    %eq3A_1442 = arith.cmpi eq, %select_n3A_1395, %eq3A_1441 : vector<256x128xi32>
    %jit3A_1443 = arith.constant 2147483647 : i32
    %broadcast_in_dim3A_1444 = vector.broadcast %jit3A_1443 : i32 to vector<256x128xi32>
    %select_n3A_1445 = arith.select %eq3A_1442, %broadcast_in_dim3A_1444, %select_n3A_1395 : vector<256x128xi1>, vector<256x128xi32>
    %eq3A_1446 = vector.broadcast %broadcast_in_dim3A_1408 : vector<256x1xi32> to vector<256x128xi32>
    %eq3A_1447 = arith.cmpi eq, %select_n3A_1400, %eq3A_1446 : vector<256x128xi32>
    %jit3A_1448 = arith.constant 2147483647 : i32
    %broadcast_in_dim3A_1449 = vector.broadcast %jit3A_1448 : i32 to vector<256x128xi32>
    %select_n3A_1450 = arith.select %eq3A_1447, %broadcast_in_dim3A_1449, %select_n3A_1400 : vector<256x128xi1>, vector<256x128xi32>
    %min3A_1451 = arith.minsi %select_n3A_1425, %select_n3A_1430 : vector<256x128xi32>
    %min3A_1452 = arith.minsi %min3A_1451, %select_n3A_1435 : vector<256x128xi32>
    %min3A_1453 = arith.minsi %min3A_1452, %select_n3A_1440 : vector<256x128xi32>
    %min3A_1454 = arith.minsi %min3A_1453, %select_n3A_1445 : vector<256x128xi32>
    %min3A_1455 = arith.minsi %min3A_1454, %select_n3A_1450 : vector<256x128xi32>
    %reduce_min3A_1456 = arith.constant dense<2147483647> : vector<256xi32>
    %reduce_min3A_1457 = vector.multi_reduction <minsi>, %min3A_1455, %reduce_min3A_1456 [1] : vector<256x128xi32> to vector<256xi32>
    %broadcast_in_dim3A_1458 = vector.shape_cast %reduce_min3A_1457 : vector<256xi32> to vector<256x1xi32>
    %squeeze3A_1459 = vector.shape_cast %broadcast_in_dim3A_1458 : vector<256x1xi32> to vector<256xi32>
    %and3A_1460 = arith.constant 4095 : i32
    %and3A_1461 = vector.broadcast %and3A_1460 : i32 to vector<256xi32>
    %and3A_1462 = arith.andi %squeeze3A_1459, %and3A_1461 : vector<256xi32>
    %add3A_1463 = vector.broadcast %mul3A_49 : i32 to vector<256xi32>
    %add3A_1464 = arith.addi %and3A_1462, %add3A_1463 : vector<256xi32>
    %swap3A_1465 = arith.constant 0 : index
    %swap3A_1466 = arith.constant 11 : index
    %swap3A_1467 = arith.constant 0 : index
    %swap3A_1468 = vector.load %arg4[%swap3A_1465, %swap3A_1466, %swap3A_1467] : memref<1x32x256xi32, #tpu.memory_space<vmem>>, vector<1x1x256xi32>
    %swap3A_1469 = vector.shape_cast %swap3A_1468 : vector<1x1x256xi32> to vector<256xi32>
    %swap3A_1470 = vector.shape_cast %add3A_1464 : vector<256xi32> to vector<1x1x256xi32>
    tpu.vector_store %arg4[%swap3A_1465, %swap3A_1466, %swap3A_1467], %swap3A_1470 {strides = array<i32>} : memref<1x32x256xi32, #tpu.memory_space<vmem>>, vector<1x1x256xi32>,
    %eq3A_1471 = vector.broadcast %broadcast_in_dim3A_1458 : vector<256x1xi32> to vector<256x128xi32>
    %eq3A_1472 = arith.cmpi eq, %select_n3A_1425, %eq3A_1471 : vector<256x128xi32>
    %jit3A_1473 = arith.constant 2147483647 : i32
    %broadcast_in_dim3A_1474 = vector.broadcast %jit3A_1473 : i32 to vector<256x128xi32>
    %select_n3A_1475 = arith.select %eq3A_1472, %broadcast_in_dim3A_1474, %select_n3A_1425 : vector<256x128xi1>, vector<256x128xi32>
    %eq3A_1476 = vector.broadcast %broadcast_in_dim3A_1458 : vector<256x1xi32> to vector<256x128xi32>
    %eq3A_1477 = arith.cmpi eq, %select_n3A_1430, %eq3A_1476 : vector<256x128xi32>
    %jit3A_1478 = arith.constant 2147483647 : i32
    %broadcast_in_dim3A_1479 = vector.broadcast %jit3A_1478 : i32 to vector<256x128xi32>
    %select_n3A_1480 = arith.select %eq3A_1477, %broadcast_in_dim3A_1479, %select_n3A_1430 : vector<256x128xi1>, vector<256x128xi32>
    %eq3A_1481 = vector.broadcast %broadcast_in_dim3A_1458 : vector<256x1xi32> to vector<256x128xi32>
    %eq3A_1482 = arith.cmpi eq, %select_n3A_1435, %eq3A_1481 : vector<256x128xi32>
    %jit3A_1483 = arith.constant 2147483647 : i32
    %broadcast_in_dim3A_1484 = vector.broadcast %jit3A_1483 : i32 to vector<256x128xi32>
    %select_n3A_1485 = arith.select %eq3A_1482, %broadcast_in_dim3A_1484, %select_n3A_1435 : vector<256x128xi1>, vector<256x128xi32>
    %eq3A_1486 = vector.broadcast %broadcast_in_dim3A_1458 : vector<256x1xi32> to vector<256x128xi32>
    %eq3A_1487 = arith.cmpi eq, %select_n3A_1440, %eq3A_1486 : vector<256x128xi32>
    %jit3A_1488 = arith.constant 2147483647 : i32
    %broadcast_in_dim3A_1489 = vector.broadcast %jit3A_1488 : i32 to vector<256x128xi32>
    %select_n3A_1490 = arith.select %eq3A_1487, %broadcast_in_dim3A_1489, %select_n3A_1440 : vector<256x128xi1>, vector<256x128xi32>
    %eq3A_1491 = vector.broadcast %broadcast_in_dim3A_1458 : vector<256x1xi32> to vector<256x128xi32>
    %eq3A_1492 = arith.cmpi eq, %select_n3A_1445, %eq3A_1491 : vector<256x128xi32>
    %jit3A_1493 = arith.constant 2147483647 : i32
    %broadcast_in_dim3A_1494 = vector.broadcast %jit3A_1493 : i32 to vector<256x128xi32>
    %select_n3A_1495 = arith.select %eq3A_1492, %broadcast_in_dim3A_1494, %select_n3A_1445 : vector<256x128xi1>, vector<256x128xi32>
    %eq3A_1496 = vector.broadcast %broadcast_in_dim3A_1458 : vector<256x1xi32> to vector<256x128xi32>
    %eq3A_1497 = arith.cmpi eq, %select_n3A_1450, %eq3A_1496 : vector<256x128xi32>
    %jit3A_1498 = arith.constant 2147483647 : i32
    %broadcast_in_dim3A_1499 = vector.broadcast %jit3A_1498 : i32 to vector<256x128xi32>
    %select_n3A_1500 = arith.select %eq3A_1497, %broadcast_in_dim3A_1499, %select_n3A_1450 : vector<256x128xi1>, vector<256x128xi32>
    %min3A_1501 = arith.minsi %select_n3A_1475, %select_n3A_1480 : vector<256x128xi32>
    %min3A_1502 = arith.minsi %min3A_1501, %select_n3A_1485 : vector<256x128xi32>
    %min3A_1503 = arith.minsi %min3A_1502, %select_n3A_1490 : vector<256x128xi32>
    %min3A_1504 = arith.minsi %min3A_1503, %select_n3A_1495 : vector<256x128xi32>
    %min3A_1505 = arith.minsi %min3A_1504, %select_n3A_1500 : vector<256x128xi32>
    %reduce_min3A_1506 = arith.constant dense<2147483647> : vector<256xi32>
    %reduce_min3A_1507 = vector.multi_reduction <minsi>, %min3A_1505, %reduce_min3A_1506 [1] : vector<256x128xi32> to vector<256xi32>
    %broadcast_in_dim3A_1508 = vector.shape_cast %reduce_min3A_1507 : vector<256xi32> to vector<256x1xi32>
    %squeeze3A_1509 = vector.shape_cast %broadcast_in_dim3A_1508 : vector<256x1xi32> to vector<256xi32>
    %and3A_1510 = arith.constant 4095 : i32
    %and3A_1511 = vector.broadcast %and3A_1510 : i32 to vector<256xi32>
    %and3A_1512 = arith.andi %squeeze3A_1509, %and3A_1511 : vector<256xi32>
    %add3A_1513 = vector.broadcast %mul3A_49 : i32 to vector<256xi32>
    %add3A_1514 = arith.addi %and3A_1512, %add3A_1513 : vector<256xi32>
    %swap3A_1515 = arith.constant 0 : index
    %swap3A_1516 = arith.constant 12 : index
    %swap3A_1517 = arith.constant 0 : index
    %swap3A_1518 = vector.load %arg4[%swap3A_1515, %swap3A_1516, %swap3A_1517] : memref<1x32x256xi32, #tpu.memory_space<vmem>>, vector<1x1x256xi32>
    %swap3A_1519 = vector.shape_cast %swap3A_1518 : vector<1x1x256xi32> to vector<256xi32>
    %swap3A_1520 = vector.shape_cast %add3A_1514 : vector<256xi32> to vector<1x1x256xi32>
    tpu.vector_store %arg4[%swap3A_1515, %swap3A_1516, %swap3A_1517], %swap3A_1520 {strides = array<i32>} : memref<1x32x256xi32, #tpu.memory_space<vmem>>, vector<1x1x256xi32>,
    %eq3A_1521 = vector.broadcast %broadcast_in_dim3A_1508 : vector<256x1xi32> to vector<256x128xi32>
    %eq3A_1522 = arith.cmpi eq, %select_n3A_1475, %eq3A_1521 : vector<256x128xi32>
    %jit3A_1523 = arith.constant 2147483647 : i32
    %broadcast_in_dim3A_1524 = vector.broadcast %jit3A_1523 : i32 to vector<256x128xi32>
    %select_n3A_1525 = arith.select %eq3A_1522, %broadcast_in_dim3A_1524, %select_n3A_1475 : vector<256x128xi1>, vector<256x128xi32>
    %eq3A_1526 = vector.broadcast %broadcast_in_dim3A_1508 : vector<256x1xi32> to vector<256x128xi32>
    %eq3A_1527 = arith.cmpi eq, %select_n3A_1480, %eq3A_1526 : vector<256x128xi32>
    %jit3A_1528 = arith.constant 2147483647 : i32
    %broadcast_in_dim3A_1529 = vector.broadcast %jit3A_1528 : i32 to vector<256x128xi32>
    %select_n3A_1530 = arith.select %eq3A_1527, %broadcast_in_dim3A_1529, %select_n3A_1480 : vector<256x128xi1>, vector<256x128xi32>
    %eq3A_1531 = vector.broadcast %broadcast_in_dim3A_1508 : vector<256x1xi32> to vector<256x128xi32>
    %eq3A_1532 = arith.cmpi eq, %select_n3A_1485, %eq3A_1531 : vector<256x128xi32>
    %jit3A_1533 = arith.constant 2147483647 : i32
    %broadcast_in_dim3A_1534 = vector.broadcast %jit3A_1533 : i32 to vector<256x128xi32>
    %select_n3A_1535 = arith.select %eq3A_1532, %broadcast_in_dim3A_1534, %select_n3A_1485 : vector<256x128xi1>, vector<256x128xi32>
    %eq3A_1536 = vector.broadcast %broadcast_in_dim3A_1508 : vector<256x1xi32> to vector<256x128xi32>
    %eq3A_1537 = arith.cmpi eq, %select_n3A_1490, %eq3A_1536 : vector<256x128xi32>
    %jit3A_1538 = arith.constant 2147483647 : i32
    %broadcast_in_dim3A_1539 = vector.broadcast %jit3A_1538 : i32 to vector<256x128xi32>
    %select_n3A_1540 = arith.select %eq3A_1537, %broadcast_in_dim3A_1539, %select_n3A_1490 : vector<256x128xi1>, vector<256x128xi32>
    %eq3A_1541 = vector.broadcast %broadcast_in_dim3A_1508 : vector<256x1xi32> to vector<256x128xi32>
    %eq3A_1542 = arith.cmpi eq, %select_n3A_1495, %eq3A_1541 : vector<256x128xi32>
    %jit3A_1543 = arith.constant 2147483647 : i32
    %broadcast_in_dim3A_1544 = vector.broadcast %jit3A_1543 : i32 to vector<256x128xi32>
    %select_n3A_1545 = arith.select %eq3A_1542, %broadcast_in_dim3A_1544, %select_n3A_1495 : vector<256x128xi1>, vector<256x128xi32>
    %eq3A_1546 = vector.broadcast %broadcast_in_dim3A_1508 : vector<256x1xi32> to vector<256x128xi32>
    %eq3A_1547 = arith.cmpi eq, %select_n3A_1500, %eq3A_1546 : vector<256x128xi32>
    %jit3A_1548 = arith.constant 2147483647 : i32
    %broadcast_in_dim3A_1549 = vector.broadcast %jit3A_1548 : i32 to vector<256x128xi32>
    %select_n3A_1550 = arith.select %eq3A_1547, %broadcast_in_dim3A_1549, %select_n3A_1500 : vector<256x128xi1>, vector<256x128xi32>
    %min3A_1551 = arith.minsi %select_n3A_1525, %select_n3A_1530 : vector<256x128xi32>
    %min3A_1552 = arith.minsi %min3A_1551, %select_n3A_1535 : vector<256x128xi32>
    %min3A_1553 = arith.minsi %min3A_1552, %select_n3A_1540 : vector<256x128xi32>
    %min3A_1554 = arith.minsi %min3A_1553, %select_n3A_1545 : vector<256x128xi32>
    %min3A_1555 = arith.minsi %min3A_1554, %select_n3A_1550 : vector<256x128xi32>
    %reduce_min3A_1556 = arith.constant dense<2147483647> : vector<256xi32>
    %reduce_min3A_1557 = vector.multi_reduction <minsi>, %min3A_1555, %reduce_min3A_1556 [1] : vector<256x128xi32> to vector<256xi32>
    %broadcast_in_dim3A_1558 = vector.shape_cast %reduce_min3A_1557 : vector<256xi32> to vector<256x1xi32>
    %squeeze3A_1559 = vector.shape_cast %broadcast_in_dim3A_1558 : vector<256x1xi32> to vector<256xi32>
    %and3A_1560 = arith.constant 4095 : i32
    %and3A_1561 = vector.broadcast %and3A_1560 : i32 to vector<256xi32>
    %and3A_1562 = arith.andi %squeeze3A_1559, %and3A_1561 : vector<256xi32>
    %add3A_1563 = vector.broadcast %mul3A_49 : i32 to vector<256xi32>
    %add3A_1564 = arith.addi %and3A_1562, %add3A_1563 : vector<256xi32>
    %swap3A_1565 = arith.constant 0 : index
    %swap3A_1566 = arith.constant 13 : index
    %swap3A_1567 = arith.constant 0 : index
    %swap3A_1568 = vector.load %arg4[%swap3A_1565, %swap3A_1566, %swap3A_1567] : memref<1x32x256xi32, #tpu.memory_space<vmem>>, vector<1x1x256xi32>
    %swap3A_1569 = vector.shape_cast %swap3A_1568 : vector<1x1x256xi32> to vector<256xi32>
    %swap3A_1570 = vector.shape_cast %add3A_1564 : vector<256xi32> to vector<1x1x256xi32>
    tpu.vector_store %arg4[%swap3A_1565, %swap3A_1566, %swap3A_1567], %swap3A_1570 {strides = array<i32>} : memref<1x32x256xi32, #tpu.memory_space<vmem>>, vector<1x1x256xi32>,
    %eq3A_1571 = vector.broadcast %broadcast_in_dim3A_1558 : vector<256x1xi32> to vector<256x128xi32>
    %eq3A_1572 = arith.cmpi eq, %select_n3A_1525, %eq3A_1571 : vector<256x128xi32>
    %jit3A_1573 = arith.constant 2147483647 : i32
    %broadcast_in_dim3A_1574 = vector.broadcast %jit3A_1573 : i32 to vector<256x128xi32>
    %select_n3A_1575 = arith.select %eq3A_1572, %broadcast_in_dim3A_1574, %select_n3A_1525 : vector<256x128xi1>, vector<256x128xi32>
    %eq3A_1576 = vector.broadcast %broadcast_in_dim3A_1558 : vector<256x1xi32> to vector<256x128xi32>
    %eq3A_1577 = arith.cmpi eq, %select_n3A_1530, %eq3A_1576 : vector<256x128xi32>
    %jit3A_1578 = arith.constant 2147483647 : i32
    %broadcast_in_dim3A_1579 = vector.broadcast %jit3A_1578 : i32 to vector<256x128xi32>
    %select_n3A_1580 = arith.select %eq3A_1577, %broadcast_in_dim3A_1579, %select_n3A_1530 : vector<256x128xi1>, vector<256x128xi32>
    %eq3A_1581 = vector.broadcast %broadcast_in_dim3A_1558 : vector<256x1xi32> to vector<256x128xi32>
    %eq3A_1582 = arith.cmpi eq, %select_n3A_1535, %eq3A_1581 : vector<256x128xi32>
    %jit3A_1583 = arith.constant 2147483647 : i32
    %broadcast_in_dim3A_1584 = vector.broadcast %jit3A_1583 : i32 to vector<256x128xi32>
    %select_n3A_1585 = arith.select %eq3A_1582, %broadcast_in_dim3A_1584, %select_n3A_1535 : vector<256x128xi1>, vector<256x128xi32>
    %eq3A_1586 = vector.broadcast %broadcast_in_dim3A_1558 : vector<256x1xi32> to vector<256x128xi32>
    %eq3A_1587 = arith.cmpi eq, %select_n3A_1540, %eq3A_1586 : vector<256x128xi32>
    %jit3A_1588 = arith.constant 2147483647 : i32
    %broadcast_in_dim3A_1589 = vector.broadcast %jit3A_1588 : i32 to vector<256x128xi32>
    %select_n3A_1590 = arith.select %eq3A_1587, %broadcast_in_dim3A_1589, %select_n3A_1540 : vector<256x128xi1>, vector<256x128xi32>
    %eq3A_1591 = vector.broadcast %broadcast_in_dim3A_1558 : vector<256x1xi32> to vector<256x128xi32>
    %eq3A_1592 = arith.cmpi eq, %select_n3A_1545, %eq3A_1591 : vector<256x128xi32>
    %jit3A_1593 = arith.constant 2147483647 : i32
    %broadcast_in_dim3A_1594 = vector.broadcast %jit3A_1593 : i32 to vector<256x128xi32>
    %select_n3A_1595 = arith.select %eq3A_1592, %broadcast_in_dim3A_1594, %select_n3A_1545 : vector<256x128xi1>, vector<256x128xi32>
    %eq3A_1596 = vector.broadcast %broadcast_in_dim3A_1558 : vector<256x1xi32> to vector<256x128xi32>
    %eq3A_1597 = arith.cmpi eq, %select_n3A_1550, %eq3A_1596 : vector<256x128xi32>
    %jit3A_1598 = arith.constant 2147483647 : i32
    %broadcast_in_dim3A_1599 = vector.broadcast %jit3A_1598 : i32 to vector<256x128xi32>
    %select_n3A_1600 = arith.select %eq3A_1597, %broadcast_in_dim3A_1599, %select_n3A_1550 : vector<256x128xi1>, vector<256x128xi32>
    %min3A_1601 = arith.minsi %select_n3A_1575, %select_n3A_1580 : vector<256x128xi32>
    %min3A_1602 = arith.minsi %min3A_1601, %select_n3A_1585 : vector<256x128xi32>
    %min3A_1603 = arith.minsi %min3A_1602, %select_n3A_1590 : vector<256x128xi32>
    %min3A_1604 = arith.minsi %min3A_1603, %select_n3A_1595 : vector<256x128xi32>
    %min3A_1605 = arith.minsi %min3A_1604, %select_n3A_1600 : vector<256x128xi32>
    %reduce_min3A_1606 = arith.constant dense<2147483647> : vector<256xi32>
    %reduce_min3A_1607 = vector.multi_reduction <minsi>, %min3A_1605, %reduce_min3A_1606 [1] : vector<256x128xi32> to vector<256xi32>
    %broadcast_in_dim3A_1608 = vector.shape_cast %reduce_min3A_1607 : vector<256xi32> to vector<256x1xi32>
    %squeeze3A_1609 = vector.shape_cast %broadcast_in_dim3A_1608 : vector<256x1xi32> to vector<256xi32>
    %and3A_1610 = arith.constant 4095 : i32
    %and3A_1611 = vector.broadcast %and3A_1610 : i32 to vector<256xi32>
    %and3A_1612 = arith.andi %squeeze3A_1609, %and3A_1611 : vector<256xi32>
    %add3A_1613 = vector.broadcast %mul3A_49 : i32 to vector<256xi32>
    %add3A_1614 = arith.addi %and3A_1612, %add3A_1613 : vector<256xi32>
    %swap3A_1615 = arith.constant 0 : index
    %swap3A_1616 = arith.constant 14 : index
    %swap3A_1617 = arith.constant 0 : index
    %swap3A_1618 = vector.load %arg4[%swap3A_1615, %swap3A_1616, %swap3A_1617] : memref<1x32x256xi32, #tpu.memory_space<vmem>>, vector<1x1x256xi32>
    %swap3A_1619 = vector.shape_cast %swap3A_1618 : vector<1x1x256xi32> to vector<256xi32>
    %swap3A_1620 = vector.shape_cast %add3A_1614 : vector<256xi32> to vector<1x1x256xi32>
    tpu.vector_store %arg4[%swap3A_1615, %swap3A_1616, %swap3A_1617], %swap3A_1620 {strides = array<i32>} : memref<1x32x256xi32, #tpu.memory_space<vmem>>, vector<1x1x256xi32>,
    %eq3A_1621 = vector.broadcast %broadcast_in_dim3A_1608 : vector<256x1xi32> to vector<256x128xi32>
    %eq3A_1622 = arith.cmpi eq, %select_n3A_1575, %eq3A_1621 : vector<256x128xi32>
    %jit3A_1623 = arith.constant 2147483647 : i32
    %broadcast_in_dim3A_1624 = vector.broadcast %jit3A_1623 : i32 to vector<256x128xi32>
    %select_n3A_1625 = arith.select %eq3A_1622, %broadcast_in_dim3A_1624, %select_n3A_1575 : vector<256x128xi1>, vector<256x128xi32>
    %eq3A_1626 = vector.broadcast %broadcast_in_dim3A_1608 : vector<256x1xi32> to vector<256x128xi32>
    %eq3A_1627 = arith.cmpi eq, %select_n3A_1580, %eq3A_1626 : vector<256x128xi32>
    %jit3A_1628 = arith.constant 2147483647 : i32
    %broadcast_in_dim3A_1629 = vector.broadcast %jit3A_1628 : i32 to vector<256x128xi32>
    %select_n3A_1630 = arith.select %eq3A_1627, %broadcast_in_dim3A_1629, %select_n3A_1580 : vector<256x128xi1>, vector<256x128xi32>
    %eq3A_1631 = vector.broadcast %broadcast_in_dim3A_1608 : vector<256x1xi32> to vector<256x128xi32>
    %eq3A_1632 = arith.cmpi eq, %select_n3A_1585, %eq3A_1631 : vector<256x128xi32>
    %jit3A_1633 = arith.constant 2147483647 : i32
    %broadcast_in_dim3A_1634 = vector.broadcast %jit3A_1633 : i32 to vector<256x128xi32>
    %select_n3A_1635 = arith.select %eq3A_1632, %broadcast_in_dim3A_1634, %select_n3A_1585 : vector<256x128xi1>, vector<256x128xi32>
    %eq3A_1636 = vector.broadcast %broadcast_in_dim3A_1608 : vector<256x1xi32> to vector<256x128xi32>
    %eq3A_1637 = arith.cmpi eq, %select_n3A_1590, %eq3A_1636 : vector<256x128xi32>
    %jit3A_1638 = arith.constant 2147483647 : i32
    %broadcast_in_dim3A_1639 = vector.broadcast %jit3A_1638 : i32 to vector<256x128xi32>
    %select_n3A_1640 = arith.select %eq3A_1637, %broadcast_in_dim3A_1639, %select_n3A_1590 : vector<256x128xi1>, vector<256x128xi32>
    %eq3A_1641 = vector.broadcast %broadcast_in_dim3A_1608 : vector<256x1xi32> to vector<256x128xi32>
    %eq3A_1642 = arith.cmpi eq, %select_n3A_1595, %eq3A_1641 : vector<256x128xi32>
    %jit3A_1643 = arith.constant 2147483647 : i32
    %broadcast_in_dim3A_1644 = vector.broadcast %jit3A_1643 : i32 to vector<256x128xi32>
    %select_n3A_1645 = arith.select %eq3A_1642, %broadcast_in_dim3A_1644, %select_n3A_1595 : vector<256x128xi1>, vector<256x128xi32>
    %eq3A_1646 = vector.broadcast %broadcast_in_dim3A_1608 : vector<256x1xi32> to vector<256x128xi32>
    %eq3A_1647 = arith.cmpi eq, %select_n3A_1600, %eq3A_1646 : vector<256x128xi32>
    %jit3A_1648 = arith.constant 2147483647 : i32
    %broadcast_in_dim3A_1649 = vector.broadcast %jit3A_1648 : i32 to vector<256x128xi32>
    %select_n3A_1650 = arith.select %eq3A_1647, %broadcast_in_dim3A_1649, %select_n3A_1600 : vector<256x128xi1>, vector<256x128xi32>
    %min3A_1651 = arith.minsi %select_n3A_1625, %select_n3A_1630 : vector<256x128xi32>
    %min3A_1652 = arith.minsi %min3A_1651, %select_n3A_1635 : vector<256x128xi32>
    %min3A_1653 = arith.minsi %min3A_1652, %select_n3A_1640 : vector<256x128xi32>
    %min3A_1654 = arith.minsi %min3A_1653, %select_n3A_1645 : vector<256x128xi32>
    %min3A_1655 = arith.minsi %min3A_1654, %select_n3A_1650 : vector<256x128xi32>
    %reduce_min3A_1656 = arith.constant dense<2147483647> : vector<256xi32>
    %reduce_min3A_1657 = vector.multi_reduction <minsi>, %min3A_1655, %reduce_min3A_1656 [1] : vector<256x128xi32> to vector<256xi32>
    %broadcast_in_dim3A_1658 = vector.shape_cast %reduce_min3A_1657 : vector<256xi32> to vector<256x1xi32>
    %squeeze3A_1659 = vector.shape_cast %broadcast_in_dim3A_1658 : vector<256x1xi32> to vector<256xi32>
    %and3A_1660 = arith.constant 4095 : i32
    %and3A_1661 = vector.broadcast %and3A_1660 : i32 to vector<256xi32>
    %and3A_1662 = arith.andi %squeeze3A_1659, %and3A_1661 : vector<256xi32>
    %add3A_1663 = vector.broadcast %mul3A_49 : i32 to vector<256xi32>
    %add3A_1664 = arith.addi %and3A_1662, %add3A_1663 : vector<256xi32>
    %swap3A_1665 = arith.constant 0 : index
    %swap3A_1666 = arith.constant 15 : index
    %swap3A_1667 = arith.constant 0 : index
    %swap3A_1668 = vector.load %arg4[%swap3A_1665, %swap3A_1666, %swap3A_1667] : memref<1x32x256xi32, #tpu.memory_space<vmem>>, vector<1x1x256xi32>
    %swap3A_1669 = vector.shape_cast %swap3A_1668 : vector<1x1x256xi32> to vector<256xi32>
    %swap3A_1670 = vector.shape_cast %add3A_1664 : vector<256xi32> to vector<1x1x256xi32>
    tpu.vector_store %arg4[%swap3A_1665, %swap3A_1666, %swap3A_1667], %swap3A_1670 {strides = array<i32>} : memref<1x32x256xi32, #tpu.memory_space<vmem>>, vector<1x1x256xi32>,
    %eq3A_1671 = vector.broadcast %broadcast_in_dim3A_1658 : vector<256x1xi32> to vector<256x128xi32>
    %eq3A_1672 = arith.cmpi eq, %select_n3A_1625, %eq3A_1671 : vector<256x128xi32>
    %jit3A_1673 = arith.constant 2147483647 : i32
    %broadcast_in_dim3A_1674 = vector.broadcast %jit3A_1673 : i32 to vector<256x128xi32>
    %select_n3A_1675 = arith.select %eq3A_1672, %broadcast_in_dim3A_1674, %select_n3A_1625 : vector<256x128xi1>, vector<256x128xi32>
    %eq3A_1676 = vector.broadcast %broadcast_in_dim3A_1658 : vector<256x1xi32> to vector<256x128xi32>
    %eq3A_1677 = arith.cmpi eq, %select_n3A_1630, %eq3A_1676 : vector<256x128xi32>
    %jit3A_1678 = arith.constant 2147483647 : i32
    %broadcast_in_dim3A_1679 = vector.broadcast %jit3A_1678 : i32 to vector<256x128xi32>
    %select_n3A_1680 = arith.select %eq3A_1677, %broadcast_in_dim3A_1679, %select_n3A_1630 : vector<256x128xi1>, vector<256x128xi32>
    %eq3A_1681 = vector.broadcast %broadcast_in_dim3A_1658 : vector<256x1xi32> to vector<256x128xi32>
    %eq3A_1682 = arith.cmpi eq, %select_n3A_1635, %eq3A_1681 : vector<256x128xi32>
    %jit3A_1683 = arith.constant 2147483647 : i32
    %broadcast_in_dim3A_1684 = vector.broadcast %jit3A_1683 : i32 to vector<256x128xi32>
    %select_n3A_1685 = arith.select %eq3A_1682, %broadcast_in_dim3A_1684, %select_n3A_1635 : vector<256x128xi1>, vector<256x128xi32>
    %eq3A_1686 = vector.broadcast %broadcast_in_dim3A_1658 : vector<256x1xi32> to vector<256x128xi32>
    %eq3A_1687 = arith.cmpi eq, %select_n3A_1640, %eq3A_1686 : vector<256x128xi32>
    %jit3A_1688 = arith.constant 2147483647 : i32
    %broadcast_in_dim3A_1689 = vector.broadcast %jit3A_1688 : i32 to vector<256x128xi32>
    %select_n3A_1690 = arith.select %eq3A_1687, %broadcast_in_dim3A_1689, %select_n3A_1640 : vector<256x128xi1>, vector<256x128xi32>
    %eq3A_1691 = vector.broadcast %broadcast_in_dim3A_1658 : vector<256x1xi32> to vector<256x128xi32>
    %eq3A_1692 = arith.cmpi eq, %select_n3A_1645, %eq3A_1691 : vector<256x128xi32>
    %jit3A_1693 = arith.constant 2147483647 : i32
    %broadcast_in_dim3A_1694 = vector.broadcast %jit3A_1693 : i32 to vector<256x128xi32>
    %select_n3A_1695 = arith.select %eq3A_1692, %broadcast_in_dim3A_1694, %select_n3A_1645 : vector<256x128xi1>, vector<256x128xi32>
    %eq3A_1696 = vector.broadcast %broadcast_in_dim3A_1658 : vector<256x1xi32> to vector<256x128xi32>
    %eq3A_1697 = arith.cmpi eq, %select_n3A_1650, %eq3A_1696 : vector<256x128xi32>
    %jit3A_1698 = arith.constant 2147483647 : i32
    %broadcast_in_dim3A_1699 = vector.broadcast %jit3A_1698 : i32 to vector<256x128xi32>
    %select_n3A_1700 = arith.select %eq3A_1697, %broadcast_in_dim3A_1699, %select_n3A_1650 : vector<256x128xi1>, vector<256x128xi32>
    %min3A_1701 = arith.minsi %select_n3A_1675, %select_n3A_1680 : vector<256x128xi32>
    %min3A_1702 = arith.minsi %min3A_1701, %select_n3A_1685 : vector<256x128xi32>
    %min3A_1703 = arith.minsi %min3A_1702, %select_n3A_1690 : vector<256x128xi32>
    %min3A_1704 = arith.minsi %min3A_1703, %select_n3A_1695 : vector<256x128xi32>
    %min3A_1705 = arith.minsi %min3A_1704, %select_n3A_1700 : vector<256x128xi32>
    %reduce_min3A_1706 = arith.constant dense<2147483647> : vector<256xi32>
    %reduce_min3A_1707 = vector.multi_reduction <minsi>, %min3A_1705, %reduce_min3A_1706 [1] : vector<256x128xi32> to vector<256xi32>
    %broadcast_in_dim3A_1708 = vector.shape_cast %reduce_min3A_1707 : vector<256xi32> to vector<256x1xi32>
    %squeeze3A_1709 = vector.shape_cast %broadcast_in_dim3A_1708 : vector<256x1xi32> to vector<256xi32>
    %and3A_1710 = arith.constant 4095 : i32
    %and3A_1711 = vector.broadcast %and3A_1710 : i32 to vector<256xi32>
    %and3A_1712 = arith.andi %squeeze3A_1709, %and3A_1711 : vector<256xi32>
    %add3A_1713 = vector.broadcast %mul3A_49 : i32 to vector<256xi32>
    %add3A_1714 = arith.addi %and3A_1712, %add3A_1713 : vector<256xi32>
    %swap3A_1715 = arith.constant 0 : index
    %swap3A_1716 = arith.constant 16 : index
    %swap3A_1717 = arith.constant 0 : index
    %swap3A_1718 = vector.load %arg4[%swap3A_1715, %swap3A_1716, %swap3A_1717] : memref<1x32x256xi32, #tpu.memory_space<vmem>>, vector<1x1x256xi32>
    %swap3A_1719 = vector.shape_cast %swap3A_1718 : vector<1x1x256xi32> to vector<256xi32>
    %swap3A_1720 = vector.shape_cast %add3A_1714 : vector<256xi32> to vector<1x1x256xi32>
    tpu.vector_store %arg4[%swap3A_1715, %swap3A_1716, %swap3A_1717], %swap3A_1720 {strides = array<i32>} : memref<1x32x256xi32, #tpu.memory_space<vmem>>, vector<1x1x256xi32>,
    %eq3A_1721 = vector.broadcast %broadcast_in_dim3A_1708 : vector<256x1xi32> to vector<256x128xi32>
    %eq3A_1722 = arith.cmpi eq, %select_n3A_1675, %eq3A_1721 : vector<256x128xi32>
    %jit3A_1723 = arith.constant 2147483647 : i32
    %broadcast_in_dim3A_1724 = vector.broadcast %jit3A_1723 : i32 to vector<256x128xi32>
    %select_n3A_1725 = arith.select %eq3A_1722, %broadcast_in_dim3A_1724, %select_n3A_1675 : vector<256x128xi1>, vector<256x128xi32>
    %eq3A_1726 = vector.broadcast %broadcast_in_dim3A_1708 : vector<256x1xi32> to vector<256x128xi32>
    %eq3A_1727 = arith.cmpi eq, %select_n3A_1680, %eq3A_1726 : vector<256x128xi32>
    %jit3A_1728 = arith.constant 2147483647 : i32
    %broadcast_in_dim3A_1729 = vector.broadcast %jit3A_1728 : i32 to vector<256x128xi32>
    %select_n3A_1730 = arith.select %eq3A_1727, %broadcast_in_dim3A_1729, %select_n3A_1680 : vector<256x128xi1>, vector<256x128xi32>
    %eq3A_1731 = vector.broadcast %broadcast_in_dim3A_1708 : vector<256x1xi32> to vector<256x128xi32>
    %eq3A_1732 = arith.cmpi eq, %select_n3A_1685, %eq3A_1731 : vector<256x128xi32>
    %jit3A_1733 = arith.constant 2147483647 : i32
    %broadcast_in_dim3A_1734 = vector.broadcast %jit3A_1733 : i32 to vector<256x128xi32>
    %select_n3A_1735 = arith.select %eq3A_1732, %broadcast_in_dim3A_1734, %select_n3A_1685 : vector<256x128xi1>, vector<256x128xi32>
    %eq3A_1736 = vector.broadcast %broadcast_in_dim3A_1708 : vector<256x1xi32> to vector<256x128xi32>
    %eq3A_1737 = arith.cmpi eq, %select_n3A_1690, %eq3A_1736 : vector<256x128xi32>
    %jit3A_1738 = arith.constant 2147483647 : i32
    %broadcast_in_dim3A_1739 = vector.broadcast %jit3A_1738 : i32 to vector<256x128xi32>
    %select_n3A_1740 = arith.select %eq3A_1737, %broadcast_in_dim3A_1739, %select_n3A_1690 : vector<256x128xi1>, vector<256x128xi32>
    %eq3A_1741 = vector.broadcast %broadcast_in_dim3A_1708 : vector<256x1xi32> to vector<256x128xi32>
    %eq3A_1742 = arith.cmpi eq, %select_n3A_1695, %eq3A_1741 : vector<256x128xi32>
    %jit3A_1743 = arith.constant 2147483647 : i32
    %broadcast_in_dim3A_1744 = vector.broadcast %jit3A_1743 : i32 to vector<256x128xi32>
    %select_n3A_1745 = arith.select %eq3A_1742, %broadcast_in_dim3A_1744, %select_n3A_1695 : vector<256x128xi1>, vector<256x128xi32>
    %eq3A_1746 = vector.broadcast %broadcast_in_dim3A_1708 : vector<256x1xi32> to vector<256x128xi32>
    %eq3A_1747 = arith.cmpi eq, %select_n3A_1700, %eq3A_1746 : vector<256x128xi32>
    %jit3A_1748 = arith.constant 2147483647 : i32
    %broadcast_in_dim3A_1749 = vector.broadcast %jit3A_1748 : i32 to vector<256x128xi32>
    %select_n3A_1750 = arith.select %eq3A_1747, %broadcast_in_dim3A_1749, %select_n3A_1700 : vector<256x128xi1>, vector<256x128xi32>
    %min3A_1751 = arith.minsi %select_n3A_1725, %select_n3A_1730 : vector<256x128xi32>
    %min3A_1752 = arith.minsi %min3A_1751, %select_n3A_1735 : vector<256x128xi32>
    %min3A_1753 = arith.minsi %min3A_1752, %select_n3A_1740 : vector<256x128xi32>
    %min3A_1754 = arith.minsi %min3A_1753, %select_n3A_1745 : vector<256x128xi32>
    %min3A_1755 = arith.minsi %min3A_1754, %select_n3A_1750 : vector<256x128xi32>
    %reduce_min3A_1756 = arith.constant dense<2147483647> : vector<256xi32>
    %reduce_min3A_1757 = vector.multi_reduction <minsi>, %min3A_1755, %reduce_min3A_1756 [1] : vector<256x128xi32> to vector<256xi32>
    %broadcast_in_dim3A_1758 = vector.shape_cast %reduce_min3A_1757 : vector<256xi32> to vector<256x1xi32>
    %squeeze3A_1759 = vector.shape_cast %broadcast_in_dim3A_1758 : vector<256x1xi32> to vector<256xi32>
    %and3A_1760 = arith.constant 4095 : i32
    %and3A_1761 = vector.broadcast %and3A_1760 : i32 to vector<256xi32>
    %and3A_1762 = arith.andi %squeeze3A_1759, %and3A_1761 : vector<256xi32>
    %add3A_1763 = vector.broadcast %mul3A_49 : i32 to vector<256xi32>
    %add3A_1764 = arith.addi %and3A_1762, %add3A_1763 : vector<256xi32>
    %swap3A_1765 = arith.constant 0 : index
    %swap3A_1766 = arith.constant 17 : index
    %swap3A_1767 = arith.constant 0 : index
    %swap3A_1768 = vector.load %arg4[%swap3A_1765, %swap3A_1766, %swap3A_1767] : memref<1x32x256xi32, #tpu.memory_space<vmem>>, vector<1x1x256xi32>
    %swap3A_1769 = vector.shape_cast %swap3A_1768 : vector<1x1x256xi32> to vector<256xi32>
    %swap3A_1770 = vector.shape_cast %add3A_1764 : vector<256xi32> to vector<1x1x256xi32>
    tpu.vector_store %arg4[%swap3A_1765, %swap3A_1766, %swap3A_1767], %swap3A_1770 {strides = array<i32>} : memref<1x32x256xi32, #tpu.memory_space<vmem>>, vector<1x1x256xi32>,
    %eq3A_1771 = vector.broadcast %broadcast_in_dim3A_1758 : vector<256x1xi32> to vector<256x128xi32>
    %eq3A_1772 = arith.cmpi eq, %select_n3A_1725, %eq3A_1771 : vector<256x128xi32>
    %jit3A_1773 = arith.constant 2147483647 : i32
    %broadcast_in_dim3A_1774 = vector.broadcast %jit3A_1773 : i32 to vector<256x128xi32>
    %select_n3A_1775 = arith.select %eq3A_1772, %broadcast_in_dim3A_1774, %select_n3A_1725 : vector<256x128xi1>, vector<256x128xi32>
    %eq3A_1776 = vector.broadcast %broadcast_in_dim3A_1758 : vector<256x1xi32> to vector<256x128xi32>
    %eq3A_1777 = arith.cmpi eq, %select_n3A_1730, %eq3A_1776 : vector<256x128xi32>
    %jit3A_1778 = arith.constant 2147483647 : i32
    %broadcast_in_dim3A_1779 = vector.broadcast %jit3A_1778 : i32 to vector<256x128xi32>
    %select_n3A_1780 = arith.select %eq3A_1777, %broadcast_in_dim3A_1779, %select_n3A_1730 : vector<256x128xi1>, vector<256x128xi32>
    %eq3A_1781 = vector.broadcast %broadcast_in_dim3A_1758 : vector<256x1xi32> to vector<256x128xi32>
    %eq3A_1782 = arith.cmpi eq, %select_n3A_1735, %eq3A_1781 : vector<256x128xi32>
    %jit3A_1783 = arith.constant 2147483647 : i32
    %broadcast_in_dim3A_1784 = vector.broadcast %jit3A_1783 : i32 to vector<256x128xi32>
    %select_n3A_1785 = arith.select %eq3A_1782, %broadcast_in_dim3A_1784, %select_n3A_1735 : vector<256x128xi1>, vector<256x128xi32>
    %eq3A_1786 = vector.broadcast %broadcast_in_dim3A_1758 : vector<256x1xi32> to vector<256x128xi32>
    %eq3A_1787 = arith.cmpi eq, %select_n3A_1740, %eq3A_1786 : vector<256x128xi32>
    %jit3A_1788 = arith.constant 2147483647 : i32
    %broadcast_in_dim3A_1789 = vector.broadcast %jit3A_1788 : i32 to vector<256x128xi32>
    %select_n3A_1790 = arith.select %eq3A_1787, %broadcast_in_dim3A_1789, %select_n3A_1740 : vector<256x128xi1>, vector<256x128xi32>
    %eq3A_1791 = vector.broadcast %broadcast_in_dim3A_1758 : vector<256x1xi32> to vector<256x128xi32>
    %eq3A_1792 = arith.cmpi eq, %select_n3A_1745, %eq3A_1791 : vector<256x128xi32>
    %jit3A_1793 = arith.constant 2147483647 : i32
    %broadcast_in_dim3A_1794 = vector.broadcast %jit3A_1793 : i32 to vector<256x128xi32>
    %select_n3A_1795 = arith.select %eq3A_1792, %broadcast_in_dim3A_1794, %select_n3A_1745 : vector<256x128xi1>, vector<256x128xi32>
    %eq3A_1796 = vector.broadcast %broadcast_in_dim3A_1758 : vector<256x1xi32> to vector<256x128xi32>
    %eq3A_1797 = arith.cmpi eq, %select_n3A_1750, %eq3A_1796 : vector<256x128xi32>
    %jit3A_1798 = arith.constant 2147483647 : i32
    %broadcast_in_dim3A_1799 = vector.broadcast %jit3A_1798 : i32 to vector<256x128xi32>
    %select_n3A_1800 = arith.select %eq3A_1797, %broadcast_in_dim3A_1799, %select_n3A_1750 : vector<256x128xi1>, vector<256x128xi32>
    %min3A_1801 = arith.minsi %select_n3A_1775, %select_n3A_1780 : vector<256x128xi32>
    %min3A_1802 = arith.minsi %min3A_1801, %select_n3A_1785 : vector<256x128xi32>
    %min3A_1803 = arith.minsi %min3A_1802, %select_n3A_1790 : vector<256x128xi32>
    %min3A_1804 = arith.minsi %min3A_1803, %select_n3A_1795 : vector<256x128xi32>
    %min3A_1805 = arith.minsi %min3A_1804, %select_n3A_1800 : vector<256x128xi32>
    %reduce_min3A_1806 = arith.constant dense<2147483647> : vector<256xi32>
    %reduce_min3A_1807 = vector.multi_reduction <minsi>, %min3A_1805, %reduce_min3A_1806 [1] : vector<256x128xi32> to vector<256xi32>
    %broadcast_in_dim3A_1808 = vector.shape_cast %reduce_min3A_1807 : vector<256xi32> to vector<256x1xi32>
    %squeeze3A_1809 = vector.shape_cast %broadcast_in_dim3A_1808 : vector<256x1xi32> to vector<256xi32>
    %and3A_1810 = arith.constant 4095 : i32
    %and3A_1811 = vector.broadcast %and3A_1810 : i32 to vector<256xi32>
    %and3A_1812 = arith.andi %squeeze3A_1809, %and3A_1811 : vector<256xi32>
    %add3A_1813 = vector.broadcast %mul3A_49 : i32 to vector<256xi32>
    %add3A_1814 = arith.addi %and3A_1812, %add3A_1813 : vector<256xi32>
    %swap3A_1815 = arith.constant 0 : index
    %swap3A_1816 = arith.constant 18 : index
    %swap3A_1817 = arith.constant 0 : index
    %swap3A_1818 = vector.load %arg4[%swap3A_1815, %swap3A_1816, %swap3A_1817] : memref<1x32x256xi32, #tpu.memory_space<vmem>>, vector<1x1x256xi32>
    %swap3A_1819 = vector.shape_cast %swap3A_1818 : vector<1x1x256xi32> to vector<256xi32>
    %swap3A_1820 = vector.shape_cast %add3A_1814 : vector<256xi32> to vector<1x1x256xi32>
    tpu.vector_store %arg4[%swap3A_1815, %swap3A_1816, %swap3A_1817], %swap3A_1820 {strides = array<i32>} : memref<1x32x256xi32, #tpu.memory_space<vmem>>, vector<1x1x256xi32>,
    %eq3A_1821 = vector.broadcast %broadcast_in_dim3A_1808 : vector<256x1xi32> to vector<256x128xi32>
    %eq3A_1822 = arith.cmpi eq, %select_n3A_1775, %eq3A_1821 : vector<256x128xi32>
    %jit3A_1823 = arith.constant 2147483647 : i32
    %broadcast_in_dim3A_1824 = vector.broadcast %jit3A_1823 : i32 to vector<256x128xi32>
    %select_n3A_1825 = arith.select %eq3A_1822, %broadcast_in_dim3A_1824, %select_n3A_1775 : vector<256x128xi1>, vector<256x128xi32>
    %eq3A_1826 = vector.broadcast %broadcast_in_dim3A_1808 : vector<256x1xi32> to vector<256x128xi32>
    %eq3A_1827 = arith.cmpi eq, %select_n3A_1780, %eq3A_1826 : vector<256x128xi32>
    %jit3A_1828 = arith.constant 2147483647 : i32
    %broadcast_in_dim3A_1829 = vector.broadcast %jit3A_1828 : i32 to vector<256x128xi32>
    %select_n3A_1830 = arith.select %eq3A_1827, %broadcast_in_dim3A_1829, %select_n3A_1780 : vector<256x128xi1>, vector<256x128xi32>
    %eq3A_1831 = vector.broadcast %broadcast_in_dim3A_1808 : vector<256x1xi32> to vector<256x128xi32>
    %eq3A_1832 = arith.cmpi eq, %select_n3A_1785, %eq3A_1831 : vector<256x128xi32>
    %jit3A_1833 = arith.constant 2147483647 : i32
    %broadcast_in_dim3A_1834 = vector.broadcast %jit3A_1833 : i32 to vector<256x128xi32>
    %select_n3A_1835 = arith.select %eq3A_1832, %broadcast_in_dim3A_1834, %select_n3A_1785 : vector<256x128xi1>, vector<256x128xi32>
    %eq3A_1836 = vector.broadcast %broadcast_in_dim3A_1808 : vector<256x1xi32> to vector<256x128xi32>
    %eq3A_1837 = arith.cmpi eq, %select_n3A_1790, %eq3A_1836 : vector<256x128xi32>
    %jit3A_1838 = arith.constant 2147483647 : i32
    %broadcast_in_dim3A_1839 = vector.broadcast %jit3A_1838 : i32 to vector<256x128xi32>
    %select_n3A_1840 = arith.select %eq3A_1837, %broadcast_in_dim3A_1839, %select_n3A_1790 : vector<256x128xi1>, vector<256x128xi32>
    %eq3A_1841 = vector.broadcast %broadcast_in_dim3A_1808 : vector<256x1xi32> to vector<256x128xi32>
    %eq3A_1842 = arith.cmpi eq, %select_n3A_1795, %eq3A_1841 : vector<256x128xi32>
    %jit3A_1843 = arith.constant 2147483647 : i32
    %broadcast_in_dim3A_1844 = vector.broadcast %jit3A_1843 : i32 to vector<256x128xi32>
    %select_n3A_1845 = arith.select %eq3A_1842, %broadcast_in_dim3A_1844, %select_n3A_1795 : vector<256x128xi1>, vector<256x128xi32>
    %eq3A_1846 = vector.broadcast %broadcast_in_dim3A_1808 : vector<256x1xi32> to vector<256x128xi32>
    %eq3A_1847 = arith.cmpi eq, %select_n3A_1800, %eq3A_1846 : vector<256x128xi32>
    %jit3A_1848 = arith.constant 2147483647 : i32
    %broadcast_in_dim3A_1849 = vector.broadcast %jit3A_1848 : i32 to vector<256x128xi32>
    %select_n3A_1850 = arith.select %eq3A_1847, %broadcast_in_dim3A_1849, %select_n3A_1800 : vector<256x128xi1>, vector<256x128xi32>
    %min3A_1851 = arith.minsi %select_n3A_1825, %select_n3A_1830 : vector<256x128xi32>
    %min3A_1852 = arith.minsi %min3A_1851, %select_n3A_1835 : vector<256x128xi32>
    %min3A_1853 = arith.minsi %min3A_1852, %select_n3A_1840 : vector<256x128xi32>
    %min3A_1854 = arith.minsi %min3A_1853, %select_n3A_1845 : vector<256x128xi32>
    %min3A_1855 = arith.minsi %min3A_1854, %select_n3A_1850 : vector<256x128xi32>
    %reduce_min3A_1856 = arith.constant dense<2147483647> : vector<256xi32>
    %reduce_min3A_1857 = vector.multi_reduction <minsi>, %min3A_1855, %reduce_min3A_1856 [1] : vector<256x128xi32> to vector<256xi32>
    %broadcast_in_dim3A_1858 = vector.shape_cast %reduce_min3A_1857 : vector<256xi32> to vector<256x1xi32>
    %squeeze3A_1859 = vector.shape_cast %broadcast_in_dim3A_1858 : vector<256x1xi32> to vector<256xi32>
    %and3A_1860 = arith.constant 4095 : i32
    %and3A_1861 = vector.broadcast %and3A_1860 : i32 to vector<256xi32>
    %and3A_1862 = arith.andi %squeeze3A_1859, %and3A_1861 : vector<256xi32>
    %add3A_1863 = vector.broadcast %mul3A_49 : i32 to vector<256xi32>
    %add3A_1864 = arith.addi %and3A_1862, %add3A_1863 : vector<256xi32>
    %swap3A_1865 = arith.constant 0 : index
    %swap3A_1866 = arith.constant 19 : index
    %swap3A_1867 = arith.constant 0 : index
    %swap3A_1868 = vector.load %arg4[%swap3A_1865, %swap3A_1866, %swap3A_1867] : memref<1x32x256xi32, #tpu.memory_space<vmem>>, vector<1x1x256xi32>
    %swap3A_1869 = vector.shape_cast %swap3A_1868 : vector<1x1x256xi32> to vector<256xi32>
    %swap3A_1870 = vector.shape_cast %add3A_1864 : vector<256xi32> to vector<1x1x256xi32>
    tpu.vector_store %arg4[%swap3A_1865, %swap3A_1866, %swap3A_1867], %swap3A_1870 {strides = array<i32>} : memref<1x32x256xi32, #tpu.memory_space<vmem>>, vector<1x1x256xi32>,
    %eq3A_1871 = vector.broadcast %broadcast_in_dim3A_1858 : vector<256x1xi32> to vector<256x128xi32>
    %eq3A_1872 = arith.cmpi eq, %select_n3A_1825, %eq3A_1871 : vector<256x128xi32>
    %jit3A_1873 = arith.constant 2147483647 : i32
    %broadcast_in_dim3A_1874 = vector.broadcast %jit3A_1873 : i32 to vector<256x128xi32>
    %select_n3A_1875 = arith.select %eq3A_1872, %broadcast_in_dim3A_1874, %select_n3A_1825 : vector<256x128xi1>, vector<256x128xi32>
    %eq3A_1876 = vector.broadcast %broadcast_in_dim3A_1858 : vector<256x1xi32> to vector<256x128xi32>
    %eq3A_1877 = arith.cmpi eq, %select_n3A_1830, %eq3A_1876 : vector<256x128xi32>
    %jit3A_1878 = arith.constant 2147483647 : i32
    %broadcast_in_dim3A_1879 = vector.broadcast %jit3A_1878 : i32 to vector<256x128xi32>
    %select_n3A_1880 = arith.select %eq3A_1877, %broadcast_in_dim3A_1879, %select_n3A_1830 : vector<256x128xi1>, vector<256x128xi32>
    %eq3A_1881 = vector.broadcast %broadcast_in_dim3A_1858 : vector<256x1xi32> to vector<256x128xi32>
    %eq3A_1882 = arith.cmpi eq, %select_n3A_1835, %eq3A_1881 : vector<256x128xi32>
    %jit3A_1883 = arith.constant 2147483647 : i32
    %broadcast_in_dim3A_1884 = vector.broadcast %jit3A_1883 : i32 to vector<256x128xi32>
    %select_n3A_1885 = arith.select %eq3A_1882, %broadcast_in_dim3A_1884, %select_n3A_1835 : vector<256x128xi1>, vector<256x128xi32>
    %eq3A_1886 = vector.broadcast %broadcast_in_dim3A_1858 : vector<256x1xi32> to vector<256x128xi32>
    %eq3A_1887 = arith.cmpi eq, %select_n3A_1840, %eq3A_1886 : vector<256x128xi32>
    %jit3A_1888 = arith.constant 2147483647 : i32
    %broadcast_in_dim3A_1889 = vector.broadcast %jit3A_1888 : i32 to vector<256x128xi32>
    %select_n3A_1890 = arith.select %eq3A_1887, %broadcast_in_dim3A_1889, %select_n3A_1840 : vector<256x128xi1>, vector<256x128xi32>
    %eq3A_1891 = vector.broadcast %broadcast_in_dim3A_1858 : vector<256x1xi32> to vector<256x128xi32>
    %eq3A_1892 = arith.cmpi eq, %select_n3A_1845, %eq3A_1891 : vector<256x128xi32>
    %jit3A_1893 = arith.constant 2147483647 : i32
    %broadcast_in_dim3A_1894 = vector.broadcast %jit3A_1893 : i32 to vector<256x128xi32>
    %select_n3A_1895 = arith.select %eq3A_1892, %broadcast_in_dim3A_1894, %select_n3A_1845 : vector<256x128xi1>, vector<256x128xi32>
    %eq3A_1896 = vector.broadcast %broadcast_in_dim3A_1858 : vector<256x1xi32> to vector<256x128xi32>
    %eq3A_1897 = arith.cmpi eq, %select_n3A_1850, %eq3A_1896 : vector<256x128xi32>
    %jit3A_1898 = arith.constant 2147483647 : i32
    %broadcast_in_dim3A_1899 = vector.broadcast %jit3A_1898 : i32 to vector<256x128xi32>
    %select_n3A_1900 = arith.select %eq3A_1897, %broadcast_in_dim3A_1899, %select_n3A_1850 : vector<256x128xi1>, vector<256x128xi32>
    %min3A_1901 = arith.minsi %select_n3A_1875, %select_n3A_1880 : vector<256x128xi32>
    %min3A_1902 = arith.minsi %min3A_1901, %select_n3A_1885 : vector<256x128xi32>
    %min3A_1903 = arith.minsi %min3A_1902, %select_n3A_1890 : vector<256x128xi32>
    %min3A_1904 = arith.minsi %min3A_1903, %select_n3A_1895 : vector<256x128xi32>
    %min3A_1905 = arith.minsi %min3A_1904, %select_n3A_1900 : vector<256x128xi32>
    %reduce_min3A_1906 = arith.constant dense<2147483647> : vector<256xi32>
    %reduce_min3A_1907 = vector.multi_reduction <minsi>, %min3A_1905, %reduce_min3A_1906 [1] : vector<256x128xi32> to vector<256xi32>
    %broadcast_in_dim3A_1908 = vector.shape_cast %reduce_min3A_1907 : vector<256xi32> to vector<256x1xi32>
    %squeeze3A_1909 = vector.shape_cast %broadcast_in_dim3A_1908 : vector<256x1xi32> to vector<256xi32>
    %and3A_1910 = arith.constant 4095 : i32
    %and3A_1911 = vector.broadcast %and3A_1910 : i32 to vector<256xi32>
    %and3A_1912 = arith.andi %squeeze3A_1909, %and3A_1911 : vector<256xi32>
    %add3A_1913 = vector.broadcast %mul3A_49 : i32 to vector<256xi32>
    %add3A_1914 = arith.addi %and3A_1912, %add3A_1913 : vector<256xi32>
    %swap3A_1915 = arith.constant 0 : index
    %swap3A_1916 = arith.constant 20 : index
    %swap3A_1917 = arith.constant 0 : index
    %swap3A_1918 = vector.load %arg4[%swap3A_1915, %swap3A_1916, %swap3A_1917] : memref<1x32x256xi32, #tpu.memory_space<vmem>>, vector<1x1x256xi32>
    %swap3A_1919 = vector.shape_cast %swap3A_1918 : vector<1x1x256xi32> to vector<256xi32>
    %swap3A_1920 = vector.shape_cast %add3A_1914 : vector<256xi32> to vector<1x1x256xi32>
    tpu.vector_store %arg4[%swap3A_1915, %swap3A_1916, %swap3A_1917], %swap3A_1920 {strides = array<i32>} : memref<1x32x256xi32, #tpu.memory_space<vmem>>, vector<1x1x256xi32>,
    %eq3A_1921 = vector.broadcast %broadcast_in_dim3A_1908 : vector<256x1xi32> to vector<256x128xi32>
    %eq3A_1922 = arith.cmpi eq, %select_n3A_1875, %eq3A_1921 : vector<256x128xi32>
    %jit3A_1923 = arith.constant 2147483647 : i32
    %broadcast_in_dim3A_1924 = vector.broadcast %jit3A_1923 : i32 to vector<256x128xi32>
    %select_n3A_1925 = arith.select %eq3A_1922, %broadcast_in_dim3A_1924, %select_n3A_1875 : vector<256x128xi1>, vector<256x128xi32>
    %eq3A_1926 = vector.broadcast %broadcast_in_dim3A_1908 : vector<256x1xi32> to vector<256x128xi32>
    %eq3A_1927 = arith.cmpi eq, %select_n3A_1880, %eq3A_1926 : vector<256x128xi32>
    %jit3A_1928 = arith.constant 2147483647 : i32
    %broadcast_in_dim3A_1929 = vector.broadcast %jit3A_1928 : i32 to vector<256x128xi32>
    %select_n3A_1930 = arith.select %eq3A_1927, %broadcast_in_dim3A_1929, %select_n3A_1880 : vector<256x128xi1>, vector<256x128xi32>
    %eq3A_1931 = vector.broadcast %broadcast_in_dim3A_1908 : vector<256x1xi32> to vector<256x128xi32>
    %eq3A_1932 = arith.cmpi eq, %select_n3A_1885, %eq3A_1931 : vector<256x128xi32>
    %jit3A_1933 = arith.constant 2147483647 : i32
    %broadcast_in_dim3A_1934 = vector.broadcast %jit3A_1933 : i32 to vector<256x128xi32>
    %select_n3A_1935 = arith.select %eq3A_1932, %broadcast_in_dim3A_1934, %select_n3A_1885 : vector<256x128xi1>, vector<256x128xi32>
    %eq3A_1936 = vector.broadcast %broadcast_in_dim3A_1908 : vector<256x1xi32> to vector<256x128xi32>
    %eq3A_1937 = arith.cmpi eq, %select_n3A_1890, %eq3A_1936 : vector<256x128xi32>
    %jit3A_1938 = arith.constant 2147483647 : i32
    %broadcast_in_dim3A_1939 = vector.broadcast %jit3A_1938 : i32 to vector<256x128xi32>
    %select_n3A_1940 = arith.select %eq3A_1937, %broadcast_in_dim3A_1939, %select_n3A_1890 : vector<256x128xi1>, vector<256x128xi32>
    %eq3A_1941 = vector.broadcast %broadcast_in_dim3A_1908 : vector<256x1xi32> to vector<256x128xi32>
    %eq3A_1942 = arith.cmpi eq, %select_n3A_1895, %eq3A_1941 : vector<256x128xi32>
    %jit3A_1943 = arith.constant 2147483647 : i32
    %broadcast_in_dim3A_1944 = vector.broadcast %jit3A_1943 : i32 to vector<256x128xi32>
    %select_n3A_1945 = arith.select %eq3A_1942, %broadcast_in_dim3A_1944, %select_n3A_1895 : vector<256x128xi1>, vector<256x128xi32>
    %eq3A_1946 = vector.broadcast %broadcast_in_dim3A_1908 : vector<256x1xi32> to vector<256x128xi32>
    %eq3A_1947 = arith.cmpi eq, %select_n3A_1900, %eq3A_1946 : vector<256x128xi32>
    %jit3A_1948 = arith.constant 2147483647 : i32
    %broadcast_in_dim3A_1949 = vector.broadcast %jit3A_1948 : i32 to vector<256x128xi32>
    %select_n3A_1950 = arith.select %eq3A_1947, %broadcast_in_dim3A_1949, %select_n3A_1900 : vector<256x128xi1>, vector<256x128xi32>
    %min3A_1951 = arith.minsi %select_n3A_1925, %select_n3A_1930 : vector<256x128xi32>
    %min3A_1952 = arith.minsi %min3A_1951, %select_n3A_1935 : vector<256x128xi32>
    %min3A_1953 = arith.minsi %min3A_1952, %select_n3A_1940 : vector<256x128xi32>
    %min3A_1954 = arith.minsi %min3A_1953, %select_n3A_1945 : vector<256x128xi32>
    %min3A_1955 = arith.minsi %min3A_1954, %select_n3A_1950 : vector<256x128xi32>
    %reduce_min3A_1956 = arith.constant dense<2147483647> : vector<256xi32>
    %reduce_min3A_1957 = vector.multi_reduction <minsi>, %min3A_1955, %reduce_min3A_1956 [1] : vector<256x128xi32> to vector<256xi32>
    %broadcast_in_dim3A_1958 = vector.shape_cast %reduce_min3A_1957 : vector<256xi32> to vector<256x1xi32>
    %squeeze3A_1959 = vector.shape_cast %broadcast_in_dim3A_1958 : vector<256x1xi32> to vector<256xi32>
    %and3A_1960 = arith.constant 4095 : i32
    %and3A_1961 = vector.broadcast %and3A_1960 : i32 to vector<256xi32>
    %and3A_1962 = arith.andi %squeeze3A_1959, %and3A_1961 : vector<256xi32>
    %add3A_1963 = vector.broadcast %mul3A_49 : i32 to vector<256xi32>
    %add3A_1964 = arith.addi %and3A_1962, %add3A_1963 : vector<256xi32>
    %swap3A_1965 = arith.constant 0 : index
    %swap3A_1966 = arith.constant 21 : index
    %swap3A_1967 = arith.constant 0 : index
    %swap3A_1968 = vector.load %arg4[%swap3A_1965, %swap3A_1966, %swap3A_1967] : memref<1x32x256xi32, #tpu.memory_space<vmem>>, vector<1x1x256xi32>
    %swap3A_1969 = vector.shape_cast %swap3A_1968 : vector<1x1x256xi32> to vector<256xi32>
    %swap3A_1970 = vector.shape_cast %add3A_1964 : vector<256xi32> to vector<1x1x256xi32>
    tpu.vector_store %arg4[%swap3A_1965, %swap3A_1966, %swap3A_1967], %swap3A_1970 {strides = array<i32>} : memref<1x32x256xi32, #tpu.memory_space<vmem>>, vector<1x1x256xi32>,
    %eq3A_1971 = vector.broadcast %broadcast_in_dim3A_1958 : vector<256x1xi32> to vector<256x128xi32>
    %eq3A_1972 = arith.cmpi eq, %select_n3A_1925, %eq3A_1971 : vector<256x128xi32>
    %jit3A_1973 = arith.constant 2147483647 : i32
    %broadcast_in_dim3A_1974 = vector.broadcast %jit3A_1973 : i32 to vector<256x128xi32>
    %select_n3A_1975 = arith.select %eq3A_1972, %broadcast_in_dim3A_1974, %select_n3A_1925 : vector<256x128xi1>, vector<256x128xi32>
    %eq3A_1976 = vector.broadcast %broadcast_in_dim3A_1958 : vector<256x1xi32> to vector<256x128xi32>
    %eq3A_1977 = arith.cmpi eq, %select_n3A_1930, %eq3A_1976 : vector<256x128xi32>
    %jit3A_1978 = arith.constant 2147483647 : i32
    %broadcast_in_dim3A_1979 = vector.broadcast %jit3A_1978 : i32 to vector<256x128xi32>
    %select_n3A_1980 = arith.select %eq3A_1977, %broadcast_in_dim3A_1979, %select_n3A_1930 : vector<256x128xi1>, vector<256x128xi32>
    %eq3A_1981 = vector.broadcast %broadcast_in_dim3A_1958 : vector<256x1xi32> to vector<256x128xi32>
    %eq3A_1982 = arith.cmpi eq, %select_n3A_1935, %eq3A_1981 : vector<256x128xi32>
    %jit3A_1983 = arith.constant 2147483647 : i32
    %broadcast_in_dim3A_1984 = vector.broadcast %jit3A_1983 : i32 to vector<256x128xi32>
    %select_n3A_1985 = arith.select %eq3A_1982, %broadcast_in_dim3A_1984, %select_n3A_1935 : vector<256x128xi1>, vector<256x128xi32>
    %eq3A_1986 = vector.broadcast %broadcast_in_dim3A_1958 : vector<256x1xi32> to vector<256x128xi32>
    %eq3A_1987 = arith.cmpi eq, %select_n3A_1940, %eq3A_1986 : vector<256x128xi32>
    %jit3A_1988 = arith.constant 2147483647 : i32
    %broadcast_in_dim3A_1989 = vector.broadcast %jit3A_1988 : i32 to vector<256x128xi32>
    %select_n3A_1990 = arith.select %eq3A_1987, %broadcast_in_dim3A_1989, %select_n3A_1940 : vector<256x128xi1>, vector<256x128xi32>
    %eq3A_1991 = vector.broadcast %broadcast_in_dim3A_1958 : vector<256x1xi32> to vector<256x128xi32>
    %eq3A_1992 = arith.cmpi eq, %select_n3A_1945, %eq3A_1991 : vector<256x128xi32>
    %jit3A_1993 = arith.constant 2147483647 : i32
    %broadcast_in_dim3A_1994 = vector.broadcast %jit3A_1993 : i32 to vector<256x128xi32>
    %select_n3A_1995 = arith.select %eq3A_1992, %broadcast_in_dim3A_1994, %select_n3A_1945 : vector<256x128xi1>, vector<256x128xi32>
    %eq3A_1996 = vector.broadcast %broadcast_in_dim3A_1958 : vector<256x1xi32> to vector<256x128xi32>
    %eq3A_1997 = arith.cmpi eq, %select_n3A_1950, %eq3A_1996 : vector<256x128xi32>
    %jit3A_1998 = arith.constant 2147483647 : i32
    %broadcast_in_dim3A_1999 = vector.broadcast %jit3A_1998 : i32 to vector<256x128xi32>
    %select_n3A_2000 = arith.select %eq3A_1997, %broadcast_in_dim3A_1999, %select_n3A_1950 : vector<256x128xi1>, vector<256x128xi32>
    %min3A_2001 = arith.minsi %select_n3A_1975, %select_n3A_1980 : vector<256x128xi32>
    %min3A_2002 = arith.minsi %min3A_2001, %select_n3A_1985 : vector<256x128xi32>
    %min3A_2003 = arith.minsi %min3A_2002, %select_n3A_1990 : vector<256x128xi32>
    %min3A_2004 = arith.minsi %min3A_2003, %select_n3A_1995 : vector<256x128xi32>
    %min3A_2005 = arith.minsi %min3A_2004, %select_n3A_2000 : vector<256x128xi32>
    %reduce_min3A_2006 = arith.constant dense<2147483647> : vector<256xi32>
    %reduce_min3A_2007 = vector.multi_reduction <minsi>, %min3A_2005, %reduce_min3A_2006 [1] : vector<256x128xi32> to vector<256xi32>
    %broadcast_in_dim3A_2008 = vector.shape_cast %reduce_min3A_2007 : vector<256xi32> to vector<256x1xi32>
    %squeeze3A_2009 = vector.shape_cast %broadcast_in_dim3A_2008 : vector<256x1xi32> to vector<256xi32>
    %and3A_2010 = arith.constant 4095 : i32
    %and3A_2011 = vector.broadcast %and3A_2010 : i32 to vector<256xi32>
    %and3A_2012 = arith.andi %squeeze3A_2009, %and3A_2011 : vector<256xi32>
    %add3A_2013 = vector.broadcast %mul3A_49 : i32 to vector<256xi32>
    %add3A_2014 = arith.addi %and3A_2012, %add3A_2013 : vector<256xi32>
    %swap3A_2015 = arith.constant 0 : index
    %swap3A_2016 = arith.constant 22 : index
    %swap3A_2017 = arith.constant 0 : index
    %swap3A_2018 = vector.load %arg4[%swap3A_2015, %swap3A_2016, %swap3A_2017] : memref<1x32x256xi32, #tpu.memory_space<vmem>>, vector<1x1x256xi32>
    %swap3A_2019 = vector.shape_cast %swap3A_2018 : vector<1x1x256xi32> to vector<256xi32>
    %swap3A_2020 = vector.shape_cast %add3A_2014 : vector<256xi32> to vector<1x1x256xi32>
    tpu.vector_store %arg4[%swap3A_2015, %swap3A_2016, %swap3A_2017], %swap3A_2020 {strides = array<i32>} : memref<1x32x256xi32, #tpu.memory_space<vmem>>, vector<1x1x256xi32>,
    %eq3A_2021 = vector.broadcast %broadcast_in_dim3A_2008 : vector<256x1xi32> to vector<256x128xi32>
    %eq3A_2022 = arith.cmpi eq, %select_n3A_1975, %eq3A_2021 : vector<256x128xi32>
    %jit3A_2023 = arith.constant 2147483647 : i32
    %broadcast_in_dim3A_2024 = vector.broadcast %jit3A_2023 : i32 to vector<256x128xi32>
    %select_n3A_2025 = arith.select %eq3A_2022, %broadcast_in_dim3A_2024, %select_n3A_1975 : vector<256x128xi1>, vector<256x128xi32>
    %eq3A_2026 = vector.broadcast %broadcast_in_dim3A_2008 : vector<256x1xi32> to vector<256x128xi32>
    %eq3A_2027 = arith.cmpi eq, %select_n3A_1980, %eq3A_2026 : vector<256x128xi32>
    %jit3A_2028 = arith.constant 2147483647 : i32
    %broadcast_in_dim3A_2029 = vector.broadcast %jit3A_2028 : i32 to vector<256x128xi32>
    %select_n3A_2030 = arith.select %eq3A_2027, %broadcast_in_dim3A_2029, %select_n3A_1980 : vector<256x128xi1>, vector<256x128xi32>
    %eq3A_2031 = vector.broadcast %broadcast_in_dim3A_2008 : vector<256x1xi32> to vector<256x128xi32>
    %eq3A_2032 = arith.cmpi eq, %select_n3A_1985, %eq3A_2031 : vector<256x128xi32>
    %jit3A_2033 = arith.constant 2147483647 : i32
    %broadcast_in_dim3A_2034 = vector.broadcast %jit3A_2033 : i32 to vector<256x128xi32>
    %select_n3A_2035 = arith.select %eq3A_2032, %broadcast_in_dim3A_2034, %select_n3A_1985 : vector<256x128xi1>, vector<256x128xi32>
    %eq3A_2036 = vector.broadcast %broadcast_in_dim3A_2008 : vector<256x1xi32> to vector<256x128xi32>
    %eq3A_2037 = arith.cmpi eq, %select_n3A_1990, %eq3A_2036 : vector<256x128xi32>
    %jit3A_2038 = arith.constant 2147483647 : i32
    %broadcast_in_dim3A_2039 = vector.broadcast %jit3A_2038 : i32 to vector<256x128xi32>
    %select_n3A_2040 = arith.select %eq3A_2037, %broadcast_in_dim3A_2039, %select_n3A_1990 : vector<256x128xi1>, vector<256x128xi32>
    %eq3A_2041 = vector.broadcast %broadcast_in_dim3A_2008 : vector<256x1xi32> to vector<256x128xi32>
    %eq3A_2042 = arith.cmpi eq, %select_n3A_1995, %eq3A_2041 : vector<256x128xi32>
    %jit3A_2043 = arith.constant 2147483647 : i32
    %broadcast_in_dim3A_2044 = vector.broadcast %jit3A_2043 : i32 to vector<256x128xi32>
    %select_n3A_2045 = arith.select %eq3A_2042, %broadcast_in_dim3A_2044, %select_n3A_1995 : vector<256x128xi1>, vector<256x128xi32>
    %eq3A_2046 = vector.broadcast %broadcast_in_dim3A_2008 : vector<256x1xi32> to vector<256x128xi32>
    %eq3A_2047 = arith.cmpi eq, %select_n3A_2000, %eq3A_2046 : vector<256x128xi32>
    %jit3A_2048 = arith.constant 2147483647 : i32
    %broadcast_in_dim3A_2049 = vector.broadcast %jit3A_2048 : i32 to vector<256x128xi32>
    %select_n3A_2050 = arith.select %eq3A_2047, %broadcast_in_dim3A_2049, %select_n3A_2000 : vector<256x128xi1>, vector<256x128xi32>
    %min3A_2051 = arith.minsi %select_n3A_2025, %select_n3A_2030 : vector<256x128xi32>
    %min3A_2052 = arith.minsi %min3A_2051, %select_n3A_2035 : vector<256x128xi32>
    %min3A_2053 = arith.minsi %min3A_2052, %select_n3A_2040 : vector<256x128xi32>
    %min3A_2054 = arith.minsi %min3A_2053, %select_n3A_2045 : vector<256x128xi32>
    %min3A_2055 = arith.minsi %min3A_2054, %select_n3A_2050 : vector<256x128xi32>
    %reduce_min3A_2056 = arith.constant dense<2147483647> : vector<256xi32>
    %reduce_min3A_2057 = vector.multi_reduction <minsi>, %min3A_2055, %reduce_min3A_2056 [1] : vector<256x128xi32> to vector<256xi32>
    %broadcast_in_dim3A_2058 = vector.shape_cast %reduce_min3A_2057 : vector<256xi32> to vector<256x1xi32>
    %squeeze3A_2059 = vector.shape_cast %broadcast_in_dim3A_2058 : vector<256x1xi32> to vector<256xi32>
    %and3A_2060 = arith.constant 4095 : i32
    %and3A_2061 = vector.broadcast %and3A_2060 : i32 to vector<256xi32>
    %and3A_2062 = arith.andi %squeeze3A_2059, %and3A_2061 : vector<256xi32>
    %add3A_2063 = vector.broadcast %mul3A_49 : i32 to vector<256xi32>
    %add3A_2064 = arith.addi %and3A_2062, %add3A_2063 : vector<256xi32>
    %swap3A_2065 = arith.constant 0 : index
    %swap3A_2066 = arith.constant 23 : index
    %swap3A_2067 = arith.constant 0 : index
    %swap3A_2068 = vector.load %arg4[%swap3A_2065, %swap3A_2066, %swap3A_2067] : memref<1x32x256xi32, #tpu.memory_space<vmem>>, vector<1x1x256xi32>
    %swap3A_2069 = vector.shape_cast %swap3A_2068 : vector<1x1x256xi32> to vector<256xi32>
    %swap3A_2070 = vector.shape_cast %add3A_2064 : vector<256xi32> to vector<1x1x256xi32>
    tpu.vector_store %arg4[%swap3A_2065, %swap3A_2066, %swap3A_2067], %swap3A_2070 {strides = array<i32>} : memref<1x32x256xi32, #tpu.memory_space<vmem>>, vector<1x1x256xi32>,
    %eq3A_2071 = vector.broadcast %broadcast_in_dim3A_2058 : vector<256x1xi32> to vector<256x128xi32>
    %eq3A_2072 = arith.cmpi eq, %select_n3A_2025, %eq3A_2071 : vector<256x128xi32>
    %jit3A_2073 = arith.constant 2147483647 : i32
    %broadcast_in_dim3A_2074 = vector.broadcast %jit3A_2073 : i32 to vector<256x128xi32>
    %select_n3A_2075 = arith.select %eq3A_2072, %broadcast_in_dim3A_2074, %select_n3A_2025 : vector<256x128xi1>, vector<256x128xi32>
    %eq3A_2076 = vector.broadcast %broadcast_in_dim3A_2058 : vector<256x1xi32> to vector<256x128xi32>
    %eq3A_2077 = arith.cmpi eq, %select_n3A_2030, %eq3A_2076 : vector<256x128xi32>
    %jit3A_2078 = arith.constant 2147483647 : i32
    %broadcast_in_dim3A_2079 = vector.broadcast %jit3A_2078 : i32 to vector<256x128xi32>
    %select_n3A_2080 = arith.select %eq3A_2077, %broadcast_in_dim3A_2079, %select_n3A_2030 : vector<256x128xi1>, vector<256x128xi32>
    %eq3A_2081 = vector.broadcast %broadcast_in_dim3A_2058 : vector<256x1xi32> to vector<256x128xi32>
    %eq3A_2082 = arith.cmpi eq, %select_n3A_2035, %eq3A_2081 : vector<256x128xi32>
    %jit3A_2083 = arith.constant 2147483647 : i32
    %broadcast_in_dim3A_2084 = vector.broadcast %jit3A_2083 : i32 to vector<256x128xi32>
    %select_n3A_2085 = arith.select %eq3A_2082, %broadcast_in_dim3A_2084, %select_n3A_2035 : vector<256x128xi1>, vector<256x128xi32>
    %eq3A_2086 = vector.broadcast %broadcast_in_dim3A_2058 : vector<256x1xi32> to vector<256x128xi32>
    %eq3A_2087 = arith.cmpi eq, %select_n3A_2040, %eq3A_2086 : vector<256x128xi32>
    %jit3A_2088 = arith.constant 2147483647 : i32
    %broadcast_in_dim3A_2089 = vector.broadcast %jit3A_2088 : i32 to vector<256x128xi32>
    %select_n3A_2090 = arith.select %eq3A_2087, %broadcast_in_dim3A_2089, %select_n3A_2040 : vector<256x128xi1>, vector<256x128xi32>
    %eq3A_2091 = vector.broadcast %broadcast_in_dim3A_2058 : vector<256x1xi32> to vector<256x128xi32>
    %eq3A_2092 = arith.cmpi eq, %select_n3A_2045, %eq3A_2091 : vector<256x128xi32>
    %jit3A_2093 = arith.constant 2147483647 : i32
    %broadcast_in_dim3A_2094 = vector.broadcast %jit3A_2093 : i32 to vector<256x128xi32>
    %select_n3A_2095 = arith.select %eq3A_2092, %broadcast_in_dim3A_2094, %select_n3A_2045 : vector<256x128xi1>, vector<256x128xi32>
    %eq3A_2096 = vector.broadcast %broadcast_in_dim3A_2058 : vector<256x1xi32> to vector<256x128xi32>
    %eq3A_2097 = arith.cmpi eq, %select_n3A_2050, %eq3A_2096 : vector<256x128xi32>
    %jit3A_2098 = arith.constant 2147483647 : i32
    %broadcast_in_dim3A_2099 = vector.broadcast %jit3A_2098 : i32 to vector<256x128xi32>
    %select_n3A_2100 = arith.select %eq3A_2097, %broadcast_in_dim3A_2099, %select_n3A_2050 : vector<256x128xi1>, vector<256x128xi32>
    %min3A_2101 = arith.minsi %select_n3A_2075, %select_n3A_2080 : vector<256x128xi32>
    %min3A_2102 = arith.minsi %min3A_2101, %select_n3A_2085 : vector<256x128xi32>
    %min3A_2103 = arith.minsi %min3A_2102, %select_n3A_2090 : vector<256x128xi32>
    %min3A_2104 = arith.minsi %min3A_2103, %select_n3A_2095 : vector<256x128xi32>
    %min3A_2105 = arith.minsi %min3A_2104, %select_n3A_2100 : vector<256x128xi32>
    %reduce_min3A_2106 = arith.constant dense<2147483647> : vector<256xi32>
    %reduce_min3A_2107 = vector.multi_reduction <minsi>, %min3A_2105, %reduce_min3A_2106 [1] : vector<256x128xi32> to vector<256xi32>
    %broadcast_in_dim3A_2108 = vector.shape_cast %reduce_min3A_2107 : vector<256xi32> to vector<256x1xi32>
    %squeeze3A_2109 = vector.shape_cast %broadcast_in_dim3A_2108 : vector<256x1xi32> to vector<256xi32>
    %and3A_2110 = arith.constant 4095 : i32
    %and3A_2111 = vector.broadcast %and3A_2110 : i32 to vector<256xi32>
    %and3A_2112 = arith.andi %squeeze3A_2109, %and3A_2111 : vector<256xi32>
    %add3A_2113 = vector.broadcast %mul3A_49 : i32 to vector<256xi32>
    %add3A_2114 = arith.addi %and3A_2112, %add3A_2113 : vector<256xi32>
    %swap3A_2115 = arith.constant 0 : index
    %swap3A_2116 = arith.constant 24 : index
    %swap3A_2117 = arith.constant 0 : index
    %swap3A_2118 = vector.load %arg4[%swap3A_2115, %swap3A_2116, %swap3A_2117] : memref<1x32x256xi32, #tpu.memory_space<vmem>>, vector<1x1x256xi32>
    %swap3A_2119 = vector.shape_cast %swap3A_2118 : vector<1x1x256xi32> to vector<256xi32>
    %swap3A_2120 = vector.shape_cast %add3A_2114 : vector<256xi32> to vector<1x1x256xi32>
    tpu.vector_store %arg4[%swap3A_2115, %swap3A_2116, %swap3A_2117], %swap3A_2120 {strides = array<i32>} : memref<1x32x256xi32, #tpu.memory_space<vmem>>, vector<1x1x256xi32>,
    %eq3A_2121 = vector.broadcast %broadcast_in_dim3A_2108 : vector<256x1xi32> to vector<256x128xi32>
    %eq3A_2122 = arith.cmpi eq, %select_n3A_2075, %eq3A_2121 : vector<256x128xi32>
    %jit3A_2123 = arith.constant 2147483647 : i32
    %broadcast_in_dim3A_2124 = vector.broadcast %jit3A_2123 : i32 to vector<256x128xi32>
    %select_n3A_2125 = arith.select %eq3A_2122, %broadcast_in_dim3A_2124, %select_n3A_2075 : vector<256x128xi1>, vector<256x128xi32>
    %eq3A_2126 = vector.broadcast %broadcast_in_dim3A_2108 : vector<256x1xi32> to vector<256x128xi32>
    %eq3A_2127 = arith.cmpi eq, %select_n3A_2080, %eq3A_2126 : vector<256x128xi32>
    %jit3A_2128 = arith.constant 2147483647 : i32
    %broadcast_in_dim3A_2129 = vector.broadcast %jit3A_2128 : i32 to vector<256x128xi32>
    %select_n3A_2130 = arith.select %eq3A_2127, %broadcast_in_dim3A_2129, %select_n3A_2080 : vector<256x128xi1>, vector<256x128xi32>
    %eq3A_2131 = vector.broadcast %broadcast_in_dim3A_2108 : vector<256x1xi32> to vector<256x128xi32>
    %eq3A_2132 = arith.cmpi eq, %select_n3A_2085, %eq3A_2131 : vector<256x128xi32>
    %jit3A_2133 = arith.constant 2147483647 : i32
    %broadcast_in_dim3A_2134 = vector.broadcast %jit3A_2133 : i32 to vector<256x128xi32>
    %select_n3A_2135 = arith.select %eq3A_2132, %broadcast_in_dim3A_2134, %select_n3A_2085 : vector<256x128xi1>, vector<256x128xi32>
    %eq3A_2136 = vector.broadcast %broadcast_in_dim3A_2108 : vector<256x1xi32> to vector<256x128xi32>
    %eq3A_2137 = arith.cmpi eq, %select_n3A_2090, %eq3A_2136 : vector<256x128xi32>
    %jit3A_2138 = arith.constant 2147483647 : i32
    %broadcast_in_dim3A_2139 = vector.broadcast %jit3A_2138 : i32 to vector<256x128xi32>
    %select_n3A_2140 = arith.select %eq3A_2137, %broadcast_in_dim3A_2139, %select_n3A_2090 : vector<256x128xi1>, vector<256x128xi32>
    %eq3A_2141 = vector.broadcast %broadcast_in_dim3A_2108 : vector<256x1xi32> to vector<256x128xi32>
    %eq3A_2142 = arith.cmpi eq, %select_n3A_2095, %eq3A_2141 : vector<256x128xi32>
    %jit3A_2143 = arith.constant 2147483647 : i32
    %broadcast_in_dim3A_2144 = vector.broadcast %jit3A_2143 : i32 to vector<256x128xi32>
    %select_n3A_2145 = arith.select %eq3A_2142, %broadcast_in_dim3A_2144, %select_n3A_2095 : vector<256x128xi1>, vector<256x128xi32>
    %eq3A_2146 = vector.broadcast %broadcast_in_dim3A_2108 : vector<256x1xi32> to vector<256x128xi32>
    %eq3A_2147 = arith.cmpi eq, %select_n3A_2100, %eq3A_2146 : vector<256x128xi32>
    %jit3A_2148 = arith.constant 2147483647 : i32
    %broadcast_in_dim3A_2149 = vector.broadcast %jit3A_2148 : i32 to vector<256x128xi32>
    %select_n3A_2150 = arith.select %eq3A_2147, %broadcast_in_dim3A_2149, %select_n3A_2100 : vector<256x128xi1>, vector<256x128xi32>
    %min3A_2151 = arith.minsi %select_n3A_2125, %select_n3A_2130 : vector<256x128xi32>
    %min3A_2152 = arith.minsi %min3A_2151, %select_n3A_2135 : vector<256x128xi32>
    %min3A_2153 = arith.minsi %min3A_2152, %select_n3A_2140 : vector<256x128xi32>
    %min3A_2154 = arith.minsi %min3A_2153, %select_n3A_2145 : vector<256x128xi32>
    %min3A_2155 = arith.minsi %min3A_2154, %select_n3A_2150 : vector<256x128xi32>
    %reduce_min3A_2156 = arith.constant dense<2147483647> : vector<256xi32>
    %reduce_min3A_2157 = vector.multi_reduction <minsi>, %min3A_2155, %reduce_min3A_2156 [1] : vector<256x128xi32> to vector<256xi32>
    %broadcast_in_dim3A_2158 = vector.shape_cast %reduce_min3A_2157 : vector<256xi32> to vector<256x1xi32>
    %squeeze3A_2159 = vector.shape_cast %broadcast_in_dim3A_2158 : vector<256x1xi32> to vector<256xi32>
    %and3A_2160 = arith.constant 4095 : i32
    %and3A_2161 = vector.broadcast %and3A_2160 : i32 to vector<256xi32>
    %and3A_2162 = arith.andi %squeeze3A_2159, %and3A_2161 : vector<256xi32>
    %add3A_2163 = vector.broadcast %mul3A_49 : i32 to vector<256xi32>
    %add3A_2164 = arith.addi %and3A_2162, %add3A_2163 : vector<256xi32>
    %swap3A_2165 = arith.constant 0 : index
    %swap3A_2166 = arith.constant 25 : index
    %swap3A_2167 = arith.constant 0 : index
    %swap3A_2168 = vector.load %arg4[%swap3A_2165, %swap3A_2166, %swap3A_2167] : memref<1x32x256xi32, #tpu.memory_space<vmem>>, vector<1x1x256xi32>
    %swap3A_2169 = vector.shape_cast %swap3A_2168 : vector<1x1x256xi32> to vector<256xi32>
    %swap3A_2170 = vector.shape_cast %add3A_2164 : vector<256xi32> to vector<1x1x256xi32>
    tpu.vector_store %arg4[%swap3A_2165, %swap3A_2166, %swap3A_2167], %swap3A_2170 {strides = array<i32>} : memref<1x32x256xi32, #tpu.memory_space<vmem>>, vector<1x1x256xi32>,
    %eq3A_2171 = vector.broadcast %broadcast_in_dim3A_2158 : vector<256x1xi32> to vector<256x128xi32>
    %eq3A_2172 = arith.cmpi eq, %select_n3A_2125, %eq3A_2171 : vector<256x128xi32>
    %jit3A_2173 = arith.constant 2147483647 : i32
    %broadcast_in_dim3A_2174 = vector.broadcast %jit3A_2173 : i32 to vector<256x128xi32>
    %select_n3A_2175 = arith.select %eq3A_2172, %broadcast_in_dim3A_2174, %select_n3A_2125 : vector<256x128xi1>, vector<256x128xi32>
    %eq3A_2176 = vector.broadcast %broadcast_in_dim3A_2158 : vector<256x1xi32> to vector<256x128xi32>
    %eq3A_2177 = arith.cmpi eq, %select_n3A_2130, %eq3A_2176 : vector<256x128xi32>
    %jit3A_2178 = arith.constant 2147483647 : i32
    %broadcast_in_dim3A_2179 = vector.broadcast %jit3A_2178 : i32 to vector<256x128xi32>
    %select_n3A_2180 = arith.select %eq3A_2177, %broadcast_in_dim3A_2179, %select_n3A_2130 : vector<256x128xi1>, vector<256x128xi32>
    %eq3A_2181 = vector.broadcast %broadcast_in_dim3A_2158 : vector<256x1xi32> to vector<256x128xi32>
    %eq3A_2182 = arith.cmpi eq, %select_n3A_2135, %eq3A_2181 : vector<256x128xi32>
    %jit3A_2183 = arith.constant 2147483647 : i32
    %broadcast_in_dim3A_2184 = vector.broadcast %jit3A_2183 : i32 to vector<256x128xi32>
    %select_n3A_2185 = arith.select %eq3A_2182, %broadcast_in_dim3A_2184, %select_n3A_2135 : vector<256x128xi1>, vector<256x128xi32>
    %eq3A_2186 = vector.broadcast %broadcast_in_dim3A_2158 : vector<256x1xi32> to vector<256x128xi32>
    %eq3A_2187 = arith.cmpi eq, %select_n3A_2140, %eq3A_2186 : vector<256x128xi32>
    %jit3A_2188 = arith.constant 2147483647 : i32
    %broadcast_in_dim3A_2189 = vector.broadcast %jit3A_2188 : i32 to vector<256x128xi32>
    %select_n3A_2190 = arith.select %eq3A_2187, %broadcast_in_dim3A_2189, %select_n3A_2140 : vector<256x128xi1>, vector<256x128xi32>
    %eq3A_2191 = vector.broadcast %broadcast_in_dim3A_2158 : vector<256x1xi32> to vector<256x128xi32>
    %eq3A_2192 = arith.cmpi eq, %select_n3A_2145, %eq3A_2191 : vector<256x128xi32>
    %jit3A_2193 = arith.constant 2147483647 : i32
    %broadcast_in_dim3A_2194 = vector.broadcast %jit3A_2193 : i32 to vector<256x128xi32>
    %select_n3A_2195 = arith.select %eq3A_2192, %broadcast_in_dim3A_2194, %select_n3A_2145 : vector<256x128xi1>, vector<256x128xi32>
    %eq3A_2196 = vector.broadcast %broadcast_in_dim3A_2158 : vector<256x1xi32> to vector<256x128xi32>
    %eq3A_2197 = arith.cmpi eq, %select_n3A_2150, %eq3A_2196 : vector<256x128xi32>
    %jit3A_2198 = arith.constant 2147483647 : i32
    %broadcast_in_dim3A_2199 = vector.broadcast %jit3A_2198 : i32 to vector<256x128xi32>
    %select_n3A_2200 = arith.select %eq3A_2197, %broadcast_in_dim3A_2199, %select_n3A_2150 : vector<256x128xi1>, vector<256x128xi32>
    %min3A_2201 = arith.minsi %select_n3A_2175, %select_n3A_2180 : vector<256x128xi32>
    %min3A_2202 = arith.minsi %min3A_2201, %select_n3A_2185 : vector<256x128xi32>
    %min3A_2203 = arith.minsi %min3A_2202, %select_n3A_2190 : vector<256x128xi32>
    %min3A_2204 = arith.minsi %min3A_2203, %select_n3A_2195 : vector<256x128xi32>
    %min3A_2205 = arith.minsi %min3A_2204, %select_n3A_2200 : vector<256x128xi32>
    %reduce_min3A_2206 = arith.constant dense<2147483647> : vector<256xi32>
    %reduce_min3A_2207 = vector.multi_reduction <minsi>, %min3A_2205, %reduce_min3A_2206 [1] : vector<256x128xi32> to vector<256xi32>
    %broadcast_in_dim3A_2208 = vector.shape_cast %reduce_min3A_2207 : vector<256xi32> to vector<256x1xi32>
    %squeeze3A_2209 = vector.shape_cast %broadcast_in_dim3A_2208 : vector<256x1xi32> to vector<256xi32>
    %and3A_2210 = arith.constant 4095 : i32
    %and3A_2211 = vector.broadcast %and3A_2210 : i32 to vector<256xi32>
    %and3A_2212 = arith.andi %squeeze3A_2209, %and3A_2211 : vector<256xi32>
    %add3A_2213 = vector.broadcast %mul3A_49 : i32 to vector<256xi32>
    %add3A_2214 = arith.addi %and3A_2212, %add3A_2213 : vector<256xi32>
    %swap3A_2215 = arith.constant 0 : index
    %swap3A_2216 = arith.constant 26 : index
    %swap3A_2217 = arith.constant 0 : index
    %swap3A_2218 = vector.load %arg4[%swap3A_2215, %swap3A_2216, %swap3A_2217] : memref<1x32x256xi32, #tpu.memory_space<vmem>>, vector<1x1x256xi32>
    %swap3A_2219 = vector.shape_cast %swap3A_2218 : vector<1x1x256xi32> to vector<256xi32>
    %swap3A_2220 = vector.shape_cast %add3A_2214 : vector<256xi32> to vector<1x1x256xi32>
    tpu.vector_store %arg4[%swap3A_2215, %swap3A_2216, %swap3A_2217], %swap3A_2220 {strides = array<i32>} : memref<1x32x256xi32, #tpu.memory_space<vmem>>, vector<1x1x256xi32>,
    %eq3A_2221 = vector.broadcast %broadcast_in_dim3A_2208 : vector<256x1xi32> to vector<256x128xi32>
    %eq3A_2222 = arith.cmpi eq, %select_n3A_2175, %eq3A_2221 : vector<256x128xi32>
    %jit3A_2223 = arith.constant 2147483647 : i32
    %broadcast_in_dim3A_2224 = vector.broadcast %jit3A_2223 : i32 to vector<256x128xi32>
    %select_n3A_2225 = arith.select %eq3A_2222, %broadcast_in_dim3A_2224, %select_n3A_2175 : vector<256x128xi1>, vector<256x128xi32>
    %eq3A_2226 = vector.broadcast %broadcast_in_dim3A_2208 : vector<256x1xi32> to vector<256x128xi32>
    %eq3A_2227 = arith.cmpi eq, %select_n3A_2180, %eq3A_2226 : vector<256x128xi32>
    %jit3A_2228 = arith.constant 2147483647 : i32
    %broadcast_in_dim3A_2229 = vector.broadcast %jit3A_2228 : i32 to vector<256x128xi32>
    %select_n3A_2230 = arith.select %eq3A_2227, %broadcast_in_dim3A_2229, %select_n3A_2180 : vector<256x128xi1>, vector<256x128xi32>
    %eq3A_2231 = vector.broadcast %broadcast_in_dim3A_2208 : vector<256x1xi32> to vector<256x128xi32>
    %eq3A_2232 = arith.cmpi eq, %select_n3A_2185, %eq3A_2231 : vector<256x128xi32>
    %jit3A_2233 = arith.constant 2147483647 : i32
    %broadcast_in_dim3A_2234 = vector.broadcast %jit3A_2233 : i32 to vector<256x128xi32>
    %select_n3A_2235 = arith.select %eq3A_2232, %broadcast_in_dim3A_2234, %select_n3A_2185 : vector<256x128xi1>, vector<256x128xi32>
    %eq3A_2236 = vector.broadcast %broadcast_in_dim3A_2208 : vector<256x1xi32> to vector<256x128xi32>
    %eq3A_2237 = arith.cmpi eq, %select_n3A_2190, %eq3A_2236 : vector<256x128xi32>
    %jit3A_2238 = arith.constant 2147483647 : i32
    %broadcast_in_dim3A_2239 = vector.broadcast %jit3A_2238 : i32 to vector<256x128xi32>
    %select_n3A_2240 = arith.select %eq3A_2237, %broadcast_in_dim3A_2239, %select_n3A_2190 : vector<256x128xi1>, vector<256x128xi32>
    %eq3A_2241 = vector.broadcast %broadcast_in_dim3A_2208 : vector<256x1xi32> to vector<256x128xi32>
    %eq3A_2242 = arith.cmpi eq, %select_n3A_2195, %eq3A_2241 : vector<256x128xi32>
    %jit3A_2243 = arith.constant 2147483647 : i32
    %broadcast_in_dim3A_2244 = vector.broadcast %jit3A_2243 : i32 to vector<256x128xi32>
    %select_n3A_2245 = arith.select %eq3A_2242, %broadcast_in_dim3A_2244, %select_n3A_2195 : vector<256x128xi1>, vector<256x128xi32>
    %eq3A_2246 = vector.broadcast %broadcast_in_dim3A_2208 : vector<256x1xi32> to vector<256x128xi32>
    %eq3A_2247 = arith.cmpi eq, %select_n3A_2200, %eq3A_2246 : vector<256x128xi32>
    %jit3A_2248 = arith.constant 2147483647 : i32
    %broadcast_in_dim3A_2249 = vector.broadcast %jit3A_2248 : i32 to vector<256x128xi32>
    %select_n3A_2250 = arith.select %eq3A_2247, %broadcast_in_dim3A_2249, %select_n3A_2200 : vector<256x128xi1>, vector<256x128xi32>
    %min3A_2251 = arith.minsi %select_n3A_2225, %select_n3A_2230 : vector<256x128xi32>
    %min3A_2252 = arith.minsi %min3A_2251, %select_n3A_2235 : vector<256x128xi32>
    %min3A_2253 = arith.minsi %min3A_2252, %select_n3A_2240 : vector<256x128xi32>
    %min3A_2254 = arith.minsi %min3A_2253, %select_n3A_2245 : vector<256x128xi32>
    %min3A_2255 = arith.minsi %min3A_2254, %select_n3A_2250 : vector<256x128xi32>
    %reduce_min3A_2256 = arith.constant dense<2147483647> : vector<256xi32>
    %reduce_min3A_2257 = vector.multi_reduction <minsi>, %min3A_2255, %reduce_min3A_2256 [1] : vector<256x128xi32> to vector<256xi32>
    %broadcast_in_dim3A_2258 = vector.shape_cast %reduce_min3A_2257 : vector<256xi32> to vector<256x1xi32>
    %squeeze3A_2259 = vector.shape_cast %broadcast_in_dim3A_2258 : vector<256x1xi32> to vector<256xi32>
    %and3A_2260 = arith.constant 4095 : i32
    %and3A_2261 = vector.broadcast %and3A_2260 : i32 to vector<256xi32>
    %and3A_2262 = arith.andi %squeeze3A_2259, %and3A_2261 : vector<256xi32>
    %add3A_2263 = vector.broadcast %mul3A_49 : i32 to vector<256xi32>
    %add3A_2264 = arith.addi %and3A_2262, %add3A_2263 : vector<256xi32>
    %swap3A_2265 = arith.constant 0 : index
    %swap3A_2266 = arith.constant 27 : index
    %swap3A_2267 = arith.constant 0 : index
    %swap3A_2268 = vector.load %arg4[%swap3A_2265, %swap3A_2266, %swap3A_2267] : memref<1x32x256xi32, #tpu.memory_space<vmem>>, vector<1x1x256xi32>
    %swap3A_2269 = vector.shape_cast %swap3A_2268 : vector<1x1x256xi32> to vector<256xi32>
    %swap3A_2270 = vector.shape_cast %add3A_2264 : vector<256xi32> to vector<1x1x256xi32>
    tpu.vector_store %arg4[%swap3A_2265, %swap3A_2266, %swap3A_2267], %swap3A_2270 {strides = array<i32>} : memref<1x32x256xi32, #tpu.memory_space<vmem>>, vector<1x1x256xi32>,
    %eq3A_2271 = vector.broadcast %broadcast_in_dim3A_2258 : vector<256x1xi32> to vector<256x128xi32>
    %eq3A_2272 = arith.cmpi eq, %select_n3A_2225, %eq3A_2271 : vector<256x128xi32>
    %jit3A_2273 = arith.constant 2147483647 : i32
    %broadcast_in_dim3A_2274 = vector.broadcast %jit3A_2273 : i32 to vector<256x128xi32>
    %select_n3A_2275 = arith.select %eq3A_2272, %broadcast_in_dim3A_2274, %select_n3A_2225 : vector<256x128xi1>, vector<256x128xi32>
    %eq3A_2276 = vector.broadcast %broadcast_in_dim3A_2258 : vector<256x1xi32> to vector<256x128xi32>
    %eq3A_2277 = arith.cmpi eq, %select_n3A_2230, %eq3A_2276 : vector<256x128xi32>
    %jit3A_2278 = arith.constant 2147483647 : i32
    %broadcast_in_dim3A_2279 = vector.broadcast %jit3A_2278 : i32 to vector<256x128xi32>
    %select_n3A_2280 = arith.select %eq3A_2277, %broadcast_in_dim3A_2279, %select_n3A_2230 : vector<256x128xi1>, vector<256x128xi32>
    %eq3A_2281 = vector.broadcast %broadcast_in_dim3A_2258 : vector<256x1xi32> to vector<256x128xi32>
    %eq3A_2282 = arith.cmpi eq, %select_n3A_2235, %eq3A_2281 : vector<256x128xi32>
    %jit3A_2283 = arith.constant 2147483647 : i32
    %broadcast_in_dim3A_2284 = vector.broadcast %jit3A_2283 : i32 to vector<256x128xi32>
    %select_n3A_2285 = arith.select %eq3A_2282, %broadcast_in_dim3A_2284, %select_n3A_2235 : vector<256x128xi1>, vector<256x128xi32>
    %eq3A_2286 = vector.broadcast %broadcast_in_dim3A_2258 : vector<256x1xi32> to vector<256x128xi32>
    %eq3A_2287 = arith.cmpi eq, %select_n3A_2240, %eq3A_2286 : vector<256x128xi32>
    %jit3A_2288 = arith.constant 2147483647 : i32
    %broadcast_in_dim3A_2289 = vector.broadcast %jit3A_2288 : i32 to vector<256x128xi32>
    %select_n3A_2290 = arith.select %eq3A_2287, %broadcast_in_dim3A_2289, %select_n3A_2240 : vector<256x128xi1>, vector<256x128xi32>
    %eq3A_2291 = vector.broadcast %broadcast_in_dim3A_2258 : vector<256x1xi32> to vector<256x128xi32>
    %eq3A_2292 = arith.cmpi eq, %select_n3A_2245, %eq3A_2291 : vector<256x128xi32>
    %jit3A_2293 = arith.constant 2147483647 : i32
    %broadcast_in_dim3A_2294 = vector.broadcast %jit3A_2293 : i32 to vector<256x128xi32>
    %select_n3A_2295 = arith.select %eq3A_2292, %broadcast_in_dim3A_2294, %select_n3A_2245 : vector<256x128xi1>, vector<256x128xi32>
    %eq3A_2296 = vector.broadcast %broadcast_in_dim3A_2258 : vector<256x1xi32> to vector<256x128xi32>
    %eq3A_2297 = arith.cmpi eq, %select_n3A_2250, %eq3A_2296 : vector<256x128xi32>
    %jit3A_2298 = arith.constant 2147483647 : i32
    %broadcast_in_dim3A_2299 = vector.broadcast %jit3A_2298 : i32 to vector<256x128xi32>
    %select_n3A_2300 = arith.select %eq3A_2297, %broadcast_in_dim3A_2299, %select_n3A_2250 : vector<256x128xi1>, vector<256x128xi32>
    %min3A_2301 = arith.minsi %select_n3A_2275, %select_n3A_2280 : vector<256x128xi32>
    %min3A_2302 = arith.minsi %min3A_2301, %select_n3A_2285 : vector<256x128xi32>
    %min3A_2303 = arith.minsi %min3A_2302, %select_n3A_2290 : vector<256x128xi32>
    %min3A_2304 = arith.minsi %min3A_2303, %select_n3A_2295 : vector<256x128xi32>
    %min3A_2305 = arith.minsi %min3A_2304, %select_n3A_2300 : vector<256x128xi32>
    %reduce_min3A_2306 = arith.constant dense<2147483647> : vector<256xi32>
    %reduce_min3A_2307 = vector.multi_reduction <minsi>, %min3A_2305, %reduce_min3A_2306 [1] : vector<256x128xi32> to vector<256xi32>
    %broadcast_in_dim3A_2308 = vector.shape_cast %reduce_min3A_2307 : vector<256xi32> to vector<256x1xi32>
    %squeeze3A_2309 = vector.shape_cast %broadcast_in_dim3A_2308 : vector<256x1xi32> to vector<256xi32>
    %and3A_2310 = arith.constant 4095 : i32
    %and3A_2311 = vector.broadcast %and3A_2310 : i32 to vector<256xi32>
    %and3A_2312 = arith.andi %squeeze3A_2309, %and3A_2311 : vector<256xi32>
    %add3A_2313 = vector.broadcast %mul3A_49 : i32 to vector<256xi32>
    %add3A_2314 = arith.addi %and3A_2312, %add3A_2313 : vector<256xi32>
    %swap3A_2315 = arith.constant 0 : index
    %swap3A_2316 = arith.constant 28 : index
    %swap3A_2317 = arith.constant 0 : index
    %swap3A_2318 = vector.load %arg4[%swap3A_2315, %swap3A_2316, %swap3A_2317] : memref<1x32x256xi32, #tpu.memory_space<vmem>>, vector<1x1x256xi32>
    %swap3A_2319 = vector.shape_cast %swap3A_2318 : vector<1x1x256xi32> to vector<256xi32>
    %swap3A_2320 = vector.shape_cast %add3A_2314 : vector<256xi32> to vector<1x1x256xi32>
    tpu.vector_store %arg4[%swap3A_2315, %swap3A_2316, %swap3A_2317], %swap3A_2320 {strides = array<i32>} : memref<1x32x256xi32, #tpu.memory_space<vmem>>, vector<1x1x256xi32>,
    %eq3A_2321 = vector.broadcast %broadcast_in_dim3A_2308 : vector<256x1xi32> to vector<256x128xi32>
    %eq3A_2322 = arith.cmpi eq, %select_n3A_2275, %eq3A_2321 : vector<256x128xi32>
    %jit3A_2323 = arith.constant 2147483647 : i32
    %broadcast_in_dim3A_2324 = vector.broadcast %jit3A_2323 : i32 to vector<256x128xi32>
    %select_n3A_2325 = arith.select %eq3A_2322, %broadcast_in_dim3A_2324, %select_n3A_2275 : vector<256x128xi1>, vector<256x128xi32>
    %eq3A_2326 = vector.broadcast %broadcast_in_dim3A_2308 : vector<256x1xi32> to vector<256x128xi32>
    %eq3A_2327 = arith.cmpi eq, %select_n3A_2280, %eq3A_2326 : vector<256x128xi32>
    %jit3A_2328 = arith.constant 2147483647 : i32
    %broadcast_in_dim3A_2329 = vector.broadcast %jit3A_2328 : i32 to vector<256x128xi32>
    %select_n3A_2330 = arith.select %eq3A_2327, %broadcast_in_dim3A_2329, %select_n3A_2280 : vector<256x128xi1>, vector<256x128xi32>
    %eq3A_2331 = vector.broadcast %broadcast_in_dim3A_2308 : vector<256x1xi32> to vector<256x128xi32>
    %eq3A_2332 = arith.cmpi eq, %select_n3A_2285, %eq3A_2331 : vector<256x128xi32>
    %jit3A_2333 = arith.constant 2147483647 : i32
    %broadcast_in_dim3A_2334 = vector.broadcast %jit3A_2333 : i32 to vector<256x128xi32>
    %select_n3A_2335 = arith.select %eq3A_2332, %broadcast_in_dim3A_2334, %select_n3A_2285 : vector<256x128xi1>, vector<256x128xi32>
    %eq3A_2336 = vector.broadcast %broadcast_in_dim3A_2308 : vector<256x1xi32> to vector<256x128xi32>
    %eq3A_2337 = arith.cmpi eq, %select_n3A_2290, %eq3A_2336 : vector<256x128xi32>
    %jit3A_2338 = arith.constant 2147483647 : i32
    %broadcast_in_dim3A_2339 = vector.broadcast %jit3A_2338 : i32 to vector<256x128xi32>
    %select_n3A_2340 = arith.select %eq3A_2337, %broadcast_in_dim3A_2339, %select_n3A_2290 : vector<256x128xi1>, vector<256x128xi32>
    %eq3A_2341 = vector.broadcast %broadcast_in_dim3A_2308 : vector<256x1xi32> to vector<256x128xi32>
    %eq3A_2342 = arith.cmpi eq, %select_n3A_2295, %eq3A_2341 : vector<256x128xi32>
    %jit3A_2343 = arith.constant 2147483647 : i32
    %broadcast_in_dim3A_2344 = vector.broadcast %jit3A_2343 : i32 to vector<256x128xi32>
    %select_n3A_2345 = arith.select %eq3A_2342, %broadcast_in_dim3A_2344, %select_n3A_2295 : vector<256x128xi1>, vector<256x128xi32>
    %eq3A_2346 = vector.broadcast %broadcast_in_dim3A_2308 : vector<256x1xi32> to vector<256x128xi32>
    %eq3A_2347 = arith.cmpi eq, %select_n3A_2300, %eq3A_2346 : vector<256x128xi32>
    %jit3A_2348 = arith.constant 2147483647 : i32
    %broadcast_in_dim3A_2349 = vector.broadcast %jit3A_2348 : i32 to vector<256x128xi32>
    %select_n3A_2350 = arith.select %eq3A_2347, %broadcast_in_dim3A_2349, %select_n3A_2300 : vector<256x128xi1>, vector<256x128xi32>
    %min3A_2351 = arith.minsi %select_n3A_2325, %select_n3A_2330 : vector<256x128xi32>
    %min3A_2352 = arith.minsi %min3A_2351, %select_n3A_2335 : vector<256x128xi32>
    %min3A_2353 = arith.minsi %min3A_2352, %select_n3A_2340 : vector<256x128xi32>
    %min3A_2354 = arith.minsi %min3A_2353, %select_n3A_2345 : vector<256x128xi32>
    %min3A_2355 = arith.minsi %min3A_2354, %select_n3A_2350 : vector<256x128xi32>
    %reduce_min3A_2356 = arith.constant dense<2147483647> : vector<256xi32>
    %reduce_min3A_2357 = vector.multi_reduction <minsi>, %min3A_2355, %reduce_min3A_2356 [1] : vector<256x128xi32> to vector<256xi32>
    %broadcast_in_dim3A_2358 = vector.shape_cast %reduce_min3A_2357 : vector<256xi32> to vector<256x1xi32>
    %squeeze3A_2359 = vector.shape_cast %broadcast_in_dim3A_2358 : vector<256x1xi32> to vector<256xi32>
    %and3A_2360 = arith.constant 4095 : i32
    %and3A_2361 = vector.broadcast %and3A_2360 : i32 to vector<256xi32>
    %and3A_2362 = arith.andi %squeeze3A_2359, %and3A_2361 : vector<256xi32>
    %add3A_2363 = vector.broadcast %mul3A_49 : i32 to vector<256xi32>
    %add3A_2364 = arith.addi %and3A_2362, %add3A_2363 : vector<256xi32>
    %swap3A_2365 = arith.constant 0 : index
    %swap3A_2366 = arith.constant 29 : index
    %swap3A_2367 = arith.constant 0 : index
    %swap3A_2368 = vector.load %arg4[%swap3A_2365, %swap3A_2366, %swap3A_2367] : memref<1x32x256xi32, #tpu.memory_space<vmem>>, vector<1x1x256xi32>
    %swap3A_2369 = vector.shape_cast %swap3A_2368 : vector<1x1x256xi32> to vector<256xi32>
    %swap3A_2370 = vector.shape_cast %add3A_2364 : vector<256xi32> to vector<1x1x256xi32>
    tpu.vector_store %arg4[%swap3A_2365, %swap3A_2366, %swap3A_2367], %swap3A_2370 {strides = array<i32>} : memref<1x32x256xi32, #tpu.memory_space<vmem>>, vector<1x1x256xi32>,
    %eq3A_2371 = vector.broadcast %broadcast_in_dim3A_2358 : vector<256x1xi32> to vector<256x128xi32>
    %eq3A_2372 = arith.cmpi eq, %select_n3A_2325, %eq3A_2371 : vector<256x128xi32>
    %jit3A_2373 = arith.constant 2147483647 : i32
    %broadcast_in_dim3A_2374 = vector.broadcast %jit3A_2373 : i32 to vector<256x128xi32>
    %select_n3A_2375 = arith.select %eq3A_2372, %broadcast_in_dim3A_2374, %select_n3A_2325 : vector<256x128xi1>, vector<256x128xi32>
    %eq3A_2376 = vector.broadcast %broadcast_in_dim3A_2358 : vector<256x1xi32> to vector<256x128xi32>
    %eq3A_2377 = arith.cmpi eq, %select_n3A_2330, %eq3A_2376 : vector<256x128xi32>
    %jit3A_2378 = arith.constant 2147483647 : i32
    %broadcast_in_dim3A_2379 = vector.broadcast %jit3A_2378 : i32 to vector<256x128xi32>
    %select_n3A_2380 = arith.select %eq3A_2377, %broadcast_in_dim3A_2379, %select_n3A_2330 : vector<256x128xi1>, vector<256x128xi32>
    %eq3A_2381 = vector.broadcast %broadcast_in_dim3A_2358 : vector<256x1xi32> to vector<256x128xi32>
    %eq3A_2382 = arith.cmpi eq, %select_n3A_2335, %eq3A_2381 : vector<256x128xi32>
    %jit3A_2383 = arith.constant 2147483647 : i32
    %broadcast_in_dim3A_2384 = vector.broadcast %jit3A_2383 : i32 to vector<256x128xi32>
    %select_n3A_2385 = arith.select %eq3A_2382, %broadcast_in_dim3A_2384, %select_n3A_2335 : vector<256x128xi1>, vector<256x128xi32>
    %eq3A_2386 = vector.broadcast %broadcast_in_dim3A_2358 : vector<256x1xi32> to vector<256x128xi32>
    %eq3A_2387 = arith.cmpi eq, %select_n3A_2340, %eq3A_2386 : vector<256x128xi32>
    %jit3A_2388 = arith.constant 2147483647 : i32
    %broadcast_in_dim3A_2389 = vector.broadcast %jit3A_2388 : i32 to vector<256x128xi32>
    %select_n3A_2390 = arith.select %eq3A_2387, %broadcast_in_dim3A_2389, %select_n3A_2340 : vector<256x128xi1>, vector<256x128xi32>
    %eq3A_2391 = vector.broadcast %broadcast_in_dim3A_2358 : vector<256x1xi32> to vector<256x128xi32>
    %eq3A_2392 = arith.cmpi eq, %select_n3A_2345, %eq3A_2391 : vector<256x128xi32>
    %jit3A_2393 = arith.constant 2147483647 : i32
    %broadcast_in_dim3A_2394 = vector.broadcast %jit3A_2393 : i32 to vector<256x128xi32>
    %select_n3A_2395 = arith.select %eq3A_2392, %broadcast_in_dim3A_2394, %select_n3A_2345 : vector<256x128xi1>, vector<256x128xi32>
    %eq3A_2396 = vector.broadcast %broadcast_in_dim3A_2358 : vector<256x1xi32> to vector<256x128xi32>
    %eq3A_2397 = arith.cmpi eq, %select_n3A_2350, %eq3A_2396 : vector<256x128xi32>
    %jit3A_2398 = arith.constant 2147483647 : i32
    %broadcast_in_dim3A_2399 = vector.broadcast %jit3A_2398 : i32 to vector<256x128xi32>
    %select_n3A_2400 = arith.select %eq3A_2397, %broadcast_in_dim3A_2399, %select_n3A_2350 : vector<256x128xi1>, vector<256x128xi32>
    %min3A_2401 = arith.minsi %select_n3A_2375, %select_n3A_2380 : vector<256x128xi32>
    %min3A_2402 = arith.minsi %min3A_2401, %select_n3A_2385 : vector<256x128xi32>
    %min3A_2403 = arith.minsi %min3A_2402, %select_n3A_2390 : vector<256x128xi32>
    %min3A_2404 = arith.minsi %min3A_2403, %select_n3A_2395 : vector<256x128xi32>
    %min3A_2405 = arith.minsi %min3A_2404, %select_n3A_2400 : vector<256x128xi32>
    %reduce_min3A_2406 = arith.constant dense<2147483647> : vector<256xi32>
    %reduce_min3A_2407 = vector.multi_reduction <minsi>, %min3A_2405, %reduce_min3A_2406 [1] : vector<256x128xi32> to vector<256xi32>
    %broadcast_in_dim3A_2408 = vector.shape_cast %reduce_min3A_2407 : vector<256xi32> to vector<256x1xi32>
    %squeeze3A_2409 = vector.shape_cast %broadcast_in_dim3A_2408 : vector<256x1xi32> to vector<256xi32>
    %and3A_2410 = arith.constant 4095 : i32
    %and3A_2411 = vector.broadcast %and3A_2410 : i32 to vector<256xi32>
    %and3A_2412 = arith.andi %squeeze3A_2409, %and3A_2411 : vector<256xi32>
    %add3A_2413 = vector.broadcast %mul3A_49 : i32 to vector<256xi32>
    %add3A_2414 = arith.addi %and3A_2412, %add3A_2413 : vector<256xi32>
    %swap3A_2415 = arith.constant 0 : index
    %swap3A_2416 = arith.constant 30 : index
    %swap3A_2417 = arith.constant 0 : index
    %swap3A_2418 = vector.load %arg4[%swap3A_2415, %swap3A_2416, %swap3A_2417] : memref<1x32x256xi32, #tpu.memory_space<vmem>>, vector<1x1x256xi32>
    %swap3A_2419 = vector.shape_cast %swap3A_2418 : vector<1x1x256xi32> to vector<256xi32>
    %swap3A_2420 = vector.shape_cast %add3A_2414 : vector<256xi32> to vector<1x1x256xi32>
    tpu.vector_store %arg4[%swap3A_2415, %swap3A_2416, %swap3A_2417], %swap3A_2420 {strides = array<i32>} : memref<1x32x256xi32, #tpu.memory_space<vmem>>, vector<1x1x256xi32>,
    %eq3A_2421 = vector.broadcast %broadcast_in_dim3A_2408 : vector<256x1xi32> to vector<256x128xi32>
    %eq3A_2422 = arith.cmpi eq, %select_n3A_2375, %eq3A_2421 : vector<256x128xi32>
    %jit3A_2423 = arith.constant 2147483647 : i32
    %broadcast_in_dim3A_2424 = vector.broadcast %jit3A_2423 : i32 to vector<256x128xi32>
    %select_n3A_2425 = arith.select %eq3A_2422, %broadcast_in_dim3A_2424, %select_n3A_2375 : vector<256x128xi1>, vector<256x128xi32>
    %eq3A_2426 = vector.broadcast %broadcast_in_dim3A_2408 : vector<256x1xi32> to vector<256x128xi32>
    %eq3A_2427 = arith.cmpi eq, %select_n3A_2380, %eq3A_2426 : vector<256x128xi32>
    %jit3A_2428 = arith.constant 2147483647 : i32
    %broadcast_in_dim3A_2429 = vector.broadcast %jit3A_2428 : i32 to vector<256x128xi32>
    %select_n3A_2430 = arith.select %eq3A_2427, %broadcast_in_dim3A_2429, %select_n3A_2380 : vector<256x128xi1>, vector<256x128xi32>
    %eq3A_2431 = vector.broadcast %broadcast_in_dim3A_2408 : vector<256x1xi32> to vector<256x128xi32>
    %eq3A_2432 = arith.cmpi eq, %select_n3A_2385, %eq3A_2431 : vector<256x128xi32>
    %jit3A_2433 = arith.constant 2147483647 : i32
    %broadcast_in_dim3A_2434 = vector.broadcast %jit3A_2433 : i32 to vector<256x128xi32>
    %select_n3A_2435 = arith.select %eq3A_2432, %broadcast_in_dim3A_2434, %select_n3A_2385 : vector<256x128xi1>, vector<256x128xi32>
    %eq3A_2436 = vector.broadcast %broadcast_in_dim3A_2408 : vector<256x1xi32> to vector<256x128xi32>
    %eq3A_2437 = arith.cmpi eq, %select_n3A_2390, %eq3A_2436 : vector<256x128xi32>
    %jit3A_2438 = arith.constant 2147483647 : i32
    %broadcast_in_dim3A_2439 = vector.broadcast %jit3A_2438 : i32 to vector<256x128xi32>
    %select_n3A_2440 = arith.select %eq3A_2437, %broadcast_in_dim3A_2439, %select_n3A_2390 : vector<256x128xi1>, vector<256x128xi32>
    %eq3A_2441 = vector.broadcast %broadcast_in_dim3A_2408 : vector<256x1xi32> to vector<256x128xi32>
    %eq3A_2442 = arith.cmpi eq, %select_n3A_2395, %eq3A_2441 : vector<256x128xi32>
    %jit3A_2443 = arith.constant 2147483647 : i32
    %broadcast_in_dim3A_2444 = vector.broadcast %jit3A_2443 : i32 to vector<256x128xi32>
    %select_n3A_2445 = arith.select %eq3A_2442, %broadcast_in_dim3A_2444, %select_n3A_2395 : vector<256x128xi1>, vector<256x128xi32>
    %eq3A_2446 = vector.broadcast %broadcast_in_dim3A_2408 : vector<256x1xi32> to vector<256x128xi32>
    %eq3A_2447 = arith.cmpi eq, %select_n3A_2400, %eq3A_2446 : vector<256x128xi32>
    %jit3A_2448 = arith.constant 2147483647 : i32
    %broadcast_in_dim3A_2449 = vector.broadcast %jit3A_2448 : i32 to vector<256x128xi32>
    %select_n3A_2450 = arith.select %eq3A_2447, %broadcast_in_dim3A_2449, %select_n3A_2400 : vector<256x128xi1>, vector<256x128xi32>
    %min3A_2451 = arith.minsi %select_n3A_2425, %select_n3A_2430 : vector<256x128xi32>
    %min3A_2452 = arith.minsi %min3A_2451, %select_n3A_2435 : vector<256x128xi32>
    %min3A_2453 = arith.minsi %min3A_2452, %select_n3A_2440 : vector<256x128xi32>
    %min3A_2454 = arith.minsi %min3A_2453, %select_n3A_2445 : vector<256x128xi32>
    %min3A_2455 = arith.minsi %min3A_2454, %select_n3A_2450 : vector<256x128xi32>
    %reduce_min3A_2456 = arith.constant dense<2147483647> : vector<256xi32>
    %reduce_min3A_2457 = vector.multi_reduction <minsi>, %min3A_2455, %reduce_min3A_2456 [1] : vector<256x128xi32> to vector<256xi32>
    %broadcast_in_dim3A_2458 = vector.shape_cast %reduce_min3A_2457 : vector<256xi32> to vector<256x1xi32>
    %squeeze3A_2459 = vector.shape_cast %broadcast_in_dim3A_2458 : vector<256x1xi32> to vector<256xi32>
    %and3A_2460 = arith.constant 4095 : i32
    %and3A_2461 = vector.broadcast %and3A_2460 : i32 to vector<256xi32>
    %and3A_2462 = arith.andi %squeeze3A_2459, %and3A_2461 : vector<256xi32>
    %add3A_2463 = vector.broadcast %mul3A_49 : i32 to vector<256xi32>
    %add3A_2464 = arith.addi %and3A_2462, %add3A_2463 : vector<256xi32>
    %swap3A_2465 = arith.constant 0 : index
    %swap3A_2466 = arith.constant 31 : index
    %swap3A_2467 = arith.constant 0 : index
    %swap3A_2468 = vector.load %arg4[%swap3A_2465, %swap3A_2466, %swap3A_2467] : memref<1x32x256xi32, #tpu.memory_space<vmem>>, vector<1x1x256xi32>
    %swap3A_2469 = vector.shape_cast %swap3A_2468 : vector<1x1x256xi32> to vector<256xi32>
    %swap3A_2470 = vector.shape_cast %add3A_2464 : vector<256xi32> to vector<1x1x256xi32>
    tpu.vector_store %arg4[%swap3A_2465, %swap3A_2466, %swap3A_2467], %swap3A_2470 {strides = array<i32>} : memref<1x32x256xi32, #tpu.memory_space<vmem>>, vector<1x1x256xi32>,
    return
  }
  func.func @transform_0(%arg0: i32, %arg1: i32) -> (i32, i32) {
    %mul3A = arith.constant 4 : i32
    %mul3A_0 = arith.muli %arg0, %mul3A : i32
    %add3A = arith.addi %mul3A_0, %arg1 : i32
    %c0_i32 = arith.constant 0 : i32
    %c0_i32_1 = arith.constant 0 : i32
    return %add3A, %c0_i32 : i32, i32
  }
  func.func @transform_1(%arg0: i32, %arg1: i32) -> (i32, i32, i32) {
    %c0_i32 = arith.constant 0 : i32
    %c0_i32_0 = arith.constant 0 : i32
    %c0_i32_1 = arith.constant 0 : i32
    return %arg0, %c0_i32, %c0_i32_0 : i32, i32, i32
  }
  func.func @transform_2(%arg0: i32, %arg1: i32) -> (i32, i32, i32) {
    %c0_i32 = arith.constant 0 : i32
    %c0_i32_0 = arith.constant 0 : i32
    return %arg0, %c0_i32, %arg1 : i32, i32, i32
  }
}

module attributes {stable_mosaic.version = 14 : i64} {
  func.func @_q_kernel(%arg0: i32, %arg1: memref<2048x8xf32, #tpu.memory_space<vmem>>, %arg2: memref<2048x128xf32, #tpu.memory_space<vmem>>, %arg3: memref<8x256xf32, #tpu.memory_space<vmem>>, %arg4: memref<128x256xf32, #tpu.memory_space<vmem>>, %arg5: memref<1x256xf32, #tpu.memory_space<vmem>>, %arg6: memref<2048x256xf32, #tpu.memory_space<vmem>>) attributes {dimension_semantics = [#tpu.dimension_semantics<arbitrary>], iteration_bounds = array<i64: 8>, scalar_prefetch = 0 : i64, scratch_operands = 0 : i64, tpu.core_type = #tpu.core_type<tc>, window_params = [{transform_indices = @transform_0, window_bounds = array<i64: 2048, 8>}, {transform_indices = @transform_1, window_bounds = array<i64: 2048, 128>}, {pipeline_mode = #tpu.pipeline_mode<synchronous>, transform_indices = @transform_2, window_bounds = array<i64: 8, 256>}, {pipeline_mode = #tpu.pipeline_mode<synchronous>, transform_indices = @transform_3, window_bounds = array<i64: 128, 256>}, {pipeline_mode = #tpu.pipeline_mode<synchronous>, transform_indices = @transform_4, window_bounds = array<i64: 1, 256>}, {transform_indices = @transform_5, window_bounds = array<i64: 2048, 256>}]} {
    %get3A = arith.constant 0 : index
    %get3A_0 = arith.constant 0 : index
    %get3A_1 = vector.load %arg1[%get3A, %get3A_0] : memref<2048x8xf32, #tpu.memory_space<vmem>>, vector<2048x8xf32>
    %get3A_2 = arith.constant 0 : index
    %get3A_3 = arith.constant 0 : index
    %get3A_4 = vector.load %arg2[%get3A_2, %get3A_3] : memref<2048x128xf32, #tpu.memory_space<vmem>>, vector<2048x128xf32>
    %get3A_5 = arith.constant 0 : index
    %get3A_6 = arith.constant 0 : index
    %get3A_7 = vector.load %arg4[%get3A_5, %get3A_6] : memref<128x256xf32, #tpu.memory_space<vmem>>, vector<128x256xf32>
    %dot_general3A = arith.constant dense<0.000000e+00> : vector<2048x256xf32>
    %dot_general3A_8 = tpu.matmul %get3A_4, %get3A_7, %dot_general3A {dimension_numbers = #tpu.dot_dimension_numbers<[1], [0], [0], [1], [0, 0, 1, 1], [], []>, transpose_lhs_hint = false} : vector<2048x128xf32>, vector<128x256xf32>, vector<2048x256xf32> -> vector<2048x256xf32>
    %get3A_9 = arith.constant 0 : index
    %get3A_10 = arith.constant 0 : index
    %get3A_11 = vector.load %arg3[%get3A_9, %get3A_10] : memref<8x256xf32, #tpu.memory_space<vmem>>, vector<8x256xf32>
    %dot_general3A_12 = arith.constant dense<0.000000e+00> : vector<2048x256xf32>
    %dot_general3A_13 = tpu.matmul %get3A_1, %get3A_11, %dot_general3A_12 {dimension_numbers = #tpu.dot_dimension_numbers<[1], [0], [0], [1], [0, 0, 1, 1], [], []>, transpose_lhs_hint = false} : vector<2048x8xf32>, vector<8x256xf32>, vector<2048x256xf32> -> vector<2048x256xf32>
    %add3A = arith.addf %dot_general3A_8, %dot_general3A_13 : vector<2048x256xf32>
    %get3A_14 = arith.constant 0 : index
    %get3A_15 = arith.constant 0 : index
    %get3A_16 = vector.load %arg5[%get3A_14, %get3A_15] : memref<1x256xf32, #tpu.memory_space<vmem>>, vector<1x256xf32>
    %add3A_17 = vector.broadcast %get3A_16 : vector<1x256xf32> to vector<2048x256xf32>
    %add3A_18 = arith.addf %add3A, %add3A_17 : vector<2048x256xf32>
    %swap3A = arith.constant 0 : index
    %swap3A_19 = arith.constant 0 : index
    %swap3A_20 = vector.load %arg6[%swap3A, %swap3A_19] : memref<2048x256xf32, #tpu.memory_space<vmem>>, vector<2048x256xf32>
    tpu.vector_store %arg6[%swap3A, %swap3A_19], %add3A_18 {strides = array<i32>} : memref<2048x256xf32, #tpu.memory_space<vmem>>, vector<2048x256xf32>,
    return
  }
  func.func @transform_0(%arg0: i32) -> (i32, i32) {
    %c0_i32 = arith.constant 0 : i32
    %c0_i32_0 = arith.constant 0 : i32
    return %arg0, %c0_i32 : i32, i32
  }
  func.func @transform_1(%arg0: i32) -> (i32, i32) {
    %c0_i32 = arith.constant 0 : i32
    %c0_i32_0 = arith.constant 0 : i32
    return %arg0, %c0_i32 : i32, i32
  }
  func.func @transform_2(%arg0: i32) -> (i32, i32) {
    %c0_i32 = arith.constant 0 : i32
    %c0_i32_0 = arith.constant 0 : i32
    %c0_i32_1 = arith.constant 0 : i32
    return %c0_i32, %c0_i32_0 : i32, i32
  }
  func.func @transform_3(%arg0: i32) -> (i32, i32) {
    %c0_i32 = arith.constant 0 : i32
    %c0_i32_0 = arith.constant 0 : i32
    %c0_i32_1 = arith.constant 0 : i32
    return %c0_i32, %c0_i32_0 : i32, i32
  }
  func.func @transform_4(%arg0: i32) -> (i32, i32) {
    %c0_i32 = arith.constant 0 : i32
    %c0_i32_0 = arith.constant 0 : i32
    %c0_i32_1 = arith.constant 0 : i32
    return %c0_i32, %c0_i32_0 : i32, i32
  }
  func.func @transform_5(%arg0: i32) -> (i32, i32) {
    %c0_i32 = arith.constant 0 : i32
    %c0_i32_0 = arith.constant 0 : i32
    return %arg0, %c0_i32 : i32, i32
  }
}

module attributes {stable_mosaic.version = 14 : i64} {
  func.func @_mlp_kernel(%arg0: i32, %arg1: memref<32x128x256xf32, #tpu.memory_space<vmem>>, %arg2: memref<128x8xf32, #tpu.memory_space<vmem>>, %arg3: memref<8x256xf32, #tpu.memory_space<vmem>>, %arg4: memref<256x256xf32, #tpu.memory_space<vmem>>, %arg5: memref<1x256xf32, #tpu.memory_space<vmem>>, %arg6: memref<128x256xf32, #tpu.memory_space<vmem>>) attributes {dimension_semantics = [#tpu.dimension_semantics<arbitrary>], iteration_bounds = array<i64: 32>, scalar_prefetch = 0 : i64, scratch_operands = 0 : i64, tpu.core_type = #tpu.core_type<tc>, window_params = [{transform_indices = @transform_0, window_bounds = array<i64: 32, 128, 256>}, {transform_indices = @transform_1, window_bounds = array<i64: 128, 8>}, {pipeline_mode = #tpu.pipeline_mode<synchronous>, transform_indices = @transform_2, window_bounds = array<i64: 8, 256>}, {pipeline_mode = #tpu.pipeline_mode<synchronous>, transform_indices = @transform_3, window_bounds = array<i64: 256, 256>}, {pipeline_mode = #tpu.pipeline_mode<synchronous>, transform_indices = @transform_4, window_bounds = array<i64: 1, 256>}, {transform_indices = @transform_5, window_bounds = array<i64: 128, 256>}]} {
    %get3A = arith.constant 0 : index
    %get3A_0 = arith.constant 0 : index
    %get3A_1 = vector.load %arg2[%get3A, %get3A_0] : memref<128x8xf32, #tpu.memory_space<vmem>>, vector<128x8xf32>
    %get3A_2 = arith.constant 0 : index
    %get3A_3 = arith.constant 0 : index
    %get3A_4 = vector.load %arg3[%get3A_2, %get3A_3] : memref<8x256xf32, #tpu.memory_space<vmem>>, vector<8x256xf32>
    %dot_general3A = arith.constant dense<0.000000e+00> : vector<128x256xf32>
    %dot_general3A_5 = tpu.matmul %get3A_1, %get3A_4, %dot_general3A {dimension_numbers = #tpu.dot_dimension_numbers<[1], [0], [0], [1], [0, 0, 1, 1], [], []>, transpose_lhs_hint = false} : vector<128x8xf32>, vector<8x256xf32>, vector<128x256xf32> -> vector<128x256xf32>
    %get3A_6 = arith.constant 0 : index
    %get3A_7 = arith.constant 0 : index
    %get3A_8 = arith.constant 0 : index
    %get3A_9 = vector.load %arg1[%get3A_6, %get3A_7, %get3A_8] : memref<32x128x256xf32, #tpu.memory_space<vmem>>, vector<32x128x256xf32>
    %broadcast_in_dim3A = vector.shape_cast %dot_general3A_5 : vector<128x256xf32> to vector<1x128x256xf32>
    %sub3A = vector.broadcast %broadcast_in_dim3A : vector<1x128x256xf32> to vector<32x128x256xf32>
    %sub3A_10 = arith.subf %get3A_9, %sub3A : vector<32x128x256xf32>
    %mul3A = arith.constant 5.000000e-01 : f32
    %mul3A_11 = vector.broadcast %mul3A : f32 to vector<32x128x256xf32>
    %mul3A_12 = arith.mulf %mul3A_11, %sub3A_10 : vector<32x128x256xf32>
    %mul3A_13 = arith.constant 0.707106769 : f32
    %mul3A_14 = vector.broadcast %mul3A_13 : f32 to vector<32x128x256xf32>
    %mul3A_15 = arith.mulf %sub3A_10, %mul3A_14 : vector<32x128x256xf32>
    %erf3A = math.erf %mul3A_15 : vector<32x128x256xf32>
    %add3A = arith.constant 1.000000e+00 : f32
    %add3A_16 = vector.broadcast %add3A : f32 to vector<32x128x256xf32>
    %add3A_17 = arith.addf %add3A_16, %erf3A : vector<32x128x256xf32>
    %mul3A_18 = arith.mulf %mul3A_12, %add3A_17 : vector<32x128x256xf32>
    %reshape3A = vector.shape_cast %mul3A_18 : vector<32x128x256xf32> to vector<4096x256xf32>
    %get3A_19 = arith.constant 0 : index
    %get3A_20 = arith.constant 0 : index
    %get3A_21 = vector.load %arg4[%get3A_19, %get3A_20] : memref<256x256xf32, #tpu.memory_space<vmem>>, vector<256x256xf32>
    %dot_general3A_22 = arith.constant dense<0.000000e+00> : vector<4096x256xf32>
    %dot_general3A_23 = tpu.matmul %reshape3A, %get3A_21, %dot_general3A_22 {dimension_numbers = #tpu.dot_dimension_numbers<[1], [0], [0], [1], [0, 0, 1, 1], [], []>, transpose_lhs_hint = false} : vector<4096x256xf32>, vector<256x256xf32>, vector<4096x256xf32> -> vector<4096x256xf32>
    %get3A_24 = arith.constant 0 : index
    %get3A_25 = arith.constant 0 : index
    %get3A_26 = vector.load %arg5[%get3A_24, %get3A_25] : memref<1x256xf32, #tpu.memory_space<vmem>>, vector<1x256xf32>
    %add3A_27 = vector.broadcast %get3A_26 : vector<1x256xf32> to vector<4096x256xf32>
    %add3A_28 = arith.addf %dot_general3A_23, %add3A_27 : vector<4096x256xf32>
    %mul3A_29 = arith.constant 5.000000e-01 : f32
    %mul3A_30 = vector.broadcast %mul3A_29 : f32 to vector<4096x256xf32>
    %mul3A_31 = arith.mulf %mul3A_30, %add3A_28 : vector<4096x256xf32>
    %mul3A_32 = arith.constant 0.707106769 : f32
    %mul3A_33 = vector.broadcast %mul3A_32 : f32 to vector<4096x256xf32>
    %mul3A_34 = arith.mulf %add3A_28, %mul3A_33 : vector<4096x256xf32>
    %erf3A_35 = math.erf %mul3A_34 : vector<4096x256xf32>
    %add3A_36 = arith.constant 1.000000e+00 : f32
    %add3A_37 = vector.broadcast %add3A_36 : f32 to vector<4096x256xf32>
    %add3A_38 = arith.addf %add3A_37, %erf3A_35 : vector<4096x256xf32>
    %mul3A_39 = arith.mulf %mul3A_31, %add3A_38 : vector<4096x256xf32>
    %slice3A = vector.extract_strided_slice %mul3A_39 {offsets = [0, 0], sizes = [128, 256], strides = [1, 1]} : vector<4096x256xf32> to vector<128x256xf32>
    %slice3A_40 = vector.extract_strided_slice %mul3A_39 {offsets = [128, 0], sizes = [128, 256], strides = [1, 1]} : vector<4096x256xf32> to vector<128x256xf32>
    %max3A = arith.maximumf %slice3A, %slice3A_40 : vector<128x256xf32>
    %slice3A_41 = vector.extract_strided_slice %mul3A_39 {offsets = [256, 0], sizes = [128, 256], strides = [1, 1]} : vector<4096x256xf32> to vector<128x256xf32>
    %max3A_42 = arith.maximumf %max3A, %slice3A_41 : vector<128x256xf32>
    %slice3A_43 = vector.extract_strided_slice %mul3A_39 {offsets = [384, 0], sizes = [128, 256], strides = [1, 1]} : vector<4096x256xf32> to vector<128x256xf32>
    %max3A_44 = arith.maximumf %max3A_42, %slice3A_43 : vector<128x256xf32>
    %slice3A_45 = vector.extract_strided_slice %mul3A_39 {offsets = [512, 0], sizes = [128, 256], strides = [1, 1]} : vector<4096x256xf32> to vector<128x256xf32>
    %max3A_46 = arith.maximumf %max3A_44, %slice3A_45 : vector<128x256xf32>
    %slice3A_47 = vector.extract_strided_slice %mul3A_39 {offsets = [640, 0], sizes = [128, 256], strides = [1, 1]} : vector<4096x256xf32> to vector<128x256xf32>
    %max3A_48 = arith.maximumf %max3A_46, %slice3A_47 : vector<128x256xf32>
    %slice3A_49 = vector.extract_strided_slice %mul3A_39 {offsets = [768, 0], sizes = [128, 256], strides = [1, 1]} : vector<4096x256xf32> to vector<128x256xf32>
    %max3A_50 = arith.maximumf %max3A_48, %slice3A_49 : vector<128x256xf32>
    %slice3A_51 = vector.extract_strided_slice %mul3A_39 {offsets = [896, 0], sizes = [128, 256], strides = [1, 1]} : vector<4096x256xf32> to vector<128x256xf32>
    %max3A_52 = arith.maximumf %max3A_50, %slice3A_51 : vector<128x256xf32>
    %slice3A_53 = vector.extract_strided_slice %mul3A_39 {offsets = [1024, 0], sizes = [128, 256], strides = [1, 1]} : vector<4096x256xf32> to vector<128x256xf32>
    %max3A_54 = arith.maximumf %max3A_52, %slice3A_53 : vector<128x256xf32>
    %slice3A_55 = vector.extract_strided_slice %mul3A_39 {offsets = [1152, 0], sizes = [128, 256], strides = [1, 1]} : vector<4096x256xf32> to vector<128x256xf32>
    %max3A_56 = arith.maximumf %max3A_54, %slice3A_55 : vector<128x256xf32>
    %slice3A_57 = vector.extract_strided_slice %mul3A_39 {offsets = [1280, 0], sizes = [128, 256], strides = [1, 1]} : vector<4096x256xf32> to vector<128x256xf32>
    %max3A_58 = arith.maximumf %max3A_56, %slice3A_57 : vector<128x256xf32>
    %slice3A_59 = vector.extract_strided_slice %mul3A_39 {offsets = [1408, 0], sizes = [128, 256], strides = [1, 1]} : vector<4096x256xf32> to vector<128x256xf32>
    %max3A_60 = arith.maximumf %max3A_58, %slice3A_59 : vector<128x256xf32>
    %slice3A_61 = vector.extract_strided_slice %mul3A_39 {offsets = [1536, 0], sizes = [128, 256], strides = [1, 1]} : vector<4096x256xf32> to vector<128x256xf32>
    %max3A_62 = arith.maximumf %max3A_60, %slice3A_61 : vector<128x256xf32>
    %slice3A_63 = vector.extract_strided_slice %mul3A_39 {offsets = [1664, 0], sizes = [128, 256], strides = [1, 1]} : vector<4096x256xf32> to vector<128x256xf32>
    %max3A_64 = arith.maximumf %max3A_62, %slice3A_63 : vector<128x256xf32>
    %slice3A_65 = vector.extract_strided_slice %mul3A_39 {offsets = [1792, 0], sizes = [128, 256], strides = [1, 1]} : vector<4096x256xf32> to vector<128x256xf32>
    %max3A_66 = arith.maximumf %max3A_64, %slice3A_65 : vector<128x256xf32>
    %slice3A_67 = vector.extract_strided_slice %mul3A_39 {offsets = [1920, 0], sizes = [128, 256], strides = [1, 1]} : vector<4096x256xf32> to vector<128x256xf32>
    %max3A_68 = arith.maximumf %max3A_66, %slice3A_67 : vector<128x256xf32>
    %slice3A_69 = vector.extract_strided_slice %mul3A_39 {offsets = [2048, 0], sizes = [128, 256], strides = [1, 1]} : vector<4096x256xf32> to vector<128x256xf32>
    %max3A_70 = arith.maximumf %max3A_68, %slice3A_69 : vector<128x256xf32>
    %slice3A_71 = vector.extract_strided_slice %mul3A_39 {offsets = [2176, 0], sizes = [128, 256], strides = [1, 1]} : vector<4096x256xf32> to vector<128x256xf32>
    %max3A_72 = arith.maximumf %max3A_70, %slice3A_71 : vector<128x256xf32>
    %slice3A_73 = vector.extract_strided_slice %mul3A_39 {offsets = [2304, 0], sizes = [128, 256], strides = [1, 1]} : vector<4096x256xf32> to vector<128x256xf32>
    %max3A_74 = arith.maximumf %max3A_72, %slice3A_73 : vector<128x256xf32>
    %slice3A_75 = vector.extract_strided_slice %mul3A_39 {offsets = [2432, 0], sizes = [128, 256], strides = [1, 1]} : vector<4096x256xf32> to vector<128x256xf32>
    %max3A_76 = arith.maximumf %max3A_74, %slice3A_75 : vector<128x256xf32>
    %slice3A_77 = vector.extract_strided_slice %mul3A_39 {offsets = [2560, 0], sizes = [128, 256], strides = [1, 1]} : vector<4096x256xf32> to vector<128x256xf32>
    %max3A_78 = arith.maximumf %max3A_76, %slice3A_77 : vector<128x256xf32>
    %slice3A_79 = vector.extract_strided_slice %mul3A_39 {offsets = [2688, 0], sizes = [128, 256], strides = [1, 1]} : vector<4096x256xf32> to vector<128x256xf32>
    %max3A_80 = arith.maximumf %max3A_78, %slice3A_79 : vector<128x256xf32>
    %slice3A_81 = vector.extract_strided_slice %mul3A_39 {offsets = [2816, 0], sizes = [128, 256], strides = [1, 1]} : vector<4096x256xf32> to vector<128x256xf32>
    %max3A_82 = arith.maximumf %max3A_80, %slice3A_81 : vector<128x256xf32>
    %slice3A_83 = vector.extract_strided_slice %mul3A_39 {offsets = [2944, 0], sizes = [128, 256], strides = [1, 1]} : vector<4096x256xf32> to vector<128x256xf32>
    %max3A_84 = arith.maximumf %max3A_82, %slice3A_83 : vector<128x256xf32>
    %slice3A_85 = vector.extract_strided_slice %mul3A_39 {offsets = [3072, 0], sizes = [128, 256], strides = [1, 1]} : vector<4096x256xf32> to vector<128x256xf32>
    %max3A_86 = arith.maximumf %max3A_84, %slice3A_85 : vector<128x256xf32>
    %slice3A_87 = vector.extract_strided_slice %mul3A_39 {offsets = [3200, 0], sizes = [128, 256], strides = [1, 1]} : vector<4096x256xf32> to vector<128x256xf32>
    %max3A_88 = arith.maximumf %max3A_86, %slice3A_87 : vector<128x256xf32>
    %slice3A_89 = vector.extract_strided_slice %mul3A_39 {offsets = [3328, 0], sizes = [128, 256], strides = [1, 1]} : vector<4096x256xf32> to vector<128x256xf32>
    %max3A_90 = arith.maximumf %max3A_88, %slice3A_89 : vector<128x256xf32>
    %slice3A_91 = vector.extract_strided_slice %mul3A_39 {offsets = [3456, 0], sizes = [128, 256], strides = [1, 1]} : vector<4096x256xf32> to vector<128x256xf32>
    %max3A_92 = arith.maximumf %max3A_90, %slice3A_91 : vector<128x256xf32>
    %slice3A_93 = vector.extract_strided_slice %mul3A_39 {offsets = [3584, 0], sizes = [128, 256], strides = [1, 1]} : vector<4096x256xf32> to vector<128x256xf32>
    %max3A_94 = arith.maximumf %max3A_92, %slice3A_93 : vector<128x256xf32>
    %slice3A_95 = vector.extract_strided_slice %mul3A_39 {offsets = [3712, 0], sizes = [128, 256], strides = [1, 1]} : vector<4096x256xf32> to vector<128x256xf32>
    %max3A_96 = arith.maximumf %max3A_94, %slice3A_95 : vector<128x256xf32>
    %slice3A_97 = vector.extract_strided_slice %mul3A_39 {offsets = [3840, 0], sizes = [128, 256], strides = [1, 1]} : vector<4096x256xf32> to vector<128x256xf32>
    %max3A_98 = arith.maximumf %max3A_96, %slice3A_97 : vector<128x256xf32>
    %slice3A_99 = vector.extract_strided_slice %mul3A_39 {offsets = [3968, 0], sizes = [128, 256], strides = [1, 1]} : vector<4096x256xf32> to vector<128x256xf32>
    %max3A_100 = arith.maximumf %max3A_98, %slice3A_99 : vector<128x256xf32>
    %swap3A = arith.constant 0 : index
    %swap3A_101 = arith.constant 0 : index
    %swap3A_102 = vector.load %arg6[%swap3A, %swap3A_101] : memref<128x256xf32, #tpu.memory_space<vmem>>, vector<128x256xf32>
    tpu.vector_store %arg6[%swap3A, %swap3A_101], %max3A_100 {strides = array<i32>} : memref<128x256xf32, #tpu.memory_space<vmem>>, vector<128x256xf32>,
    return
  }
  func.func @transform_0(%arg0: i32) -> (i32, i32, i32) {
    %c0_i32 = arith.constant 0 : i32
    %c0_i32_0 = arith.constant 0 : i32
    %c0_i32_1 = arith.constant 0 : i32
    return %c0_i32, %arg0, %c0_i32_0 : i32, i32, i32
  }
  func.func @transform_1(%arg0: i32) -> (i32, i32) {
    %c0_i32 = arith.constant 0 : i32
    %c0_i32_0 = arith.constant 0 : i32
    return %arg0, %c0_i32 : i32, i32
  }
  func.func @transform_2(%arg0: i32) -> (i32, i32) {
    %c0_i32 = arith.constant 0 : i32
    %c0_i32_0 = arith.constant 0 : i32
    %c0_i32_1 = arith.constant 0 : i32
    return %c0_i32, %c0_i32_0 : i32, i32
  }
  func.func @transform_3(%arg0: i32) -> (i32, i32) {
    %c0_i32 = arith.constant 0 : i32
    %c0_i32_0 = arith.constant 0 : i32
    %c0_i32_1 = arith.constant 0 : i32
    return %c0_i32, %c0_i32_0 : i32, i32
  }
  func.func @transform_4(%arg0: i32) -> (i32, i32) {
    %c0_i32 = arith.constant 0 : i32
    %c0_i32_0 = arith.constant 0 : i32
    %c0_i32_1 = arith.constant 0 : i32
    return %c0_i32, %c0_i32_0 : i32, i32
  }
  func.func @transform_5(%arg0: i32) -> (i32, i32) {
    %c0_i32 = arith.constant 0 : i32
    %c0_i32_0 = arith.constant 0 : i32
    return %arg0, %c0_i32 : i32, i32
  }
}

</mosaic_0001>

<sc_bundles>
// kernel: kernel.6.cloned.1.call-start
scs
__scs_entry_jumppad:
0x0: {  	(pc) =	sbr.rel $0x88, $3  }
0x1: {  	(tag) =	ssettag $0x0;
	lr =	simm.s32 $0x1  }
0x2: {  	[smem:$0x3F9B] =	sst lr;
	_ =	strace $0xD0000000  }
0x3: {  	_ = 	snop  }
0x4: {  	_ = 	snop  }
0x5: {  	_ = 	snop  }
0x6: {  	_ = 	snop  }
0x7: {  	_ = 	snop  }
__scs_overlays_trampoline_lowered:
0x8: {  	[smem:$0x3FAA] =	sst s0  }
0x9: {  	[smem:$0x3FAB] =	sst s1  }
0xa: {  	[smem:$0x3FAC] =	sst s2  }
0xb: {  	[smem:$0x3FAD] =	sst s3  }
0xc: {  	[smem:$0x3FAE] =	sst s4  }
0xd: {  	[smem:$0x3FAF] =	sst s5  }
0xe: {  	[smem:$0x3FB0] =	sst s6  }
0xf: {  	[smem:$0x3FB1] =	sst s7  }
0x10: {  	[smem:$0x3FB2] =	sst s8  }
0x11: {  	[smem:$0x3FB3] =	sst s9;
	s0 =	simm.s32 @!p0 $0x0  }
0x12: {  	s1 =	sld [smem:$0x3F99];
	s0 =	simm.s32 @p0 $0x1  }
0x13: {  	[smem:$0x3FB4] =	sst s0;
	s0 =	simm.s32 @!p1 $0x0  }
0x14: {  	s2 =	sld [smem:$0x3F98];
	s0 =	simm.s32 @p1 $0x1  }
0x15: {  	[smem:$0x3FB5] =	sst s0;
	s0 =	simm.s32 @!p2 $0x0  }
0x16: {  	s3 =	sld [smem:$0x3FDB];
	s0 =	simm.s32 @p2 $0x1  }
0x17: {  	s4 =	simm.s32 $0x1BF5;
	[smem:$0x3FB7] =	sst s0  }
0x18: {  	s0 =	sld [smem:$0x3F9A];
	_ =	swait.ge [sflag:s4], $0x0  }
0x19: {  	s7 =	sld [smem:$0x3F9B]  }
0x1a: {  	s8 =	sadd.s32 $0xFFFFE003, lr  }
0x1b: {  	s9 =	sadd.s32 $0xFFFFFEF7, lr;
	s5 =	simm.s32 $0xFFFFFFFF;
	p2 =	slt.u32 s8, $0xFFFFF086  }
0x1c: {  	p1 =	slt.u32 s9, $0xF7A;
	s5 =	simm.s32 @!p2 $0x0  }
0x1d: {  	s5 =	simm.s32 @p1 $0x1;
	p0 =	seq.s32 s7, s2  }
0x1e: {  	s7 =	smul.u32 @!p0 $0xF7A, s2;
	p2 =	seq.s32 @!p0 s5, $0x0  }
0x1f: {  	s9 =	smul.u32 $0xF7A, s1;
	s8 =	simm.s32 @!p0 $0x1BF5;
	p2 =	por !p2, p0  }
0x20: {  	[sflag:s8] =	ssyncset.s32 @!p0 $0xFFFFF086;
	s6 =	sadd.s32 @!p0 s3, s7;
	s7 =	simm.s32 @!p0 $0x108  }
0x21: {  	s3 =	sadd.s32 s3, s9;
	s6 =	sadd.s32 @!p0 $0x88, s6;
	s7 =	simm.s32 @p2 $0x1082  }
0x22: {  	[simem:s7], [sflag:s8] =	dma.local @!p0 [hbm:s6], $0xF7A  }
0x23: {  	s9 =	sor.u32 $0xD0000000, s2;
	s6 =	simm.s32 $0x108;
	_ =	swait.ge @!p0 [sflag:s8], $0x0  }
0x24: {  	s3 =	sadd.s32 $0x88, s3;
	s6 =	simm.s32 @!p1 $0x1082;
	[sflag:s4] =	ssyncset.s32 $0xFFFFF086  }
0x25: {  	[simem:s6], [sflag:s4] =	dma.local [hbm:s3], $0xF7A  }
0x26: {  	[smem:$0x3F9B] =	sst s1;
	(tag) =	ssettag s2;
	_ =	strace s9  }
0x27: {  	s1 =	sld [smem:$0x3FAB]  }
0x28: {  	s2 =	sld [smem:$0x3FAC]  }
0x29: {  	s4 =	sld [smem:$0x3FAE]  }
0x2a: {  	p0 =	seq.s32 s5, $0x0;
	s5 =	sld [smem:$0x3FAF]  }
0x2b: {  	s6 =	sld [smem:$0x3FB0]  }
0x2c: {  	s7 =	sld [smem:$0x3FB1]  }
0x2d: {  	s3 =	simm.s32 $0x108;
	s8 =	sld [smem:$0x3FB2]  }
0x2e: {  	s3 =	simm.s32 @!p0 $0x1082;
	s9 =	sld [smem:$0x3FB3]  }
0x2f: {  	lr =	sadd.s32 s0, s3;
	s0 =	sld [smem:$0x3FAA]  }
0x30: {  	s3 =	sld [smem:$0x3FAD]  }
0x31: {  	[smem:$0x3FB6] =	sst s10  }
0x32: {  	s10 =	sld [smem:$0x3FB4];
	_ =	sdelay $0x3  }
0x33: {  	p0 =	seq.s32 s10, $0x1;
	s10 =	sld [smem:$0x3FB6];
	_ =	sdelay $0x3  }
0x34: {  	[smem:$0x3FB6] =	sst s10  }
0x35: {  	s10 =	sld [smem:$0x3FB5];
	_ =	sdelay $0x3  }
0x36: {  	p1 =	seq.s32 s10, $0x1;
	s10 =	sld [smem:$0x3FB6];
	_ =	sdelay $0x3  }
0x37: {  	[smem:$0x3FB6] =	sst s10  }
0x38: {  	s10 =	sld [smem:$0x3FB7]  }
0x39: {  	_ = 	snop;
	(pc) =	sbr.ind lr, $3  }
0x3a: {  	_ = 	snop  }
0x3b: {  	_ = 	snop  }
0x3c: {  	p2 =	seq.s32 s10, $0x1;
	s10 =	sld [smem:$0x3FB6]  }
0x3d: {  	_ =	shalt  }
0x3e: {  	_ =	shalt  }
0x3f: {  	_ =	shalt  }
0x40: {  	_ =	shalt  }
0x41: {  	_ =	shalt  }
0x42: {  	_ =	shalt  }
0x43: {  	_ =	shalt  }
0x44: {  	_ =	shalt  }
0x45: {  	_ =	shalt  }
0x46: {  	_ =	shalt  }
0x47: {  	_ =	shalt  }
0x48: {  	_ =	shalt  }
0x49: {  	_ =	shalt  }
0x4a: {  	_ =	shalt  }
0x4b: {  	_ =	shalt  }
0x4c: {  	_ =	shalt  }
0x4d: {  	_ =	shalt  }
0x4e: {  	_ =	shalt  }
0x4f: {  	_ =	shalt  }
0x50: {  	_ =	shalt  }
0x51: {  	_ =	shalt  }
0x52: {  	_ =	shalt  }
0x53: {  	_ =	shalt  }
0x54: {  	_ =	shalt  }
0x55: {  	_ =	shalt  }
0x56: {  	_ =	shalt  }
0x57: {  	_ =	shalt  }
0x58: {  	_ =	shalt  }
0x59: {  	_ =	shalt  }
0x5a: {  	_ =	shalt  }
0x5b: {  	_ =	shalt  }
0x5c: {  	_ =	shalt  }
0x5d: {  	_ =	shalt  }
0x5e: {  	_ =	shalt  }
0x5f: {  	_ =	shalt  }
0x60: {  	_ =	shalt  }
0x61: {  	_ =	shalt  }
0x62: {  	_ =	shalt  }
0x63: {  	_ =	shalt  }
0x64: {  	_ =	shalt  }
0x65: {  	_ =	shalt  }
0x66: {  	_ =	shalt  }
0x67: {  	_ =	shalt  }
0x68: {  	_ =	shalt  }
0x69: {  	_ =	shalt  }
0x6a: {  	_ =	shalt  }
0x6b: {  	_ =	shalt  }
0x6c: {  	_ =	shalt  }
0x6d: {  	_ =	shalt  }
0x6e: {  	_ =	shalt  }
0x6f: {  	_ =	shalt  }
0x70: {  	_ =	shalt  }
0x71: {  	_ =	shalt  }
0x72: {  	_ =	shalt  }
0x73: {  	_ =	shalt  }
0x74: {  	_ =	shalt  }
0x75: {  	_ =	shalt  }
0x76: {  	_ =	shalt  }
0x77: {  	_ =	shalt  }
0x78: {  	_ =	shalt  }
0x79: {  	_ =	shalt  }
0x7a: {  	_ =	shalt  }
0x7b: {  	_ =	shalt  }
0x7c: {  	_ =	shalt  }
0x7d: {  	_ =	shalt  }
0x7e: {  	_ =	shalt  }
0x7f: {  	_ =	shalt  }
0x80: {  	_ =	shalt  }
0x81: {  	_ =	shalt  }
0x82: {  	_ =	shalt  }
0x83: {  	_ =	shalt  }
0x84: {  	_ =	shalt  }
0x85: {  	_ =	shalt  }
0x86: {  	_ =	shalt  }
0x87: {  	_ =	shalt  }
.Lfunc_end0:
.L_simem_size_0:
called_computation_lowered:
.L_overlay_start_0:
0x88: {  	s2 =	sld [smem:$0x3FD9]  }
0x89: {  	s3 =	sld [smem:$0x3FFE];
	_ =	sdelay $0x1  }
0x8a: {  	s1 =	srdreg.scid  }
0x8b: {  	s0 =	sand.u32 $0x1, s1  }
0x8c: {  	s16 =	sshll.u32 s0, $0xA;
	s2 =	sadd.s32 s3, s2  }
0x8d: {  	s2 =	sadd.s32 s2, s16  }
0x8e: {  	[smem:$0x3FC2] =	sst s2  }
0x8f: {  	_ = 	snop  }
0x90: {  	(tm) =	ssettm $0x1  }
0x91: {  	s17 =	sld [smem:$0x3FFB];
	_ =	sdelay $0x3  }
0x92: {  	_ =	strace s17  }
0x93: {  	s2 =	sld [smem:$0x3FFC];
	_ =	sdelay $0x3  }
0x94: {  	_ =	strace s2  }
0x95: {  	s2 =	sld [smem:$0x3FFD];
	_ =	sdelay $0x3  }
0x96: {  	_ =	strace s2  }
0x97: {  	_ =	strace $0x8FFFFFFF  }
0x98: {  	s18 =	sld [smem:$0x3FDB];
	_ =	sdelay $0x1  }
0x99: {  	s19 =	simm.s32 $_scs_section_size  }
0x9a: {  	s4 =	simm.s32 $_size__tile_overlayer_lowered;
	s5 =	simm.s32 $_tile_overlayer_lowered  }
0x9b: {  	s22 =	simm.s32 $0x1BFF;
	s21 =	sshll.u32 s5, $0x1;
	s2 =	sadd.s32 s19, s18  }
0x9c: {  	s6 =	simm.s32 $0x0;
	s20 =	sshll.u32 s4, $0x1;
	s4 =	sadd.s32 s21, s2  }
0x9d: {  	[timem:s6], [sflag:s22] =	dma.local [hbm:s4], s20  }
0x9e: {  	_ =	swait.ge [sflag:s22], s20  }
0x9f: {  	s3 =	ssub.s32 $0x0, s20;
	[sflag:s22] =	ssyncset.done $0x0  }
0xa0: {  	[sflag:s22] =	ssyncadd.s32 s3;
	_ =	sdelay $0x1  }
0xa1: {  	s23 =	simm.s32 $0x1B8B  }
0xa2: {  	_ =	swait.ge [sflag:s23], $0x1  }
0xa3: {  	[sflag:s23] =	ssyncset.done $0x0  }
0xa4: {  	s25 =	simm.s32 $0x1B8E;
	s24 =	sld [smem:$0x3FFE];
	[sflag:s23] =	ssyncadd.s32 $0xFFFFFFFF  }
0xa5: {  	s26 =	simm.s32 $execute0_lowered;
	[smem:$0x3FD2] =	sst s25  }
0xa6: {  	s4 =	sshll.u32 s26, $0x1;
	_ =	strace $0x80000046;
	[dreg:$0x1] =	wrdreg $0xFFFFFFFF  }
0xa7: {  	s28 =	simm.s32 $_size_execute0_lowered;
	s2 =	sadd.s32 s2, s4;
	[dreg:$0x0] =	wrdreg $0x0  }
0xa8: {  	s4 =	sshll.u32 s28, $0x1;
	[dreg:$0x2] =	wrdreg s2  }
0xa9: {  	[dreg:$0x3] =	wrdreg s4  }
0xaa: {  	[dreg:$0x4] =	wrdreg $0xC0  }
0xab: {  	_ =	task [dreg:s6], $0x5FFFF  }
0xac: {  	[dreg:$0x1] =	wrdreg $0xFFFFFFFF  }
0xad: {  	[dreg:$0x0] =	wrdreg $0x60  }
0xae: {  	[dreg:$0x2] =	wrdreg s24  }
0xaf: {  	[dreg:$0x3] =	wrdreg $0x9  }
0xb0: {  	_ =	task.clear_ibuf [dreg:s6], $0x4FFFF;
	_ =	strace $0x90000046  }
0xb1: {  	s29 =	simm.s32 $0x9;
	_ =	strace $0x80000048  }
0xb2: {  	_ =	swait.ge [sflag:s29], $0x1  }
0xb3: {  	[sflag:s29] =	ssyncadd.s32 $0xFFFFFFFF  }
0xb4: {  	_ =	strace $0x90000048  }
0xb5: {  	_ =	sfence  }
0xb6: {  	s30 =	sld [smem:$0x0];
	_ =	sdelay $0x2  }
0xb7: {  	s31 =	sshll.u32 s1, $0xD;
	s1 =	sshrl.u32 s1, $0x2  }
0xb8: {  	s3 =	sand.u32 $0x4000, s31;
	s1 =	sadd.s32 s1, s30  }
0xb9: {  	s0 =	sor.u32 s3, s0;
	s1 =	sshll.u32 s1, $0x11  }
0xba: {  	s0 =	sor.u32 s1, s0  }
0xbb: {  	s0 =	sadd.s32 $0x8F2B, s0  }
0xbc: {  	[sflag:s0] =	ssyncadd.remote.s32 $0x1  }
0xbd: {  	_ =	sfence.sel $0xFFFF  }
0xbe: {  	[dreg:$0x0] =	wrdreg $0xFFFFFFFF;
	(pc) =	sbr.abs _section_cstart, $3  }
0xbf: {  	[dreg:$0x1] =	wrdreg $0xFFFFFFFF  }
0xc0: {  	_ =	task.clear_ibuf [dreg:s6], $0x2FFFF;
	_ =	strace $0x9FFFFFFF  }
0xc1: {  	(tm) =	ssettm $0x7FFFFFFF  }
tec
execute0_lowered:
.L_overlay_start_1:
0x0: {  	(tag) =	ssettag $0x1  }
0x1: {  	s0 =	rddreg [dreg:$0x0]  }
0x2: {  	s2 =	srdreg.scid;
	s1 =	stileid.u32;
	s14 =	simm.s32 $0x1800  }
0x3: {  	s15 =	simm.s32 $0x2000;
	s16 =	simm.s32 $0x2800;
	s17 =	simm.s32 $0x3000  }
0x4: {  	s18 =	simm.s32 $0x3800;
	s4 =	sand.u32 $0x1, s2;
	s2 =	simm.s32 $0x0  }
0x5: {  	s19 =	simm.s32 $0x4000;
	s20 =	simm.s32 $0x4800;
	[smem:$0x7FF] =	sst s2  }
0x6: {  	s22 =	simm.s32 $0x5000;
	_ =	strace $0x80000047;
	[dreg:$0x3] =	wrdreg s14  }
0x7: {  	s23 =	simm.s32 $0x5800;
	s25 =	simm.s32 $0x6000;
	[dreg:$0x4] =	wrdreg s15  }
0x8: {  	s26 =	simm.s32 $0x6800;
	s31 =	simm.s32 $0x7000;
	[dreg:$0x5] =	wrdreg s16  }
0x9: {  	s7 =	simm.s32 $0x1000;
	s8 =	simm.s32 $0x7800;
	[dreg:$0x6] =	wrdreg s17  }
0xa: {  	s9 =	simm.s32 $0x8000;
	s10 =	simm.s32 $0x8800;
	[dreg:$0x7] =	wrdreg s18  }
0xb: {  	s11 =	simm.s32 $0x9000;
	s12 =	simm.s32 $0x9800;
	[dreg:$0x8] =	wrdreg s19  }
0xc: {  	s28 =	simm.s32 $0x1;
	s29 =	simm.s32 $0x2;
	[dreg:$0x9] =	wrdreg s20  }
0xd: {  	s30 =	simm.s32 $0x0;
	s3 =	sshll.u32 s1, $0x12;
	[dreg:$0xa] =	wrdreg s22  }
0xe: {  	s13 =	sshll.u32 s1, $0xD;
	s3 =	sadd.s32 s3, s0;
	[dreg:$0xb] =	wrdreg s23  }
0xf: {  	s5 =	sshll.u32 s4, $0x11;
	s6 =	sshll.u32 s4, $0xC;
	[dreg:$0xc] =	wrdreg s25  }
0x10: {  	s4 =	ssub.s32 $0x2, s4;
	s3 =	sadd.s32 s5, s3;
	[dreg:$0xd] =	wrdreg s26  }
0x11: {  	s5 =	sor.u32 s6, s13;
	s21 =	sshrl.u32 s4, $0x1;
	[dreg:$0xe] =	wrdreg s31  }
0x12: {  	s13 =	simm.s32 $0xA000;
	s14 =	simm.s32 $0xA800;
	s15 =	simm.s32 $0xB000  }
0x13: {  	s16 =	simm.s32 $0xB800;
	s17 =	simm.s32 $0xC000;
	s18 =	simm.s32 $0xC800  }
0x14: {  	s19 =	simm.s32 $0xD000;
	s20 =	simm.s32 $0xD800;
	s22 =	simm.s32 $0xE800  }
0x15: {  	s23 =	simm.s32 $0xF000;
	s25 =	simm.s32 $0x10000;
	s26 =	simm.s32 $0x10800  }
0x16: {  	s3 =	sadd.s32 $0x96600, s3;
	s5 =	sshrl.u32 s5, $0x3;
	s6 =	ssub.s32 s4, s21  }
0x17: {  	v2 =	vlaneseq.u32;
	s21 =	simm.s32 $0xE000;
	[dreg:$0x2] =	wrdreg s3;
	s5 =	sadd.s32 s5, s0  }
0x18: {  	vm0 =	vmmov $0xffff;
	v1 =	vshrl.u32 v2, $0x3;
	s3 =	sadd.s32 $0x16600, s0;
	s24 =	sadd.s32 $0x12600, s5;
	s5 =	smax.u32 s6, $0x1  }
0x19: {  	v0 =	vand.u32 $0x7, v2;
	v2 =	vor.u32 $0x8, v2;
	v1 =	vmul.u32 $0x8, v1;
	s6 =	simm.s32 $0x3;
	[dreg:$0xf] =	wrdreg s24;
	s24 =	simm.s32 $0xF800  }
.LBB2_1:
0x1a: {  	s0 =	rddreg [dreg:$0xf]  }
0x1b: {  	[tilespmem:s2], [sflag:$0x3] =	stream.linear.gather [hbm4b:s0+s2], $0x1000, $0x38;
	[tilespmem:$0x11000] =	vst v63  }
0x1c: {  	_ =	swait.ge [sflag:s6], $0x1000  }
0x1d: {  	[sflag:s6] =	ssyncset.done $0x0  }
0x1e: {  	s31 =	simm.s32 $0x80;
	s0 =	simm.s32 $0x0;
	[sflag:s6] =	ssyncadd.s32 $0xFFFFF000  }
.LBB2_2:
0x1f: {  	v3 =	vld [tilespmem:s31+$0xFFFFFF80];
	_ =	sdelay $0x4  }
0x20: {  	v4 =	vshll.u32 v3, $0x1  }
0x21: {  	v3 =	vand.u32 $0x7, v3;
	v4 =	vand.u32 $0xFFFFFFF0, v4  }
0x22: {  	v3 =	vor.u32 v3, v4  }
0x23: {  	v4 =	vperm.xlane v3, v0;
	_ =	sdelay $0x1  }
0x24: {  	v3 =	vperm.xlane v3, v2;
	v4 =	vadd.s32 v1, v4;
	_ =	sdelay $0x1  }
0x25: {  	v3 =	vadd.s32 v1, v3;
	_ =	sdelay $0x2  }
0x26: {  	[tilespmem:s7], [sflag:$0x1] =	stream.indirect_vreg.gather [hbm4b:s3+s2], $0x80, v4, vm0, $0xb8;
	[tilespmem:$0x11000] =	vst v63  }
0x27: {  	s1 =	rddreg [dreg:$0x3]  }
0x28: {  	[tilespmem:s1], [sflag:$0x1] =	stream.indirect_vreg.gather [hbm4b:s3+s2], $0x80, v3, vm0, $0xb8;
	[tilespmem:$0x11000] =	vst v63  }
0x29: {  	v3 =	vld [tilespmem:s31+$0xFFFFFF90];
	_ =	sdelay $0x4  }
0x2a: {  	v49 =	vshll.u32 v3, $0x1  }
0x2b: {  	v3 =	vand.u32 $0x7, v3;
	v4 =	vand.u32 $0xFFFFFFF0, v49  }
0x2c: {  	v3 =	vor.u32 v3, v4  }
0x2d: {  	v4 =	vperm.xlane v3, v0;
	_ =	sdelay $0x1  }
0x2e: {  	v3 =	vperm.xlane v3, v2;
	v4 =	vadd.s32 v1, v4;
	_ =	sdelay $0x1  }
0x2f: {  	v3 =	vadd.s32 v1, v3;
	_ =	sdelay $0x1  }
0x30: {  	s1 =	rddreg [dreg:$0x4]  }
0x31: {  	[tilespmem:s1], [sflag:$0x1] =	stream.indirect_vreg.gather [hbm4b:s3+s2], $0x80, v4, vm0, $0xb8;
	[tilespmem:$0x11000] =	vst v63  }
0x32: {  	s4 =	rddreg [dreg:$0x5]  }
0x33: {  	[tilespmem:s4], [sflag:$0x1] =	stream.indirect_vreg.gather [hbm4b:s3+s2], $0x80, v3, vm0, $0xb8;
	[tilespmem:$0x11000] =	vst v63  }
0x34: {  	v3 =	vld [tilespmem:s31+$0xFFFFFFA0];
	_ =	sdelay $0x4  }
0x35: {  	v50 =	vshll.u32 v3, $0x1  }
0x36: {  	v3 =	vand.u32 $0x7, v3;
	v4 =	vand.u32 $0xFFFFFFF0, v50  }
0x37: {  	v3 =	vor.u32 v3, v4  }
0x38: {  	v4 =	vperm.xlane v3, v0;
	_ =	sdelay $0x1  }
0x39: {  	v3 =	vperm.xlane v3, v2;
	v4 =	vadd.s32 v1, v4;
	_ =	sdelay $0x1  }
0x3a: {  	v3 =	vadd.s32 v1, v3;
	_ =	sdelay $0x1  }
0x3b: {  	s1 =	rddreg [dreg:$0x6]  }
0x3c: {  	[tilespmem:s1], [sflag:$0x1] =	stream.indirect_vreg.gather [hbm4b:s3+s2], $0x80, v4, vm0, $0xb8;
	[tilespmem:$0x11000] =	vst v63  }
0x3d: {  	s4 =	rddreg [dreg:$0x7]  }
0x3e: {  	[tilespmem:s4], [sflag:$0x1] =	stream.indirect_vreg.gather [hbm4b:s3+s2], $0x80, v3, vm0, $0xb8;
	[tilespmem:$0x11000] =	vst v63  }
0x3f: {  	v3 =	vld [tilespmem:s31+$0xFFFFFFB0];
	_ =	sdelay $0x4  }
0x40: {  	v51 =	vshll.u32 v3, $0x1  }
0x41: {  	v3 =	vand.u32 $0x7, v3;
	v4 =	vand.u32 $0xFFFFFFF0, v51  }
0x42: {  	v3 =	vor.u32 v3, v4  }
0x43: {  	v4 =	vperm.xlane v3, v0;
	_ =	sdelay $0x1  }
0x44: {  	v3 =	vperm.xlane v3, v2;
	v4 =	vadd.s32 v1, v4;
	_ =	sdelay $0x1  }
0x45: {  	v3 =	vadd.s32 v1, v3;
	_ =	sdelay $0x1  }
0x46: {  	s1 =	rddreg [dreg:$0x8]  }
0x47: {  	[tilespmem:s1], [sflag:$0x1] =	stream.indirect_vreg.gather [hbm4b:s3+s2], $0x80, v4, vm0, $0xb8;
	[tilespmem:$0x11000] =	vst v63  }
0x48: {  	s4 =	rddreg [dreg:$0x9]  }
0x49: {  	[tilespmem:s4], [sflag:$0x1] =	stream.indirect_vreg.gather [hbm4b:s3+s2], $0x80, v3, vm0, $0xb8;
	[tilespmem:$0x11000] =	vst v63  }
0x4a: {  	v3 =	vld [tilespmem:s31+$0xFFFFFFC0];
	_ =	sdelay $0x4  }
0x4b: {  	v52 =	vshll.u32 v3, $0x1  }
0x4c: {  	v3 =	vand.u32 $0x7, v3;
	v4 =	vand.u32 $0xFFFFFFF0, v52  }
0x4d: {  	v3 =	vor.u32 v3, v4  }
0x4e: {  	v4 =	vperm.xlane v3, v0;
	_ =	sdelay $0x1  }
0x4f: {  	v3 =	vperm.xlane v3, v2;
	v4 =	vadd.s32 v1, v4;
	_ =	sdelay $0x1  }
0x50: {  	v3 =	vadd.s32 v1, v3;
	_ =	sdelay $0x1  }
0x51: {  	s1 =	rddreg [dreg:$0xa]  }
0x52: {  	[tilespmem:s1], [sflag:$0x1] =	stream.indirect_vreg.gather [hbm4b:s3+s2], $0x80, v4, vm0, $0xb8;
	[tilespmem:$0x11000] =	vst v63  }
0x53: {  	s4 =	rddreg [dreg:$0xb]  }
0x54: {  	[tilespmem:s4], [sflag:$0x1] =	stream.indirect_vreg.gather [hbm4b:s3+s2], $0x80, v3, vm0, $0xb8;
	[tilespmem:$0x11000] =	vst v63  }
0x55: {  	v3 =	vld [tilespmem:s31+$0xFFFFFFD0];
	_ =	sdelay $0x4  }
0x56: {  	v53 =	vshll.u32 v3, $0x1  }
0x57: {  	v3 =	vand.u32 $0x7, v3;
	v4 =	vand.u32 $0xFFFFFFF0, v53  }
0x58: {  	v3 =	vor.u32 v3, v4  }
0x59: {  	v4 =	vperm.xlane v3, v0;
	_ =	sdelay $0x1  }
0x5a: {  	v3 =	vperm.xlane v3, v2;
	v4 =	vadd.s32 v1, v4;
	_ =	sdelay $0x1  }
0x5b: {  	v3 =	vadd.s32 v1, v3;
	_ =	sdelay $0x1  }
0x5c: {  	s1 =	rddreg [dreg:$0xc]  }
0x5d: {  	[tilespmem:s1], [sflag:$0x1] =	stream.indirect_vreg.gather [hbm4b:s3+s2], $0x80, v4, vm0, $0xb8;
	[tilespmem:$0x11000] =	vst v63  }
0x5e: {  	s4 =	rddreg [dreg:$0xd]  }
0x5f: {  	[tilespmem:s4], [sflag:$0x1] =	stream.indirect_vreg.gather [hbm4b:s3+s2], $0x80, v3, vm0, $0xb8;
	[tilespmem:$0x11000] =	vst v63  }
0x60: {  	v3 =	vld [tilespmem:s31+$0xFFFFFFE0];
	_ =	sdelay $0x4  }
0x61: {  	v54 =	vshll.u32 v3, $0x1  }
0x62: {  	v3 =	vand.u32 $0x7, v3;
	v4 =	vand.u32 $0xFFFFFFF0, v54  }
0x63: {  	v3 =	vor.u32 v3, v4  }
0x64: {  	v4 =	vperm.xlane v3, v0;
	_ =	sdelay $0x1  }
0x65: {  	v3 =	vperm.xlane v3, v2;
	v4 =	vadd.s32 v1, v4;
	_ =	sdelay $0x1  }
0x66: {  	v3 =	vadd.s32 v1, v3;
	_ =	sdelay $0x1  }
0x67: {  	s4 =	rddreg [dreg:$0xe]  }
0x68: {  	[tilespmem:s4], [sflag:$0x1] =	stream.indirect_vreg.gather [hbm4b:s3+s2], $0x80, v4, vm0, $0xb8;
	[tilespmem:$0x11000] =	vst v63  }
0x69: {  	_ = 	snop  }
0x6a: {  	[tilespmem:s8], [sflag:$0x1] =	stream.indirect_vreg.gather [hbm4b:s3+s2], $0x80, v3, vm0, $0xb8;
	[tilespmem:$0x11000] =	vst v63  }
0x6b: {  	v3 =	vld [tilespmem:s31+$0xFFFFFFF0];
	_ =	sdelay $0x4  }
0x6c: {  	v55 =	vshll.u32 v3, $0x1  }
0x6d: {  	v3 =	vand.u32 $0x7, v3;
	v4 =	vand.u32 $0xFFFFFFF0, v55  }
0x6e: {  	v3 =	vor.u32 v3, v4  }
0x6f: {  	v4 =	vperm.xlane v3, v0;
	_ =	sdelay $0x1  }
0x70: {  	v3 =	vperm.xlane v3, v2;
	v4 =	vadd.s32 v1, v4;
	_ =	sdelay $0x1  }
0x71: {  	v3 =	vadd.s32 v1, v3;
	_ =	sdelay $0x2  }
0x72: {  	[tilespmem:s9], [sflag:$0x1] =	stream.indirect_vreg.gather [hbm4b:s3+s2], $0x80, v4, vm0, $0xb8;
	[tilespmem:$0x11000] =	vst v63  }
0x73: {  	_ = 	snop  }
0x74: {  	[tilespmem:s10], [sflag:$0x1] =	stream.indirect_vreg.gather [hbm4b:s3+s2], $0x80, v3, vm0, $0xb8;
	[tilespmem:$0x11000] =	vst v63  }
0x75: {  	v3 =	vld [tilespmem:s31+$0x0];
	_ =	sdelay $0x4  }
0x76: {  	v56 =	vshll.u32 v3, $0x1  }
0x77: {  	v3 =	vand.u32 $0x7, v3;
	v4 =	vand.u32 $0xFFFFFFF0, v56  }
0x78: {  	v3 =	vor.u32 v3, v4  }
0x79: {  	v4 =	vperm.xlane v3, v0;
	_ =	sdelay $0x1  }
0x7a: {  	v3 =	vperm.xlane v3, v2;
	v4 =	vadd.s32 v1, v4;
	_ =	sdelay $0x1  }
0x7b: {  	v3 =	vadd.s32 v1, v3;
	_ =	sdelay $0x2  }
0x7c: {  	[tilespmem:s11], [sflag:$0x2] =	stream.indirect_vreg.gather [hbm4b:s3+s2], $0x80, v4, vm0, $0xb8;
	[tilespmem:$0x11000] =	vst v63  }
0x7d: {  	_ = 	snop  }
0x7e: {  	[tilespmem:s12], [sflag:$0x2] =	stream.indirect_vreg.gather [hbm4b:s3+s2], $0x80, v3, vm0, $0xb8;
	[tilespmem:$0x11000] =	vst v63  }
0x7f: {  	v3 =	vld [tilespmem:s31+$0x10];
	_ =	sdelay $0x4  }
0x80: {  	v57 =	vshll.u32 v3, $0x1  }
0x81: {  	v3 =	vand.u32 $0x7, v3;
	v4 =	vand.u32 $0xFFFFFFF0, v57  }
0x82: {  	v3 =	vor.u32 v3, v4  }
0x83: {  	v4 =	vperm.xlane v3, v0;
	_ =	sdelay $0x1  }
0x84: {  	v3 =	vperm.xlane v3, v2;
	v4 =	vadd.s32 v1, v4;
	_ =	sdelay $0x1  }
0x85: {  	v3 =	vadd.s32 v1, v3;
	_ =	sdelay $0x2  }
0x86: {  	[tilespmem:s13], [sflag:$0x2] =	stream.indirect_vreg.gather [hbm4b:s3+s2], $0x80, v4, vm0, $0xb8;
	[tilespmem:$0x11000] =	vst v63  }
0x87: {  	_ = 	snop  }
0x88: {  	[tilespmem:s14], [sflag:$0x2] =	stream.indirect_vreg.gather [hbm4b:s3+s2], $0x80, v3, vm0, $0xb8;
	[tilespmem:$0x11000] =	vst v63  }
0x89: {  	v3 =	vld [tilespmem:s31+$0x20];
	_ =	sdelay $0x4  }
0x8a: {  	v58 =	vshll.u32 v3, $0x1  }
0x8b: {  	v3 =	vand.u32 $0x7, v3;
	v4 =	vand.u32 $0xFFFFFFF0, v58  }
0x8c: {  	v3 =	vor.u32 v3, v4  }
0x8d: {  	v4 =	vperm.xlane v3, v0;
	_ =	sdelay $0x1  }
0x8e: {  	v3 =	vperm.xlane v3, v2;
	v4 =	vadd.s32 v1, v4;
	_ =	sdelay $0x1  }
0x8f: {  	v3 =	vadd.s32 v1, v3;
	_ =	sdelay $0x2  }
0x90: {  	[tilespmem:s15], [sflag:$0x2] =	stream.indirect_vreg.gather [hbm4b:s3+s2], $0x80, v4, vm0, $0xb8;
	[tilespmem:$0x11000] =	vst v63  }
0x91: {  	_ = 	snop  }
0x92: {  	[tilespmem:s16], [sflag:$0x2] =	stream.indirect_vreg.gather [hbm4b:s3+s2], $0x80, v3, vm0, $0xb8;
	[tilespmem:$0x11000] =	vst v63  }
0x93: {  	v3 =	vld [tilespmem:s31+$0x30];
	_ =	sdelay $0x4  }
0x94: {  	v59 =	vshll.u32 v3, $0x1  }
0x95: {  	v3 =	vand.u32 $0x7, v3;
	v4 =	vand.u32 $0xFFFFFFF0, v59  }
0x96: {  	v3 =	vor.u32 v3, v4  }
0x97: {  	v4 =	vperm.xlane v3, v0;
	_ =	sdelay $0x1  }
0x98: {  	v3 =	vperm.xlane v3, v2;
	v4 =	vadd.s32 v1, v4;
	_ =	sdelay $0x1  }
0x99: {  	v3 =	vadd.s32 v1, v3;
	_ =	sdelay $0x2  }
0x9a: {  	[tilespmem:s17], [sflag:$0x2] =	stream.indirect_vreg.gather [hbm4b:s3+s2], $0x80, v4, vm0, $0xb8;
	[tilespmem:$0x11000] =	vst v63  }
0x9b: {  	_ = 	snop  }
0x9c: {  	[tilespmem:s18], [sflag:$0x2] =	stream.indirect_vreg.gather [hbm4b:s3+s2], $0x80, v3, vm0, $0xb8;
	[tilespmem:$0x11000] =	vst v63  }
0x9d: {  	v3 =	vld [tilespmem:s31+$0x40];
	_ =	sdelay $0x4  }
0x9e: {  	v60 =	vshll.u32 v3, $0x1  }
0x9f: {  	v3 =	vand.u32 $0x7, v3;
	v4 =	vand.u32 $0xFFFFFFF0, v60  }
0xa0: {  	v3 =	vor.u32 v3, v4  }
0xa1: {  	v4 =	vperm.xlane v3, v0;
	_ =	sdelay $0x1  }
0xa2: {  	v3 =	vperm.xlane v3, v2;
	v4 =	vadd.s32 v1, v4;
	_ =	sdelay $0x1  }
0xa3: {  	v3 =	vadd.s32 v1, v3;
	_ =	sdelay $0x2  }
0xa4: {  	[tilespmem:s19], [sflag:$0x2] =	stream.indirect_vreg.gather [hbm4b:s3+s2], $0x80, v4, vm0, $0xb8;
	[tilespmem:$0x11000] =	vst v63  }
0xa5: {  	_ = 	snop  }
0xa6: {  	[tilespmem:s20], [sflag:$0x2] =	stream.indirect_vreg.gather [hbm4b:s3+s2], $0x80, v3, vm0, $0xb8;
	[tilespmem:$0x11000] =	vst v63  }
0xa7: {  	v3 =	vld [tilespmem:s31+$0x50];
	_ =	sdelay $0x4  }
0xa8: {  	v61 =	vshll.u32 v3, $0x1  }
0xa9: {  	v3 =	vand.u32 $0x7, v3;
	v4 =	vand.u32 $0xFFFFFFF0, v61  }
0xaa: {  	v3 =	vor.u32 v3, v4  }
0xab: {  	v4 =	vperm.xlane v3, v0;
	_ =	sdelay $0x1  }
0xac: {  	v3 =	vperm.xlane v3, v2;
	v4 =	vadd.s32 v1, v4;
	_ =	sdelay $0x1  }
0xad: {  	v3 =	vadd.s32 v1, v3;
	_ =	sdelay $0x2  }
0xae: {  	[tilespmem:s21], [sflag:$0x2] =	stream.indirect_vreg.gather [hbm4b:s3+s2], $0x80, v4, vm0, $0xb8;
	[tilespmem:$0x11000] =	vst v63  }
0xaf: {  	_ = 	snop  }
0xb0: {  	[tilespmem:s22], [sflag:$0x2] =	stream.indirect_vreg.gather [hbm4b:s3+s2], $0x80, v3, vm0, $0xb8;
	[tilespmem:$0x11000] =	vst v63  }
0xb1: {  	v3 =	vld [tilespmem:s31+$0x60];
	_ =	sdelay $0x4  }
0xb2: {  	v62 =	vshll.u32 v3, $0x1  }
0xb3: {  	v3 =	vand.u32 $0x7, v3;
	v4 =	vand.u32 $0xFFFFFFF0, v62  }
0xb4: {  	v3 =	vor.u32 v3, v4  }
0xb5: {  	v4 =	vperm.xlane v3, v0;
	_ =	sdelay $0x1  }
0xb6: {  	v3 =	vperm.xlane v3, v2;
	v4 =	vadd.s32 v1, v4;
	_ =	sdelay $0x1  }
0xb7: {  	v3 =	vadd.s32 v1, v3;
	_ =	sdelay $0x2  }
0xb8: {  	[tilespmem:s23], [sflag:$0x2] =	stream.indirect_vreg.gather [hbm4b:s3+s2], $0x80, v4, vm0, $0xb8;
	[tilespmem:$0x11000] =	vst v63  }
0xb9: {  	_ = 	snop  }
0xba: {  	[tilespmem:s24], [sflag:$0x2] =	stream.indirect_vreg.gather [hbm4b:s3+s2], $0x80, v3, vm0, $0xb8;
	[tilespmem:$0x11000] =	vst v63  }
0xbb: {  	v3 =	vld [tilespmem:s31+$0x70];
	_ =	sdelay $0x4  }
0xbc: {  	v63 =	vshll.u32 v3, $0x1  }
0xbd: {  	v3 =	vand.u32 $0x7, v3;
	v4 =	vand.u32 $0xFFFFFFF0, v63  }
0xbe: {  	v3 =	vor.u32 v3, v4  }
0xbf: {  	v4 =	vperm.xlane v3, v0;
	_ =	sdelay $0x1  }
0xc0: {  	v3 =	vperm.xlane v3, v2;
	v4 =	vadd.s32 v1, v4;
	_ =	sdelay $0x1  }
0xc1: {  	v3 =	vadd.s32 v1, v3;
	_ =	sdelay $0x2  }
0xc2: {  	[tilespmem:s25], [sflag:$0x2] =	stream.indirect_vreg.gather [hbm4b:s3+s2], $0x80, v4, vm0, $0xb8;
	[tilespmem:$0x11000] =	vst v63  }
0xc3: {  	_ = 	snop  }
0xc4: {  	[tilespmem:s26], [sflag:$0x2] =	stream.indirect_vreg.gather [hbm4b:s3+s2], $0x80, v3, vm0, $0xb8;
	[tilespmem:$0x11000] =	vst v63  }
0xc5: {  	_ =	swait.ge [sflag:s28], $0x8000  }
0xc6: {  	s4 =	rddreg [dreg:$0x2];
	[sflag:s28] =	ssyncset.done $0x0  }
0xc7: {  	[sflag:s28] =	ssyncadd.s32 $0xFFFF8000;
	s1 =	sadd.s32 s0, s4  }
0xc8: {  	[hbm4b:s1+s2] =	stream.linear.scatter [tilespmem:s7], [sflag:$0x3], $0x8000, $0x38;
	[tilespmem:$0x11000] =	vst v63  }
0xc9: {  	_ =	swait.ge [sflag:s6], $0x8000  }
0xca: {  	[sflag:s6] =	ssyncset.done $0x0  }
0xcb: {  	[sflag:s6] =	ssyncadd.s32 $0xFFFF8000  }
0xcc: {  	_ =	swait.ge [sflag:s29], $0x8000  }
0xcd: {  	p0 =	sne.s32 s0, $0x1E000;
	[sflag:s29] =	ssyncset.done $0x0  }
.Ltmp0:
0xce: {  	s1 =	sadd.s32 $0x1000, s1;
	[sflag:s29] =	ssyncadd.s32 $0xFFFF8000;
	(pc) =	sbr.rel @p0 .LBB2_2-.Ltmp0, $4  }
0xcf: {  	[hbm4b:s1+s2] =	stream.linear.scatter [tilespmem:s11], [sflag:$0x3], $0x8000, $0x38;
	[tilespmem:$0x11000] =	vst v63  }
0xd0: {  	_ =	swait.ge [sflag:s6], $0x8000  }
0xd1: {  	[sflag:s6] =	ssyncset.done $0x0  }
0xd2: {  	s31 =	sadd.s32 $0x100, s31;
	s0 =	sadd.s32 $0x2000, s0;
	[sflag:s6] =	ssyncadd.s32 $0xFFFF8000  }
0xd3: {  	s30 =	sadd.s32 $0x1, s30  }
0xd4: {  	p0 =	sne.s32 s30, s5  }
.Ltmp1:
0xd5: {  	_ = 	snop;
	(pc) =	sbr.rel @p0 .LBB2_1-.Ltmp1, $1  }
0xd6: {  	_ =	sdelay $0x3  }
0xd7: {  	_ =	sfence.sel $0x180000  }
0xd8: {  	[bflag:$0x0] =	sbarrier.arrive $0xFFFF  }
0xd9: {  	_ =	strace $0x90000047  }
0xda: {  	s0 =	stileid.u32;
	[bflag:$0x2] =	sbarrier.arrive $0xFFFF  }
0xdb: {  	p0 =	sne.s32 s0, $0x0;
	s0 =	rddreg [dreg:$0x1]  }
0xdc: {  	s0 =	sadd.s32 @!p0 $0x100000, s0  }
0xdd: {  	[sflag:s0] =	ssyncadd.tile.s32 @!p0 $0x1;
	_ =	shalt  }
.Lfunc_end2:
_tile_overlayer_lowered:
.L_overlay_start_2:
0xde: {  	(tag) =	ssettag $0x2  }
0xdf: {  	s0 =	rddreg [dreg:$0x0];
	s2 =	stileid.u32  }
0xe0: {  	s1 =	rddreg [dreg:$0x1];
	p0 =	sne.s32 s2, $0x0  }
0xe1: {  	s3 =	rddreg [dreg:$0x2];
	[bflag:$0x3] =	sbarrier.arrive $0xFFFF;
	s2 =	simm.s32 @!p0 $0x1C03  }
0xe2: {  	[timem:s3], [sflag:s2] =	dma.local @!p0 [hbm:s0], s1  }
0xe3: {  	s0 =	simm.s32 @!p0 $0x3  }
0xe4: {  	_ =	swait.ge @!p0 [sflag:s0], s1  }
0xe5: {  	s1 =	ssub.s32 @!p0 $0x0, s1;
	[sflag:s0] =	ssyncset.done @!p0 $0x0  }
0xe6: {  	[sflag:s0] =	ssyncadd.s32 @!p0 s1  }
0xe7: {  	[bflag:$0x3] =	sbarrier.arrive $0xFFFF  }
0xe8: {  	_ =	shalt  }

</sc_bundles>
